<compile_context>
chip_gen: v7x
topology: tpu7x:2x2x1
jax: 0.10.2.dev20260603
libtpu: 0.0.44.dev20260713+nightly
codegen_flags: <defaults>
</compile_context>

<pallas_src>
import functools
import math

import jax
import jax.numpy as jnp
from jax import lax
from jax.experimental import pallas as pl
from jax.experimental.pallas import tpu as pltpu
from jax.experimental.pallas import tpu_sc as plsc

VOCAB = 32000
SMOOTH = 0.1
CONF = 1.0 - SMOOTH
SV = SMOOTH / (VOCAB - 2 + 1e-06)
LOG_SV = math.log(SV)
LOG_CONF = math.log(CONF)
ENT_BASE = (VOCAB - 2) * SV * LOG_SV
ENT_DELTA = CONF * LOG_CONF - SV * LOG_SV

ROWS = 4096
SC_ROWS = 2048
RB = 1024
VB = 3200

NC, NS, LANES = 2, 16, 16
NW = NC * NS
TILE_ROW_WORDS = 250 * 1024


CW = 6400
NQ = VOCAB // CW


def _sc_part_body(x_hbm, tgt_hbm, out_hbm, tgt_v, buf, res_v, *, g):
    wid = lax.axis_index("s") * NC + lax.axis_index("c")
    row0 = wid * g
    pltpu.sync_copy(tgt_hbm.at[pl.ds(row0, g)], tgt_v)

    iota = lax.broadcasted_iota(jnp.int32, (LANES,), 0)
    tgrps, trows, tqs, tcols, tmasks = [], [], [], [], []
    for v in range(g // LANES):
        t16 = tgt_v[pl.ds(v * LANES, LANES)]
        lr = v * LANES + iota
        tq = t16 // CW
        tgrps.append(jnp.right_shift(lr, 3))
        trows.append(jnp.bitwise_and(lr, 7))
        tqs.append(tq)
        tcols.append(t16 - tq * CW)
        tmasks.append(t16 >= 2)
    zeros16 = jnp.zeros((LANES,), jnp.int32)
    ones16 = zeros16 + 1

    def grp_body(tr8, carry):
        def q_body(q, carry):
            accs, xt_acc, edge_acc = carry
            pltpu.sync_copy(
                x_hbm.at[pl.ds(row0 + tr8 * 8, 8), pl.ds(q * CW, CW)], buf)

            for rr in range(8):
                def step(s, accs, rr=rr):
                    base = s * 256
                    return tuple(
                        accs[u] + buf[rr, pl.ds(base + u * LANES, LANES)]
                        for u in range(16)
                    )
                accs = lax.fori_loop(0, CW // 256, step, accs)

            for v in range(g // LANES):
                m = (tgrps[v] == tr8) & (tqs[v] == q) & tmasks[v]
                gval = plsc.load_gather(buf, [trows[v], tcols[v]], mask=m)
                xt_acc = xt_acc + jnp.where(m, gval, 0.0)
                me = (tgrps[v] == tr8) & (q == 0)
                ev0 = plsc.load_gather(buf, [trows[v], zeros16], mask=me)
                ev1 = plsc.load_gather(buf, [trows[v], ones16], mask=me)
                edge_acc = edge_acc + jnp.where(me, ev0 + ev1, 0.0)
            return accs, xt_acc, edge_acc

        return lax.fori_loop(0, NQ, q_body, carry)

    zero = jnp.zeros((LANES,), jnp.float32)
    accs, xt_acc, edge_acc = lax.fori_loop(
        0, g // 8, grp_body, ((zero,) * 16, zero, zero))
    total = functools.reduce(lambda a, b: a + b, accs)

    res_v[...] = total
    pltpu.sync_copy(res_v, out_hbm.at[pl.ds(wid * LANES, LANES)])
    res_v[...] = xt_acc
    pltpu.sync_copy(res_v, out_hbm.at[pl.ds(NW * LANES + wid * LANES, LANES)])
    res_v[...] = edge_acc
    pltpu.sync_copy(res_v, out_hbm.at[pl.ds(2 * NW * LANES + wid * LANES, LANES)])


def _sc_part(x2d, tgt1d):
    g = SC_ROWS // NW
    mesh = plsc.VectorSubcoreMesh(core_axis_name="c", subcore_axis_name="s")
    return pl.kernel(
        functools.partial(_sc_part_body, g=g),
        out_type=jax.ShapeDtypeStruct((3 * NW * LANES,), jnp.float32),
        mesh=mesh,
        scratch_types=[
            pltpu.VMEM((SC_ROWS // NW,), jnp.int32),
            pltpu.VMEM((8, CW), jnp.float32),
            pltpu.VMEM((LANES,), jnp.float32),
        ],
        compiler_params=pltpu.CompilerParams(needs_layout_passes=False),
    )(x2d, tgt1d)


def _tc_body(x_ref, tgt_ref, out_ref):
    i = pl.program_id(0)
    j = pl.program_id(1)
    nr = pl.num_programs(0)
    nv = pl.num_programs(1)

    @pl.when((i == 0) & (j == 0))
    def _init():
        out_ref[...] = jnp.zeros_like(out_ref)

    blk = x_ref[...]
    tgt = tgt_ref[0, pl.ds(SC_ROWS + i * RB, RB)]
    tloc = (tgt - j * VB)[:, None]
    scale = jnp.where(tgt[:, None] >= 2, CONF / SV, 1.0)
    cols = jax.lax.broadcasted_iota(jnp.int32, (RB, VB), 1)
    val = jnp.where(cols == tloc, blk * scale, blk)
    acc = -SV * jnp.sum(val)

    @pl.when(j == 0)
    def _edge():
        out_ref[...] = out_ref[...] + SV * jnp.sum(blk[:, 0] + blk[:, 1])

    @pl.when((i == nr - 1) & (j == nv - 1))
    def _entropy():
        t_all = tgt_ref[0, :]
        cnt = jnp.sum(jnp.where(t_all >= 2, 1.0, 0.0))
        out_ref[...] = out_ref[...] + (t_all.shape[0] * ENT_BASE + cnt * ENT_DELTA)

    out_ref[...] = out_ref[...] + acc


def _tc_call(x2d, tgt2d):
    skip = SC_ROWS // RB
    nr = (ROWS - SC_ROWS) // RB
    nv = VOCAB // VB
    return pl.pallas_call(
        _tc_body,
        grid=(nr, nv),
        in_specs=[
            pl.BlockSpec((RB, VB), lambda i, j: (i + skip, j)),
            pl.BlockSpec((1, ROWS), lambda i, j: (0, 0)),
        ],
        out_specs=pl.BlockSpec((1, 1), lambda i, j: (0, 0)),
        out_shape=jax.ShapeDtypeStruct((1, 1), jnp.float32),
    )(x2d, tgt2d)


def _combine_body(tc_ref, sc_ref, out_ref):
    n = NW * LANES
    s = jnp.sum(sc_ref[0, pl.ds(0, n)])
    xt = jnp.sum(sc_ref[0, pl.ds(n, n)])
    ed = jnp.sum(sc_ref[0, pl.ds(2 * n, n)])
    out_ref[...] = tc_ref[...] - SV * s - (CONF - SV) * xt + SV * ed


def _combine(tc_part, sc_parts):
    n = sc_parts.shape[0]
    out = pl.pallas_call(
        _combine_body,
        in_specs=[
            pl.BlockSpec((1, 1), lambda: (0, 0)),
            pl.BlockSpec((1, n), lambda: (0, 0)),
        ],
        out_specs=pl.BlockSpec((1, 1), lambda: (0, 0)),
        out_shape=jax.ShapeDtypeStruct((1, 1), jnp.float32),
    )(tc_part, sc_parts.reshape(1, n))
    return out[0, 0]


def kernel(x, target):
    x2d = x.reshape(ROWS, VOCAB)
    tgt1d = target.reshape(ROWS)
    sc_parts = _sc_part(x2d, tgt1d)
    tc_part = _tc_call(x2d, tgt1d.reshape(1, ROWS))
    return _combine(tc_part, sc_parts)

# --- scband reference (transcript-rebuilt; emitter-appended) ---
"""Pipeline reference for scband-label-smoothing-loss-53979148976142 (READ-ONLY COPY).

The authoritative reference and input builder live on the scoring server;
editing this copy changes nothing except your own understanding.
"""

import jax, jax.numpy as jnp
import numpy as np
from jax.scipy.special import xlogy

SIZE = 32000
PADDING_IDX = 0
UNK_IDX = 1
SMOOTHING = 0.1
CONFIDENCE = 1.0 - SMOOTHING
B, S = 2, 2048


def setup_inputs(seed: int = 0) -> dict:
    key = jax.random.key(seed)
    k1, k2 = jax.random.split(key)
    x = jax.random.normal(k1, (B, S, SIZE), dtype=jnp.float32)
    # int32 used on the jax side (x64 not enabled by default); values in [0, SIZE)
    target = jax.random.randint(k2, (B, S), 0, SIZE, dtype=jnp.int32)
    return {"x": x, "target": target}


def reference(x, target):
    # Faithful translation of LabelSmoothingLoss.forward
    assert x.shape[-1] == SIZE
    smooth_val = SMOOTHING / (SIZE - 2 + 1e-06)
    true_dist = jnp.full_like(x, smooth_val)
    # scatter_(-1, target.unsqueeze(-1), confidence)
    bi, si = jnp.meshgrid(jnp.arange(B), jnp.arange(S), indexing="ij")
    true_dist = true_dist.at[bi, si, target].set(CONFIDENCE)
    # zero out padding / unk columns (after scatter, same order as torch)
    true_dist = true_dist.at[:, :, PADDING_IDX].set(0.0)
    true_dist = true_dist.at[:, :, UNK_IDX].set(0.0)
    # KLDivLoss(reduction='sum'): sum( target*log(target) - target*input )
    # xlogy handles the target==0 -> 0 convention exactly like torch's kl_div
    loss = jnp.sum(xlogy(true_dist, true_dist) - true_dist * x)
    return loss

if __name__ == "__main__":
    import jax
    _d = setup_inputs()
    print(jax.jit(kernel)(*tuple(_d.values())))

</pallas_src>

<mosaic_0001>
#map = affine_map<(d0, d1) -> (0, 0)>
#map1 = affine_map<(d0, d1) -> (0)>
module attributes {stable_mosaic.version = 14 : i64} {
  func.func @_sc_part_body(%arg0: i32, %arg1: i32, %arg2: memref<4096x32000xf32, #tpu.memory_space<hbm>>, %arg3: memref<4096xi32, #tpu.memory_space<hbm>>, %arg4: memref<1536xf32, #tpu.memory_space<hbm>>, %arg5: memref<64xi32, #tpu.memory_space<vmem>>, %arg6: memref<8x6400xf32, #tpu.memory_space<vmem>>, %arg7: memref<16xf32, #tpu.memory_space<vmem>>) attributes {dimension_semantics = [#tpu.dimension_semantics<core_parallel>, #tpu.dimension_semantics<subcore_parallel>], iteration_bounds = array<i64: 2, 16>, scalar_prefetch = 0 : i64, scratch_operands = 3 : i64, tpu.core_type = #tpu.core_type<sc_vector_subcore>, window_params = [{transform_indices = #map}, {transform_indices = #map1}, {transform_indices = #map1}]} {
    %mul3A = arith.constant 2 : i32
    %mul3A_0 = arith.muli %arg1, %mul3A : i32
    %add3A = arith.addi %mul3A_0, %arg0 : i32
    %mul3A_1 = arith.constant 64 : i32
    %mul3A_2 = arith.muli %add3A, %mul3A_1 : i32
    "tpu.region"() ({
      %run_scoped3A = tpu.sem_alloc : memref<!tpu.dma_semaphore, #tpu.memory_space<semaphore_mem>>
      %dma_start3A = tpu.memref_slice %arg3[%mul3A_2] : memref<4096xi32, #tpu.memory_space<hbm>> -> memref<64xi32, #tpu.memory_space<hbm>>
      %dma_start3A_229 = tpu.memref_slice %arg3[%mul3A_2] : memref<4096xi32, #tpu.memory_space<hbm>> -> memref<64xi32, #tpu.memory_space<hbm>>
      tpu.enqueue_dma source(%dma_start3A_229 : memref<64xi32, #tpu.memory_space<hbm>>) target(%arg5 : memref<64xi32, #tpu.memory_space<vmem>>) target_semaphore(%run_scoped3A : memref<!tpu.dma_semaphore, #tpu.memory_space<semaphore_mem>>)
      %dma_wait3A = tpu.memref_slice %arg3[%mul3A_2] : memref<4096xi32, #tpu.memory_space<hbm>> -> memref<64xi32, #tpu.memory_space<hbm>>
      %dma_wait3A_230 = tpu.memref_slice %arg3[%mul3A_2] : memref<4096xi32, #tpu.memory_space<hbm>> -> memref<64xi32, #tpu.memory_space<hbm>>
      tpu.wait_dma2 semaphore(%run_scoped3A : memref<!tpu.dma_semaphore, #tpu.memory_space<semaphore_mem>>) src(%dma_wait3A_230 : memref<64xi32, #tpu.memory_space<hbm>>) dst(%arg5 : memref<64xi32, #tpu.memory_space<vmem>>)
      tpu.yield
    }) : () -> ()
    %iota3A = tpu.iota {dimensions = array<i32: 0>} : vector<16xi32>
    %get3A = arith.constant 0 : index
    %get3A_3 = tpu.vector_load %arg5[%get3A] {strides = array<i32>} : memref<64xi32, #tpu.memory_space<vmem>>, vector<16xi32>,
    %add3A_4 = arith.constant 0 : i32
    %add3A_5 = vector.broadcast %add3A_4 : i32 to vector<16xi32>
    %add3A_6 = arith.addi %add3A_5, %iota3A : vector<16xi32>
    %jit3A = arith.constant 6400 : i32
    %div3A = vector.broadcast %jit3A : i32 to vector<16xi32>
    %div3A_7 = arith.divsi %get3A_3, %div3A : vector<16xi32>
    %sign3A = arith.constant 0 : i32
    %sign3A_8 = vector.broadcast %sign3A : i32 to vector<16xi32>
    %sign3A_9 = arith.cmpi sgt, %get3A_3, %sign3A_8 : vector<16xi32>
    %sign3A_10 = arith.extui %sign3A_9 : vector<16xi1> to vector<16xi32>
    %sign3A_11 = arith.constant 0 : i32
    %sign3A_12 = vector.broadcast %sign3A_11 : i32 to vector<16xi32>
    %sign3A_13 = arith.cmpi slt, %get3A_3, %sign3A_12 : vector<16xi32>
    %sign3A_14 = arith.extui %sign3A_13 : vector<16xi1> to vector<16xi32>
    %sign3A_15 = arith.subi %sign3A_10, %sign3A_14 : vector<16xi32>
    %sign3A_16 = arith.constant 0 : i32
    %sign3A_17 = arith.cmpi sgt, %jit3A, %sign3A_16 : i32
    %sign3A_18 = arith.extui %sign3A_17 : i1 to i32
    %sign3A_19 = arith.constant 0 : i32
    %sign3A_20 = arith.cmpi slt, %jit3A, %sign3A_19 : i32
    %sign3A_21 = arith.extui %sign3A_20 : i1 to i32
    %sign3A_22 = arith.subi %sign3A_18, %sign3A_21 : i32
    %ne3A = vector.broadcast %sign3A_22 : i32 to vector<16xi32>
    %ne3A_23 = arith.cmpi ne, %sign3A_15, %ne3A : vector<16xi32>
    %rem3A = vector.broadcast %jit3A : i32 to vector<16xi32>
    %rem3A_24 = arith.remsi %get3A_3, %rem3A : vector<16xi32>
    %ne3A_25 = arith.constant 0 : i32
    %ne3A_26 = vector.broadcast %ne3A_25 : i32 to vector<16xi32>
    %ne3A_27 = arith.cmpi ne, %rem3A_24, %ne3A_26 : vector<16xi32>
    %and3A = arith.andi %ne3A_23, %ne3A_27 : vector<16xi1>
    %sub3A = arith.constant 1 : i32
    %sub3A_28 = vector.broadcast %sub3A : i32 to vector<16xi32>
    %sub3A_29 = arith.subi %div3A_7, %sub3A_28 : vector<16xi32>
    %select_n3A = arith.select %and3A, %sub3A_29, %div3A_7 : vector<16xi1>, vector<16xi32>
    %shift_right_arithmetic3A = arith.constant 3 : i32
    %shift_right_arithmetic3A_30 = vector.broadcast %shift_right_arithmetic3A : i32 to vector<16xi32>
    %shift_right_arithmetic3A_31 = arith.shrsi %add3A_6, %shift_right_arithmetic3A_30 : vector<16xi32>
    %and3A_32 = arith.constant 7 : i32
    %and3A_33 = vector.broadcast %and3A_32 : i32 to vector<16xi32>
    %and3A_34 = arith.andi %add3A_6, %and3A_33 : vector<16xi32>
    %mul3A_35 = arith.constant 6400 : i32
    %mul3A_36 = vector.broadcast %mul3A_35 : i32 to vector<16xi32>
    %mul3A_37 = arith.muli %select_n3A, %mul3A_36 : vector<16xi32>
    %sub3A_38 = arith.subi %get3A_3, %mul3A_37 : vector<16xi32>
    %ge3A = arith.constant 2 : i32
    %ge3A_39 = vector.broadcast %ge3A : i32 to vector<16xi32>
    %ge3A_40 = arith.cmpi sge, %get3A_3, %ge3A_39 : vector<16xi32>
    %get3A_41 = arith.constant 16 : index
    %get3A_42 = tpu.vector_load %arg5[%get3A_41] {strides = array<i32>} : memref<64xi32, #tpu.memory_space<vmem>>, vector<16xi32>,
    %add3A_43 = arith.constant 16 : i32
    %add3A_44 = vector.broadcast %add3A_43 : i32 to vector<16xi32>
    %add3A_45 = arith.addi %add3A_44, %iota3A : vector<16xi32>
    %jit3A_46 = arith.constant 6400 : i32
    %div3A_47 = vector.broadcast %jit3A_46 : i32 to vector<16xi32>
    %div3A_48 = arith.divsi %get3A_42, %div3A_47 : vector<16xi32>
    %sign3A_49 = arith.constant 0 : i32
    %sign3A_50 = vector.broadcast %sign3A_49 : i32 to vector<16xi32>
    %sign3A_51 = arith.cmpi sgt, %get3A_42, %sign3A_50 : vector<16xi32>
    %sign3A_52 = arith.extui %sign3A_51 : vector<16xi1> to vector<16xi32>
    %sign3A_53 = arith.constant 0 : i32
    %sign3A_54 = vector.broadcast %sign3A_53 : i32 to vector<16xi32>
    %sign3A_55 = arith.cmpi slt, %get3A_42, %sign3A_54 : vector<16xi32>
    %sign3A_56 = arith.extui %sign3A_55 : vector<16xi1> to vector<16xi32>
    %sign3A_57 = arith.subi %sign3A_52, %sign3A_56 : vector<16xi32>
    %sign3A_58 = arith.constant 0 : i32
    %sign3A_59 = arith.cmpi sgt, %jit3A_46, %sign3A_58 : i32
    %sign3A_60 = arith.extui %sign3A_59 : i1 to i32
    %sign3A_61 = arith.constant 0 : i32
    %sign3A_62 = arith.cmpi slt, %jit3A_46, %sign3A_61 : i32
    %sign3A_63 = arith.extui %sign3A_62 : i1 to i32
    %sign3A_64 = arith.subi %sign3A_60, %sign3A_63 : i32
    %ne3A_65 = vector.broadcast %sign3A_64 : i32 to vector<16xi32>
    %ne3A_66 = arith.cmpi ne, %sign3A_57, %ne3A_65 : vector<16xi32>
    %rem3A_67 = vector.broadcast %jit3A_46 : i32 to vector<16xi32>
    %rem3A_68 = arith.remsi %get3A_42, %rem3A_67 : vector<16xi32>
    %ne3A_69 = arith.constant 0 : i32
    %ne3A_70 = vector.broadcast %ne3A_69 : i32 to vector<16xi32>
    %ne3A_71 = arith.cmpi ne, %rem3A_68, %ne3A_70 : vector<16xi32>
    %and3A_72 = arith.andi %ne3A_66, %ne3A_71 : vector<16xi1>
    %sub3A_73 = arith.constant 1 : i32
    %sub3A_74 = vector.broadcast %sub3A_73 : i32 to vector<16xi32>
    %sub3A_75 = arith.subi %div3A_48, %sub3A_74 : vector<16xi32>
    %select_n3A_76 = arith.select %and3A_72, %sub3A_75, %div3A_48 : vector<16xi1>, vector<16xi32>
    %shift_right_arithmetic3A_77 = arith.constant 3 : i32
    %shift_right_arithmetic3A_78 = vector.broadcast %shift_right_arithmetic3A_77 : i32 to vector<16xi32>
    %shift_right_arithmetic3A_79 = arith.shrsi %add3A_45, %shift_right_arithmetic3A_78 : vector<16xi32>
    %and3A_80 = arith.constant 7 : i32
    %and3A_81 = vector.broadcast %and3A_80 : i32 to vector<16xi32>
    %and3A_82 = arith.andi %add3A_45, %and3A_81 : vector<16xi32>
    %mul3A_83 = arith.constant 6400 : i32
    %mul3A_84 = vector.broadcast %mul3A_83 : i32 to vector<16xi32>
    %mul3A_85 = arith.muli %select_n3A_76, %mul3A_84 : vector<16xi32>
    %sub3A_86 = arith.subi %get3A_42, %mul3A_85 : vector<16xi32>
    %ge3A_87 = arith.constant 2 : i32
    %ge3A_88 = vector.broadcast %ge3A_87 : i32 to vector<16xi32>
    %ge3A_89 = arith.cmpi sge, %get3A_42, %ge3A_88 : vector<16xi32>
    %get3A_90 = arith.constant 32 : index
    %get3A_91 = tpu.vector_load %arg5[%get3A_90] {strides = array<i32>} : memref<64xi32, #tpu.memory_space<vmem>>, vector<16xi32>,
    %add3A_92 = arith.constant 32 : i32
    %add3A_93 = vector.broadcast %add3A_92 : i32 to vector<16xi32>
    %add3A_94 = arith.addi %add3A_93, %iota3A : vector<16xi32>
    %jit3A_95 = arith.constant 6400 : i32
    %div3A_96 = vector.broadcast %jit3A_95 : i32 to vector<16xi32>
    %div3A_97 = arith.divsi %get3A_91, %div3A_96 : vector<16xi32>
    %sign3A_98 = arith.constant 0 : i32
    %sign3A_99 = vector.broadcast %sign3A_98 : i32 to vector<16xi32>
    %sign3A_100 = arith.cmpi sgt, %get3A_91, %sign3A_99 : vector<16xi32>
    %sign3A_101 = arith.extui %sign3A_100 : vector<16xi1> to vector<16xi32>
    %sign3A_102 = arith.constant 0 : i32
    %sign3A_103 = vector.broadcast %sign3A_102 : i32 to vector<16xi32>
    %sign3A_104 = arith.cmpi slt, %get3A_91, %sign3A_103 : vector<16xi32>
    %sign3A_105 = arith.extui %sign3A_104 : vector<16xi1> to vector<16xi32>
    %sign3A_106 = arith.subi %sign3A_101, %sign3A_105 : vector<16xi32>
    %sign3A_107 = arith.constant 0 : i32
    %sign3A_108 = arith.cmpi sgt, %jit3A_95, %sign3A_107 : i32
    %sign3A_109 = arith.extui %sign3A_108 : i1 to i32
    %sign3A_110 = arith.constant 0 : i32
    %sign3A_111 = arith.cmpi slt, %jit3A_95, %sign3A_110 : i32
    %sign3A_112 = arith.extui %sign3A_111 : i1 to i32
    %sign3A_113 = arith.subi %sign3A_109, %sign3A_112 : i32
    %ne3A_114 = vector.broadcast %sign3A_113 : i32 to vector<16xi32>
    %ne3A_115 = arith.cmpi ne, %sign3A_106, %ne3A_114 : vector<16xi32>
    %rem3A_116 = vector.broadcast %jit3A_95 : i32 to vector<16xi32>
    %rem3A_117 = arith.remsi %get3A_91, %rem3A_116 : vector<16xi32>
    %ne3A_118 = arith.constant 0 : i32
    %ne3A_119 = vector.broadcast %ne3A_118 : i32 to vector<16xi32>
    %ne3A_120 = arith.cmpi ne, %rem3A_117, %ne3A_119 : vector<16xi32>
    %and3A_121 = arith.andi %ne3A_115, %ne3A_120 : vector<16xi1>
    %sub3A_122 = arith.constant 1 : i32
    %sub3A_123 = vector.broadcast %sub3A_122 : i32 to vector<16xi32>
    %sub3A_124 = arith.subi %div3A_97, %sub3A_123 : vector<16xi32>
    %select_n3A_125 = arith.select %and3A_121, %sub3A_124, %div3A_97 : vector<16xi1>, vector<16xi32>
    %shift_right_arithmetic3A_126 = arith.constant 3 : i32
    %shift_right_arithmetic3A_127 = vector.broadcast %shift_right_arithmetic3A_126 : i32 to vector<16xi32>
    %shift_right_arithmetic3A_128 = arith.shrsi %add3A_94, %shift_right_arithmetic3A_127 : vector<16xi32>
    %and3A_129 = arith.constant 7 : i32
    %and3A_130 = vector.broadcast %and3A_129 : i32 to vector<16xi32>
    %and3A_131 = arith.andi %add3A_94, %and3A_130 : vector<16xi32>
    %mul3A_132 = arith.constant 6400 : i32
    %mul3A_133 = vector.broadcast %mul3A_132 : i32 to vector<16xi32>
    %mul3A_134 = arith.muli %select_n3A_125, %mul3A_133 : vector<16xi32>
    %sub3A_135 = arith.subi %get3A_91, %mul3A_134 : vector<16xi32>
    %ge3A_136 = arith.constant 2 : i32
    %ge3A_137 = vector.broadcast %ge3A_136 : i32 to vector<16xi32>
    %ge3A_138 = arith.cmpi sge, %get3A_91, %ge3A_137 : vector<16xi32>
    %get3A_139 = arith.constant 48 : index
    %get3A_140 = tpu.vector_load %arg5[%get3A_139] {strides = array<i32>} : memref<64xi32, #tpu.memory_space<vmem>>, vector<16xi32>,
    %add3A_141 = arith.constant 48 : i32
    %add3A_142 = vector.broadcast %add3A_141 : i32 to vector<16xi32>
    %add3A_143 = arith.addi %add3A_142, %iota3A : vector<16xi32>
    %jit3A_144 = arith.constant 6400 : i32
    %div3A_145 = vector.broadcast %jit3A_144 : i32 to vector<16xi32>
    %div3A_146 = arith.divsi %get3A_140, %div3A_145 : vector<16xi32>
    %sign3A_147 = arith.constant 0 : i32
    %sign3A_148 = vector.broadcast %sign3A_147 : i32 to vector<16xi32>
    %sign3A_149 = arith.cmpi sgt, %get3A_140, %sign3A_148 : vector<16xi32>
    %sign3A_150 = arith.extui %sign3A_149 : vector<16xi1> to vector<16xi32>
    %sign3A_151 = arith.constant 0 : i32
    %sign3A_152 = vector.broadcast %sign3A_151 : i32 to vector<16xi32>
    %sign3A_153 = arith.cmpi slt, %get3A_140, %sign3A_152 : vector<16xi32>
    %sign3A_154 = arith.extui %sign3A_153 : vector<16xi1> to vector<16xi32>
    %sign3A_155 = arith.subi %sign3A_150, %sign3A_154 : vector<16xi32>
    %sign3A_156 = arith.constant 0 : i32
    %sign3A_157 = arith.cmpi sgt, %jit3A_144, %sign3A_156 : i32
    %sign3A_158 = arith.extui %sign3A_157 : i1 to i32
    %sign3A_159 = arith.constant 0 : i32
    %sign3A_160 = arith.cmpi slt, %jit3A_144, %sign3A_159 : i32
    %sign3A_161 = arith.extui %sign3A_160 : i1 to i32
    %sign3A_162 = arith.subi %sign3A_158, %sign3A_161 : i32
    %ne3A_163 = vector.broadcast %sign3A_162 : i32 to vector<16xi32>
    %ne3A_164 = arith.cmpi ne, %sign3A_155, %ne3A_163 : vector<16xi32>
    %rem3A_165 = vector.broadcast %jit3A_144 : i32 to vector<16xi32>
    %rem3A_166 = arith.remsi %get3A_140, %rem3A_165 : vector<16xi32>
    %ne3A_167 = arith.constant 0 : i32
    %ne3A_168 = vector.broadcast %ne3A_167 : i32 to vector<16xi32>
    %ne3A_169 = arith.cmpi ne, %rem3A_166, %ne3A_168 : vector<16xi32>
    %and3A_170 = arith.andi %ne3A_164, %ne3A_169 : vector<16xi1>
    %sub3A_171 = arith.constant 1 : i32
    %sub3A_172 = vector.broadcast %sub3A_171 : i32 to vector<16xi32>
    %sub3A_173 = arith.subi %div3A_146, %sub3A_172 : vector<16xi32>
    %select_n3A_174 = arith.select %and3A_170, %sub3A_173, %div3A_146 : vector<16xi1>, vector<16xi32>
    %shift_right_arithmetic3A_175 = arith.constant 3 : i32
    %shift_right_arithmetic3A_176 = vector.broadcast %shift_right_arithmetic3A_175 : i32 to vector<16xi32>
    %shift_right_arithmetic3A_177 = arith.shrsi %add3A_143, %shift_right_arithmetic3A_176 : vector<16xi32>
    %and3A_178 = arith.constant 7 : i32
    %and3A_179 = vector.broadcast %and3A_178 : i32 to vector<16xi32>
    %and3A_180 = arith.andi %add3A_143, %and3A_179 : vector<16xi32>
    %mul3A_181 = arith.constant 6400 : i32
    %mul3A_182 = vector.broadcast %mul3A_181 : i32 to vector<16xi32>
    %mul3A_183 = arith.muli %select_n3A_174, %mul3A_182 : vector<16xi32>
    %sub3A_184 = arith.subi %get3A_140, %mul3A_183 : vector<16xi32>
    %ge3A_185 = arith.constant 2 : i32
    %ge3A_186 = vector.broadcast %ge3A_185 : i32 to vector<16xi32>
    %ge3A_187 = arith.cmpi sge, %get3A_140, %ge3A_186 : vector<16xi32>
    %broadcast_in_dim3A = arith.constant 0 : i32
    %broadcast_in_dim3A_188 = vector.broadcast %broadcast_in_dim3A : i32 to vector<16xi32>
    %add3A_189 = arith.constant 1 : i32
    %add3A_190 = vector.broadcast %add3A_189 : i32 to vector<16xi32>
    %add3A_191 = arith.addi %broadcast_in_dim3A_188, %add3A_190 : vector<16xi32>
    %broadcast_in_dim3A_192 = arith.constant 0.000000e+00 : f32
    %broadcast_in_dim3A_193 = vector.broadcast %broadcast_in_dim3A_192 : f32 to vector<16xf32>
    %scan3A = arith.constant 0 : i32
    %scan3A_194 = arith.constant 8 : i32
    %scan3A_195 = arith.addi %scan3A, %scan3A_194 : i32
    %scan3A_196 = arith.constant 1 : i32
    %scan3A_197:18 = scf.for %scan3A_229 = %scan3A to %scan3A_195 step %scan3A_196 iter_args(%scan3A_230 = %broadcast_in_dim3A_193, %scan3A_231 = %broadcast_in_dim3A_193, %scan3A_232 = %broadcast_in_dim3A_193, %scan3A_233 = %broadcast_in_dim3A_193, %scan3A_234 = %broadcast_in_dim3A_193, %scan3A_235 = %broadcast_in_dim3A_193, %scan3A_236 = %broadcast_in_dim3A_193, %scan3A_237 = %broadcast_in_dim3A_193, %scan3A_238 = %broadcast_in_dim3A_193, %scan3A_239 = %broadcast_in_dim3A_193, %scan3A_240 = %broadcast_in_dim3A_193, %scan3A_241 = %broadcast_in_dim3A_193, %scan3A_242 = %broadcast_in_dim3A_193, %scan3A_243 = %broadcast_in_dim3A_193, %scan3A_244 = %broadcast_in_dim3A_193, %scan3A_245 = %broadcast_in_dim3A_193, %scan3A_246 = %broadcast_in_dim3A_193, %scan3A_247 = %broadcast_in_dim3A_193) -> (vector<16xf32>, vector<16xf32>, vector<16xf32>, vector<16xf32>, vector<16xf32>, vector<16xf32>, vector<16xf32>, vector<16xf32>, vector<16xf32>, vector<16xf32>, vector<16xf32>, vector<16xf32>, vector<16xf32>, vector<16xf32>, vector<16xf32>, vector<16xf32>, vector<16xf32>, vector<16xf32>)  : i32 {
      %scan3A_248 = arith.constant 0 : i32
      %scan3A_249 = arith.constant 5 : i32
      %scan3A_250 = arith.addi %scan3A_248, %scan3A_249 : i32
      %scan3A_251 = arith.constant 1 : i32
      %scan3A_252:18 = scf.for %scan3A_254 = %scan3A_248 to %scan3A_250 step %scan3A_251 iter_args(%scan3A_255 = %scan3A_230, %scan3A_256 = %scan3A_231, %scan3A_257 = %scan3A_232, %scan3A_258 = %scan3A_233, %scan3A_259 = %scan3A_234, %scan3A_260 = %scan3A_235, %scan3A_261 = %scan3A_236, %scan3A_262 = %scan3A_237, %scan3A_263 = %scan3A_238, %scan3A_264 = %scan3A_239, %scan3A_265 = %scan3A_240, %scan3A_266 = %scan3A_241, %scan3A_267 = %scan3A_242, %scan3A_268 = %scan3A_243, %scan3A_269 = %scan3A_244, %scan3A_270 = %scan3A_245, %scan3A_271 = %scan3A_246, %scan3A_272 = %scan3A_247) -> (vector<16xf32>, vector<16xf32>, vector<16xf32>, vector<16xf32>, vector<16xf32>, vector<16xf32>, vector<16xf32>, vector<16xf32>, vector<16xf32>, vector<16xf32>, vector<16xf32>, vector<16xf32>, vector<16xf32>, vector<16xf32>, vector<16xf32>, vector<16xf32>, vector<16xf32>, vector<16xf32>)  : i32 {
        %mul3A_273 = arith.constant 8 : i32
        %mul3A_274 = arith.muli %scan3A_229, %mul3A_273 : i32
        %add3A_275 = arith.addi %mul3A_2, %mul3A_274 : i32
        %mul3A_276 = arith.constant 6400 : i32
        %mul3A_277 = arith.muli %scan3A_254, %mul3A_276 : i32
        "tpu.region"() ({
          %run_scoped3A = tpu.sem_alloc : memref<!tpu.dma_semaphore, #tpu.memory_space<semaphore_mem>>
          %dma_start3A = tpu.memref_slice %arg2[%add3A_275, %mul3A_277] : memref<4096x32000xf32, #tpu.memory_space<hbm>> -> memref<8x6400xf32, #tpu.memory_space<hbm>>
          %dma_start3A_420 = tpu.memref_slice %arg2[%add3A_275, %mul3A_277] : memref<4096x32000xf32, #tpu.memory_space<hbm>> -> memref<8x6400xf32, #tpu.memory_space<hbm>>
          tpu.enqueue_dma source(%dma_start3A_420 : memref<8x6400xf32, #tpu.memory_space<hbm>>) target(%arg6 : memref<8x6400xf32, #tpu.memory_space<vmem>>) target_semaphore(%run_scoped3A : memref<!tpu.dma_semaphore, #tpu.memory_space<semaphore_mem>>)
          %dma_wait3A = tpu.memref_slice %arg2[%add3A_275, %mul3A_277] : memref<4096x32000xf32, #tpu.memory_space<hbm>> -> memref<8x6400xf32, #tpu.memory_space<hbm>>
          %dma_wait3A_421 = tpu.memref_slice %arg2[%add3A_275, %mul3A_277] : memref<4096x32000xf32, #tpu.memory_space<hbm>> -> memref<8x6400xf32, #tpu.memory_space<hbm>>
          tpu.wait_dma2 semaphore(%run_scoped3A : memref<!tpu.dma_semaphore, #tpu.memory_space<semaphore_mem>>) src(%dma_wait3A_421 : memref<8x6400xf32, #tpu.memory_space<hbm>>) dst(%arg6 : memref<8x6400xf32, #tpu.memory_space<vmem>>)
          tpu.yield
        }) : () -> ()
        %scan3A_278 = arith.constant 0 : i32
        %scan3A_279 = arith.constant 25 : i32
        %scan3A_280 = arith.addi %scan3A_278, %scan3A_279 : i32
        %scan3A_281 = arith.constant 1 : i32
        %scan3A_282:16 = scf.for %scan3A_420 = %scan3A_278 to %scan3A_280 step %scan3A_281 iter_args(%scan3A_421 = %scan3A_255, %scan3A_422 = %scan3A_256, %scan3A_423 = %scan3A_257, %scan3A_424 = %scan3A_258, %scan3A_425 = %scan3A_259, %scan3A_426 = %scan3A_260, %scan3A_427 = %scan3A_261, %scan3A_428 = %scan3A_262, %scan3A_429 = %scan3A_263, %scan3A_430 = %scan3A_264, %scan3A_431 = %scan3A_265, %scan3A_432 = %scan3A_266, %scan3A_433 = %scan3A_267, %scan3A_434 = %scan3A_268, %scan3A_435 = %scan3A_269, %scan3A_436 = %scan3A_270) -> (vector<16xf32>, vector<16xf32>, vector<16xf32>, vector<16xf32>, vector<16xf32>, vector<16xf32>, vector<16xf32>, vector<16xf32>, vector<16xf32>, vector<16xf32>, vector<16xf32>, vector<16xf32>, vector<16xf32>, vector<16xf32>, vector<16xf32>, vector<16xf32>)  : i32 {
          %mul3A_437 = arith.constant 256 : i32
          %mul3A_438 = arith.muli %scan3A_420, %mul3A_437 : i32
          %add3A_439 = arith.constant 0 : i32
          %add3A_440 = arith.addi %mul3A_438, %add3A_439 : i32
          %get3A_441 = arith.constant 0 : i32
          %get3A_442 = arith.index_cast %get3A_441 : i32 to index
          %get3A_443 = arith.index_cast %add3A_440 : i32 to index
          %get3A_444 = tpu.vector_load %arg6[%get3A_442, %get3A_443] {strides = array<i32>} : memref<8x6400xf32, #tpu.memory_space<vmem>>, vector<16xf32>,
          %add3A_445 = arith.addf %scan3A_421, %get3A_444 : vector<16xf32>
          %add3A_446 = arith.constant 16 : i32
          %add3A_447 = arith.addi %mul3A_438, %add3A_446 : i32
          %get3A_448 = arith.constant 0 : i32
          %get3A_449 = arith.index_cast %get3A_448 : i32 to index
          %get3A_450 = arith.index_cast %add3A_447 : i32 to index
          %get3A_451 = tpu.vector_load %arg6[%get3A_449, %get3A_450] {strides = array<i32>} : memref<8x6400xf32, #tpu.memory_space<vmem>>, vector<16xf32>,
          %add3A_452 = arith.addf %scan3A_422, %get3A_451 : vector<16xf32>
          %add3A_453 = arith.constant 32 : i32
          %add3A_454 = arith.addi %mul3A_438, %add3A_453 : i32
          %get3A_455 = arith.constant 0 : i32
          %get3A_456 = arith.index_cast %get3A_455 : i32 to index
          %get3A_457 = arith.index_cast %add3A_454 : i32 to index
          %get3A_458 = tpu.vector_load %arg6[%get3A_456, %get3A_457] {strides = array<i32>} : memref<8x6400xf32, #tpu.memory_space<vmem>>, vector<16xf32>,
          %add3A_459 = arith.addf %scan3A_423, %get3A_458 : vector<16xf32>
          %add3A_460 = arith.constant 48 : i32
          %add3A_461 = arith.addi %mul3A_438, %add3A_460 : i32
          %get3A_462 = arith.constant 0 : i32
          %get3A_463 = arith.index_cast %get3A_462 : i32 to index
          %get3A_464 = arith.index_cast %add3A_461 : i32 to index
          %get3A_465 = tpu.vector_load %arg6[%get3A_463, %get3A_464] {strides = array<i32>} : memref<8x6400xf32, #tpu.memory_space<vmem>>, vector<16xf32>,
          %add3A_466 = arith.addf %scan3A_424, %get3A_465 : vector<16xf32>
          %add3A_467 = arith.constant 64 : i32
          %add3A_468 = arith.addi %mul3A_438, %add3A_467 : i32
          %get3A_469 = arith.constant 0 : i32
          %get3A_470 = arith.index_cast %get3A_469 : i32 to index
          %get3A_471 = arith.index_cast %add3A_468 : i32 to index
          %get3A_472 = tpu.vector_load %arg6[%get3A_470, %get3A_471] {strides = array<i32>} : memref<8x6400xf32, #tpu.memory_space<vmem>>, vector<16xf32>,
          %add3A_473 = arith.addf %scan3A_425, %get3A_472 : vector<16xf32>
          %add3A_474 = arith.constant 80 : i32
          %add3A_475 = arith.addi %mul3A_438, %add3A_474 : i32
          %get3A_476 = arith.constant 0 : i32
          %get3A_477 = arith.index_cast %get3A_476 : i32 to index
          %get3A_478 = arith.index_cast %add3A_475 : i32 to index
          %get3A_479 = tpu.vector_load %arg6[%get3A_477, %get3A_478] {strides = array<i32>} : memref<8x6400xf32, #tpu.memory_space<vmem>>, vector<16xf32>,
          %add3A_480 = arith.addf %scan3A_426, %get3A_479 : vector<16xf32>
          %add3A_481 = arith.constant 96 : i32
          %add3A_482 = arith.addi %mul3A_438, %add3A_481 : i32
          %get3A_483 = arith.constant 0 : i32
          %get3A_484 = arith.index_cast %get3A_483 : i32 to index
          %get3A_485 = arith.index_cast %add3A_482 : i32 to index
          %get3A_486 = tpu.vector_load %arg6[%get3A_484, %get3A_485] {strides = array<i32>} : memref<8x6400xf32, #tpu.memory_space<vmem>>, vector<16xf32>,
          %add3A_487 = arith.addf %scan3A_427, %get3A_486 : vector<16xf32>
          %add3A_488 = arith.constant 112 : i32
          %add3A_489 = arith.addi %mul3A_438, %add3A_488 : i32
          %get3A_490 = arith.constant 0 : i32
          %get3A_491 = arith.index_cast %get3A_490 : i32 to index
          %get3A_492 = arith.index_cast %add3A_489 : i32 to index
          %get3A_493 = tpu.vector_load %arg6[%get3A_491, %get3A_492] {strides = array<i32>} : memref<8x6400xf32, #tpu.memory_space<vmem>>, vector<16xf32>,
          %add3A_494 = arith.addf %scan3A_428, %get3A_493 : vector<16xf32>
          %add3A_495 = arith.constant 128 : i32
          %add3A_496 = arith.addi %mul3A_438, %add3A_495 : i32
          %get3A_497 = arith.constant 0 : i32
          %get3A_498 = arith.index_cast %get3A_497 : i32 to index
          %get3A_499 = arith.index_cast %add3A_496 : i32 to index
          %get3A_500 = tpu.vector_load %arg6[%get3A_498, %get3A_499] {strides = array<i32>} : memref<8x6400xf32, #tpu.memory_space<vmem>>, vector<16xf32>,
          %add3A_501 = arith.addf %scan3A_429, %get3A_500 : vector<16xf32>
          %add3A_502 = arith.constant 144 : i32
          %add3A_503 = arith.addi %mul3A_438, %add3A_502 : i32
          %get3A_504 = arith.constant 0 : i32
          %get3A_505 = arith.index_cast %get3A_504 : i32 to index
          %get3A_506 = arith.index_cast %add3A_503 : i32 to index
          %get3A_507 = tpu.vector_load %arg6[%get3A_505, %get3A_506] {strides = array<i32>} : memref<8x6400xf32, #tpu.memory_space<vmem>>, vector<16xf32>,
          %add3A_508 = arith.addf %scan3A_430, %get3A_507 : vector<16xf32>
          %add3A_509 = arith.constant 160 : i32
          %add3A_510 = arith.addi %mul3A_438, %add3A_509 : i32
          %get3A_511 = arith.constant 0 : i32
          %get3A_512 = arith.index_cast %get3A_511 : i32 to index
          %get3A_513 = arith.index_cast %add3A_510 : i32 to index
          %get3A_514 = tpu.vector_load %arg6[%get3A_512, %get3A_513] {strides = array<i32>} : memref<8x6400xf32, #tpu.memory_space<vmem>>, vector<16xf32>,
          %add3A_515 = arith.addf %scan3A_431, %get3A_514 : vector<16xf32>
          %add3A_516 = arith.constant 176 : i32
          %add3A_517 = arith.addi %mul3A_438, %add3A_516 : i32
          %get3A_518 = arith.constant 0 : i32
          %get3A_519 = arith.index_cast %get3A_518 : i32 to index
          %get3A_520 = arith.index_cast %add3A_517 : i32 to index
          %get3A_521 = tpu.vector_load %arg6[%get3A_519, %get3A_520] {strides = array<i32>} : memref<8x6400xf32, #tpu.memory_space<vmem>>, vector<16xf32>,
          %add3A_522 = arith.addf %scan3A_432, %get3A_521 : vector<16xf32>
          %add3A_523 = arith.constant 192 : i32
          %add3A_524 = arith.addi %mul3A_438, %add3A_523 : i32
          %get3A_525 = arith.constant 0 : i32
          %get3A_526 = arith.index_cast %get3A_525 : i32 to index
          %get3A_527 = arith.index_cast %add3A_524 : i32 to index
          %get3A_528 = tpu.vector_load %arg6[%get3A_526, %get3A_527] {strides = array<i32>} : memref<8x6400xf32, #tpu.memory_space<vmem>>, vector<16xf32>,
          %add3A_529 = arith.addf %scan3A_433, %get3A_528 : vector<16xf32>
          %add3A_530 = arith.constant 208 : i32
          %add3A_531 = arith.addi %mul3A_438, %add3A_530 : i32
          %get3A_532 = arith.constant 0 : i32
          %get3A_533 = arith.index_cast %get3A_532 : i32 to index
          %get3A_534 = arith.index_cast %add3A_531 : i32 to index
          %get3A_535 = tpu.vector_load %arg6[%get3A_533, %get3A_534] {strides = array<i32>} : memref<8x6400xf32, #tpu.memory_space<vmem>>, vector<16xf32>,
          %add3A_536 = arith.addf %scan3A_434, %get3A_535 : vector<16xf32>
          %add3A_537 = arith.constant 224 : i32
          %add3A_538 = arith.addi %mul3A_438, %add3A_537 : i32
          %get3A_539 = arith.constant 0 : i32
          %get3A_540 = arith.index_cast %get3A_539 : i32 to index
          %get3A_541 = arith.index_cast %add3A_538 : i32 to index
          %get3A_542 = tpu.vector_load %arg6[%get3A_540, %get3A_541] {strides = array<i32>} : memref<8x6400xf32, #tpu.memory_space<vmem>>, vector<16xf32>,
          %add3A_543 = arith.addf %scan3A_435, %get3A_542 : vector<16xf32>
          %add3A_544 = arith.constant 240 : i32
          %add3A_545 = arith.addi %mul3A_438, %add3A_544 : i32
          %get3A_546 = arith.constant 0 : i32
          %get3A_547 = arith.index_cast %get3A_546 : i32 to index
          %get3A_548 = arith.index_cast %add3A_545 : i32 to index
          %get3A_549 = tpu.vector_load %arg6[%get3A_547, %get3A_548] {strides = array<i32>} : memref<8x6400xf32, #tpu.memory_space<vmem>>, vector<16xf32>,
          %add3A_550 = arith.addf %scan3A_436, %get3A_549 : vector<16xf32>
          scf.yield %add3A_445, %add3A_452, %add3A_459, %add3A_466, %add3A_473, %add3A_480, %add3A_487, %add3A_494, %add3A_501, %add3A_508, %add3A_515, %add3A_522, %add3A_529, %add3A_536, %add3A_543, %add3A_550 : vector<16xf32>, vector<16xf32>, vector<16xf32>, vector<16xf32>, vector<16xf32>, vector<16xf32>, vector<16xf32>, vector<16xf32>, vector<16xf32>, vector<16xf32>, vector<16xf32>, vector<16xf32>, vector<16xf32>, vector<16xf32>, vector<16xf32>, vector<16xf32>
        }
        %scan3A_283 = arith.constant 25 : i32
        %scan3A_284 = arith.constant 0 : i32
        %scan3A_285 = arith.constant 25 : i32
        %scan3A_286 = arith.addi %scan3A_284, %scan3A_285 : i32
        %scan3A_287 = arith.constant 1 : i32
        %scan3A_288:16 = scf.for %scan3A_420 = %scan3A_284 to %scan3A_286 step %scan3A_287 iter_args(%scan3A_421 = %scan3A_282#0, %scan3A_422 = %scan3A_282#1, %scan3A_423 = %scan3A_282#2, %scan3A_424 = %scan3A_282#3, %scan3A_425 = %scan3A_282#4, %scan3A_426 = %scan3A_282#5, %scan3A_427 = %scan3A_282#6, %scan3A_428 = %scan3A_282#7, %scan3A_429 = %scan3A_282#8, %scan3A_430 = %scan3A_282#9, %scan3A_431 = %scan3A_282#10, %scan3A_432 = %scan3A_282#11, %scan3A_433 = %scan3A_282#12, %scan3A_434 = %scan3A_282#13, %scan3A_435 = %scan3A_282#14, %scan3A_436 = %scan3A_282#15) -> (vector<16xf32>, vector<16xf32>, vector<16xf32>, vector<16xf32>, vector<16xf32>, vector<16xf32>, vector<16xf32>, vector<16xf32>, vector<16xf32>, vector<16xf32>, vector<16xf32>, vector<16xf32>, vector<16xf32>, vector<16xf32>, vector<16xf32>, vector<16xf32>)  : i32 {
          %mul3A_437 = arith.constant 256 : i32
          %mul3A_438 = arith.muli %scan3A_420, %mul3A_437 : i32
          %add3A_439 = arith.constant 0 : i32
          %add3A_440 = arith.addi %mul3A_438, %add3A_439 : i32
          %get3A_441 = arith.constant 1 : i32
          %get3A_442 = arith.index_cast %get3A_441 : i32 to index
          %get3A_443 = arith.index_cast %add3A_440 : i32 to index
          %get3A_444 = tpu.vector_load %arg6[%get3A_442, %get3A_443] {strides = array<i32>} : memref<8x6400xf32, #tpu.memory_space<vmem>>, vector<16xf32>,
          %add3A_445 = arith.addf %scan3A_421, %get3A_444 : vector<16xf32>
          %add3A_446 = arith.constant 16 : i32
          %add3A_447 = arith.addi %mul3A_438, %add3A_446 : i32
          %get3A_448 = arith.constant 1 : i32
          %get3A_449 = arith.index_cast %get3A_448 : i32 to index
          %get3A_450 = arith.index_cast %add3A_447 : i32 to index
          %get3A_451 = tpu.vector_load %arg6[%get3A_449, %get3A_450] {strides = array<i32>} : memref<8x6400xf32, #tpu.memory_space<vmem>>, vector<16xf32>,
          %add3A_452 = arith.addf %scan3A_422, %get3A_451 : vector<16xf32>
          %add3A_453 = arith.constant 32 : i32
          %add3A_454 = arith.addi %mul3A_438, %add3A_453 : i32
          %get3A_455 = arith.constant 1 : i32
          %get3A_456 = arith.index_cast %get3A_455 : i32 to index
          %get3A_457 = arith.index_cast %add3A_454 : i32 to index
          %get3A_458 = tpu.vector_load %arg6[%get3A_456, %get3A_457] {strides = array<i32>} : memref<8x6400xf32, #tpu.memory_space<vmem>>, vector<16xf32>,
          %add3A_459 = arith.addf %scan3A_423, %get3A_458 : vector<16xf32>
          %add3A_460 = arith.constant 48 : i32
          %add3A_461 = arith.addi %mul3A_438, %add3A_460 : i32
          %get3A_462 = arith.constant 1 : i32
          %get3A_463 = arith.index_cast %get3A_462 : i32 to index
          %get3A_464 = arith.index_cast %add3A_461 : i32 to index
          %get3A_465 = tpu.vector_load %arg6[%get3A_463, %get3A_464] {strides = array<i32>} : memref<8x6400xf32, #tpu.memory_space<vmem>>, vector<16xf32>,
          %add3A_466 = arith.addf %scan3A_424, %get3A_465 : vector<16xf32>
          %add3A_467 = arith.constant 64 : i32
          %add3A_468 = arith.addi %mul3A_438, %add3A_467 : i32
          %get3A_469 = arith.constant 1 : i32
          %get3A_470 = arith.index_cast %get3A_469 : i32 to index
          %get3A_471 = arith.index_cast %add3A_468 : i32 to index
          %get3A_472 = tpu.vector_load %arg6[%get3A_470, %get3A_471] {strides = array<i32>} : memref<8x6400xf32, #tpu.memory_space<vmem>>, vector<16xf32>,
          %add3A_473 = arith.addf %scan3A_425, %get3A_472 : vector<16xf32>
          %add3A_474 = arith.constant 80 : i32
          %add3A_475 = arith.addi %mul3A_438, %add3A_474 : i32
          %get3A_476 = arith.constant 1 : i32
          %get3A_477 = arith.index_cast %get3A_476 : i32 to index
          %get3A_478 = arith.index_cast %add3A_475 : i32 to index
          %get3A_479 = tpu.vector_load %arg6[%get3A_477, %get3A_478] {strides = array<i32>} : memref<8x6400xf32, #tpu.memory_space<vmem>>, vector<16xf32>,
          %add3A_480 = arith.addf %scan3A_426, %get3A_479 : vector<16xf32>
          %add3A_481 = arith.constant 96 : i32
          %add3A_482 = arith.addi %mul3A_438, %add3A_481 : i32
          %get3A_483 = arith.constant 1 : i32
          %get3A_484 = arith.index_cast %get3A_483 : i32 to index
          %get3A_485 = arith.index_cast %add3A_482 : i32 to index
          %get3A_486 = tpu.vector_load %arg6[%get3A_484, %get3A_485] {strides = array<i32>} : memref<8x6400xf32, #tpu.memory_space<vmem>>, vector<16xf32>,
          %add3A_487 = arith.addf %scan3A_427, %get3A_486 : vector<16xf32>
          %add3A_488 = arith.constant 112 : i32
          %add3A_489 = arith.addi %mul3A_438, %add3A_488 : i32
          %get3A_490 = arith.constant 1 : i32
          %get3A_491 = arith.index_cast %get3A_490 : i32 to index
          %get3A_492 = arith.index_cast %add3A_489 : i32 to index
          %get3A_493 = tpu.vector_load %arg6[%get3A_491, %get3A_492] {strides = array<i32>} : memref<8x6400xf32, #tpu.memory_space<vmem>>, vector<16xf32>,
          %add3A_494 = arith.addf %scan3A_428, %get3A_493 : vector<16xf32>
          %add3A_495 = arith.constant 128 : i32
          %add3A_496 = arith.addi %mul3A_438, %add3A_495 : i32
          %get3A_497 = arith.constant 1 : i32
          %get3A_498 = arith.index_cast %get3A_497 : i32 to index
          %get3A_499 = arith.index_cast %add3A_496 : i32 to index
          %get3A_500 = tpu.vector_load %arg6[%get3A_498, %get3A_499] {strides = array<i32>} : memref<8x6400xf32, #tpu.memory_space<vmem>>, vector<16xf32>,
          %add3A_501 = arith.addf %scan3A_429, %get3A_500 : vector<16xf32>
          %add3A_502 = arith.constant 144 : i32
          %add3A_503 = arith.addi %mul3A_438, %add3A_502 : i32
          %get3A_504 = arith.constant 1 : i32
          %get3A_505 = arith.index_cast %get3A_504 : i32 to index
          %get3A_506 = arith.index_cast %add3A_503 : i32 to index
          %get3A_507 = tpu.vector_load %arg6[%get3A_505, %get3A_506] {strides = array<i32>} : memref<8x6400xf32, #tpu.memory_space<vmem>>, vector<16xf32>,
          %add3A_508 = arith.addf %scan3A_430, %get3A_507 : vector<16xf32>
          %add3A_509 = arith.constant 160 : i32
          %add3A_510 = arith.addi %mul3A_438, %add3A_509 : i32
          %get3A_511 = arith.constant 1 : i32
          %get3A_512 = arith.index_cast %get3A_511 : i32 to index
          %get3A_513 = arith.index_cast %add3A_510 : i32 to index
          %get3A_514 = tpu.vector_load %arg6[%get3A_512, %get3A_513] {strides = array<i32>} : memref<8x6400xf32, #tpu.memory_space<vmem>>, vector<16xf32>,
          %add3A_515 = arith.addf %scan3A_431, %get3A_514 : vector<16xf32>
          %add3A_516 = arith.constant 176 : i32
          %add3A_517 = arith.addi %mul3A_438, %add3A_516 : i32
          %get3A_518 = arith.constant 1 : i32
          %get3A_519 = arith.index_cast %get3A_518 : i32 to index
          %get3A_520 = arith.index_cast %add3A_517 : i32 to index
          %get3A_521 = tpu.vector_load %arg6[%get3A_519, %get3A_520] {strides = array<i32>} : memref<8x6400xf32, #tpu.memory_space<vmem>>, vector<16xf32>,
          %add3A_522 = arith.addf %scan3A_432, %get3A_521 : vector<16xf32>
          %add3A_523 = arith.constant 192 : i32
          %add3A_524 = arith.addi %mul3A_438, %add3A_523 : i32
          %get3A_525 = arith.constant 1 : i32
          %get3A_526 = arith.index_cast %get3A_525 : i32 to index
          %get3A_527 = arith.index_cast %add3A_524 : i32 to index
          %get3A_528 = tpu.vector_load %arg6[%get3A_526, %get3A_527] {strides = array<i32>} : memref<8x6400xf32, #tpu.memory_space<vmem>>, vector<16xf32>,
          %add3A_529 = arith.addf %scan3A_433, %get3A_528 : vector<16xf32>
          %add3A_530 = arith.constant 208 : i32
          %add3A_531 = arith.addi %mul3A_438, %add3A_530 : i32
          %get3A_532 = arith.constant 1 : i32
          %get3A_533 = arith.index_cast %get3A_532 : i32 to index
          %get3A_534 = arith.index_cast %add3A_531 : i32 to index
          %get3A_535 = tpu.vector_load %arg6[%get3A_533, %get3A_534] {strides = array<i32>} : memref<8x6400xf32, #tpu.memory_space<vmem>>, vector<16xf32>,
          %add3A_536 = arith.addf %scan3A_434, %get3A_535 : vector<16xf32>
          %add3A_537 = arith.constant 224 : i32
          %add3A_538 = arith.addi %mul3A_438, %add3A_537 : i32
          %get3A_539 = arith.constant 1 : i32
          %get3A_540 = arith.index_cast %get3A_539 : i32 to index
          %get3A_541 = arith.index_cast %add3A_538 : i32 to index
          %get3A_542 = tpu.vector_load %arg6[%get3A_540, %get3A_541] {strides = array<i32>} : memref<8x6400xf32, #tpu.memory_space<vmem>>, vector<16xf32>,
          %add3A_543 = arith.addf %scan3A_435, %get3A_542 : vector<16xf32>
          %add3A_544 = arith.constant 240 : i32
          %add3A_545 = arith.addi %mul3A_438, %add3A_544 : i32
          %get3A_546 = arith.constant 1 : i32
          %get3A_547 = arith.index_cast %get3A_546 : i32 to index
          %get3A_548 = arith.index_cast %add3A_545 : i32 to index
          %get3A_549 = tpu.vector_load %arg6[%get3A_547, %get3A_548] {strides = array<i32>} : memref<8x6400xf32, #tpu.memory_space<vmem>>, vector<16xf32>,
          %add3A_550 = arith.addf %scan3A_436, %get3A_549 : vector<16xf32>
          scf.yield %add3A_445, %add3A_452, %add3A_459, %add3A_466, %add3A_473, %add3A_480, %add3A_487, %add3A_494, %add3A_501, %add3A_508, %add3A_515, %add3A_522, %add3A_529, %add3A_536, %add3A_543, %add3A_550 : vector<16xf32>, vector<16xf32>, vector<16xf32>, vector<16xf32>, vector<16xf32>, vector<16xf32>, vector<16xf32>, vector<16xf32>, vector<16xf32>, vector<16xf32>, vector<16xf32>, vector<16xf32>, vector<16xf32>, vector<16xf32>, vector<16xf32>, vector<16xf32>
        }
        %scan3A_289 = arith.constant 25 : i32
        %scan3A_290 = arith.constant 0 : i32
        %scan3A_291 = arith.constant 25 : i32
        %scan3A_292 = arith.addi %scan3A_290, %scan3A_291 : i32
        %scan3A_293 = arith.constant 1 : i32
        %scan3A_294:16 = scf.for %scan3A_420 = %scan3A_290 to %scan3A_292 step %scan3A_293 iter_args(%scan3A_421 = %scan3A_288#0, %scan3A_422 = %scan3A_288#1, %scan3A_423 = %scan3A_288#2, %scan3A_424 = %scan3A_288#3, %scan3A_425 = %scan3A_288#4, %scan3A_426 = %scan3A_288#5, %scan3A_427 = %scan3A_288#6, %scan3A_428 = %scan3A_288#7, %scan3A_429 = %scan3A_288#8, %scan3A_430 = %scan3A_288#9, %scan3A_431 = %scan3A_288#10, %scan3A_432 = %scan3A_288#11, %scan3A_433 = %scan3A_288#12, %scan3A_434 = %scan3A_288#13, %scan3A_435 = %scan3A_288#14, %scan3A_436 = %scan3A_288#15) -> (vector<16xf32>, vector<16xf32>, vector<16xf32>, vector<16xf32>, vector<16xf32>, vector<16xf32>, vector<16xf32>, vector<16xf32>, vector<16xf32>, vector<16xf32>, vector<16xf32>, vector<16xf32>, vector<16xf32>, vector<16xf32>, vector<16xf32>, vector<16xf32>)  : i32 {
          %mul3A_437 = arith.constant 256 : i32
          %mul3A_438 = arith.muli %scan3A_420, %mul3A_437 : i32
          %add3A_439 = arith.constant 0 : i32
          %add3A_440 = arith.addi %mul3A_438, %add3A_439 : i32
          %get3A_441 = arith.constant 2 : i32
          %get3A_442 = arith.index_cast %get3A_441 : i32 to index
          %get3A_443 = arith.index_cast %add3A_440 : i32 to index
          %get3A_444 = tpu.vector_load %arg6[%get3A_442, %get3A_443] {strides = array<i32>} : memref<8x6400xf32, #tpu.memory_space<vmem>>, vector<16xf32>,
          %add3A_445 = arith.addf %scan3A_421, %get3A_444 : vector<16xf32>
          %add3A_446 = arith.constant 16 : i32
          %add3A_447 = arith.addi %mul3A_438, %add3A_446 : i32
          %get3A_448 = arith.constant 2 : i32
          %get3A_449 = arith.index_cast %get3A_448 : i32 to index
          %get3A_450 = arith.index_cast %add3A_447 : i32 to index
          %get3A_451 = tpu.vector_load %arg6[%get3A_449, %get3A_450] {strides = array<i32>} : memref<8x6400xf32, #tpu.memory_space<vmem>>, vector<16xf32>,
          %add3A_452 = arith.addf %scan3A_422, %get3A_451 : vector<16xf32>
          %add3A_453 = arith.constant 32 : i32
          %add3A_454 = arith.addi %mul3A_438, %add3A_453 : i32
          %get3A_455 = arith.constant 2 : i32
          %get3A_456 = arith.index_cast %get3A_455 : i32 to index
          %get3A_457 = arith.index_cast %add3A_454 : i32 to index
          %get3A_458 = tpu.vector_load %arg6[%get3A_456, %get3A_457] {strides = array<i32>} : memref<8x6400xf32, #tpu.memory_space<vmem>>, vector<16xf32>,
          %add3A_459 = arith.addf %scan3A_423, %get3A_458 : vector<16xf32>
          %add3A_460 = arith.constant 48 : i32
          %add3A_461 = arith.addi %mul3A_438, %add3A_460 : i32
          %get3A_462 = arith.constant 2 : i32
          %get3A_463 = arith.index_cast %get3A_462 : i32 to index
          %get3A_464 = arith.index_cast %add3A_461 : i32 to index
          %get3A_465 = tpu.vector_load %arg6[%get3A_463, %get3A_464] {strides = array<i32>} : memref<8x6400xf32, #tpu.memory_space<vmem>>, vector<16xf32>,
          %add3A_466 = arith.addf %scan3A_424, %get3A_465 : vector<16xf32>
          %add3A_467 = arith.constant 64 : i32
          %add3A_468 = arith.addi %mul3A_438, %add3A_467 : i32
          %get3A_469 = arith.constant 2 : i32
          %get3A_470 = arith.index_cast %get3A_469 : i32 to index
          %get3A_471 = arith.index_cast %add3A_468 : i32 to index
          %get3A_472 = tpu.vector_load %arg6[%get3A_470, %get3A_471] {strides = array<i32>} : memref<8x6400xf32, #tpu.memory_space<vmem>>, vector<16xf32>,
          %add3A_473 = arith.addf %scan3A_425, %get3A_472 : vector<16xf32>
          %add3A_474 = arith.constant 80 : i32
          %add3A_475 = arith.addi %mul3A_438, %add3A_474 : i32
          %get3A_476 = arith.constant 2 : i32
          %get3A_477 = arith.index_cast %get3A_476 : i32 to index
          %get3A_478 = arith.index_cast %add3A_475 : i32 to index
          %get3A_479 = tpu.vector_load %arg6[%get3A_477, %get3A_478] {strides = array<i32>} : memref<8x6400xf32, #tpu.memory_space<vmem>>, vector<16xf32>,
          %add3A_480 = arith.addf %scan3A_426, %get3A_479 : vector<16xf32>
          %add3A_481 = arith.constant 96 : i32
          %add3A_482 = arith.addi %mul3A_438, %add3A_481 : i32
          %get3A_483 = arith.constant 2 : i32
          %get3A_484 = arith.index_cast %get3A_483 : i32 to index
          %get3A_485 = arith.index_cast %add3A_482 : i32 to index
          %get3A_486 = tpu.vector_load %arg6[%get3A_484, %get3A_485] {strides = array<i32>} : memref<8x6400xf32, #tpu.memory_space<vmem>>, vector<16xf32>,
          %add3A_487 = arith.addf %scan3A_427, %get3A_486 : vector<16xf32>
          %add3A_488 = arith.constant 112 : i32
          %add3A_489 = arith.addi %mul3A_438, %add3A_488 : i32
          %get3A_490 = arith.constant 2 : i32
          %get3A_491 = arith.index_cast %get3A_490 : i32 to index
          %get3A_492 = arith.index_cast %add3A_489 : i32 to index
          %get3A_493 = tpu.vector_load %arg6[%get3A_491, %get3A_492] {strides = array<i32>} : memref<8x6400xf32, #tpu.memory_space<vmem>>, vector<16xf32>,
          %add3A_494 = arith.addf %scan3A_428, %get3A_493 : vector<16xf32>
          %add3A_495 = arith.constant 128 : i32
          %add3A_496 = arith.addi %mul3A_438, %add3A_495 : i32
          %get3A_497 = arith.constant 2 : i32
          %get3A_498 = arith.index_cast %get3A_497 : i32 to index
          %get3A_499 = arith.index_cast %add3A_496 : i32 to index
          %get3A_500 = tpu.vector_load %arg6[%get3A_498, %get3A_499] {strides = array<i32>} : memref<8x6400xf32, #tpu.memory_space<vmem>>, vector<16xf32>,
          %add3A_501 = arith.addf %scan3A_429, %get3A_500 : vector<16xf32>
          %add3A_502 = arith.constant 144 : i32
          %add3A_503 = arith.addi %mul3A_438, %add3A_502 : i32
          %get3A_504 = arith.constant 2 : i32
          %get3A_505 = arith.index_cast %get3A_504 : i32 to index
          %get3A_506 = arith.index_cast %add3A_503 : i32 to index
          %get3A_507 = tpu.vector_load %arg6[%get3A_505, %get3A_506] {strides = array<i32>} : memref<8x6400xf32, #tpu.memory_space<vmem>>, vector<16xf32>,
          %add3A_508 = arith.addf %scan3A_430, %get3A_507 : vector<16xf32>
          %add3A_509 = arith.constant 160 : i32
          %add3A_510 = arith.addi %mul3A_438, %add3A_509 : i32
          %get3A_511 = arith.constant 2 : i32
          %get3A_512 = arith.index_cast %get3A_511 : i32 to index
          %get3A_513 = arith.index_cast %add3A_510 : i32 to index
          %get3A_514 = tpu.vector_load %arg6[%get3A_512, %get3A_513] {strides = array<i32>} : memref<8x6400xf32, #tpu.memory_space<vmem>>, vector<16xf32>,
          %add3A_515 = arith.addf %scan3A_431, %get3A_514 : vector<16xf32>
          %add3A_516 = arith.constant 176 : i32
          %add3A_517 = arith.addi %mul3A_438, %add3A_516 : i32
          %get3A_518 = arith.constant 2 : i32
          %get3A_519 = arith.index_cast %get3A_518 : i32 to index
          %get3A_520 = arith.index_cast %add3A_517 : i32 to index
          %get3A_521 = tpu.vector_load %arg6[%get3A_519, %get3A_520] {strides = array<i32>} : memref<8x6400xf32, #tpu.memory_space<vmem>>, vector<16xf32>,
          %add3A_522 = arith.addf %scan3A_432, %get3A_521 : vector<16xf32>
          %add3A_523 = arith.constant 192 : i32
          %add3A_524 = arith.addi %mul3A_438, %add3A_523 : i32
          %get3A_525 = arith.constant 2 : i32
          %get3A_526 = arith.index_cast %get3A_525 : i32 to index
          %get3A_527 = arith.index_cast %add3A_524 : i32 to index
          %get3A_528 = tpu.vector_load %arg6[%get3A_526, %get3A_527] {strides = array<i32>} : memref<8x6400xf32, #tpu.memory_space<vmem>>, vector<16xf32>,
          %add3A_529 = arith.addf %scan3A_433, %get3A_528 : vector<16xf32>
          %add3A_530 = arith.constant 208 : i32
          %add3A_531 = arith.addi %mul3A_438, %add3A_530 : i32
          %get3A_532 = arith.constant 2 : i32
          %get3A_533 = arith.index_cast %get3A_532 : i32 to index
          %get3A_534 = arith.index_cast %add3A_531 : i32 to index
          %get3A_535 = tpu.vector_load %arg6[%get3A_533, %get3A_534] {strides = array<i32>} : memref<8x6400xf32, #tpu.memory_space<vmem>>, vector<16xf32>,
          %add3A_536 = arith.addf %scan3A_434, %get3A_535 : vector<16xf32>
          %add3A_537 = arith.constant 224 : i32
          %add3A_538 = arith.addi %mul3A_438, %add3A_537 : i32
          %get3A_539 = arith.constant 2 : i32
          %get3A_540 = arith.index_cast %get3A_539 : i32 to index
          %get3A_541 = arith.index_cast %add3A_538 : i32 to index
          %get3A_542 = tpu.vector_load %arg6[%get3A_540, %get3A_541] {strides = array<i32>} : memref<8x6400xf32, #tpu.memory_space<vmem>>, vector<16xf32>,
          %add3A_543 = arith.addf %scan3A_435, %get3A_542 : vector<16xf32>
          %add3A_544 = arith.constant 240 : i32
          %add3A_545 = arith.addi %mul3A_438, %add3A_544 : i32
          %get3A_546 = arith.constant 2 : i32
          %get3A_547 = arith.index_cast %get3A_546 : i32 to index
          %get3A_548 = arith.index_cast %add3A_545 : i32 to index
          %get3A_549 = tpu.vector_load %arg6[%get3A_547, %get3A_548] {strides = array<i32>} : memref<8x6400xf32, #tpu.memory_space<vmem>>, vector<16xf32>,
          %add3A_550 = arith.addf %scan3A_436, %get3A_549 : vector<16xf32>
          scf.yield %add3A_445, %add3A_452, %add3A_459, %add3A_466, %add3A_473, %add3A_480, %add3A_487, %add3A_494, %add3A_501, %add3A_508, %add3A_515, %add3A_522, %add3A_529, %add3A_536, %add3A_543, %add3A_550 : vector<16xf32>, vector<16xf32>, vector<16xf32>, vector<16xf32>, vector<16xf32>, vector<16xf32>, vector<16xf32>, vector<16xf32>, vector<16xf32>, vector<16xf32>, vector<16xf32>, vector<16xf32>, vector<16xf32>, vector<16xf32>, vector<16xf32>, vector<16xf32>
        }
        %scan3A_295 = arith.constant 25 : i32
        %scan3A_296 = arith.constant 0 : i32
        %scan3A_297 = arith.constant 25 : i32
        %scan3A_298 = arith.addi %scan3A_296, %scan3A_297 : i32
        %scan3A_299 = arith.constant 1 : i32
        %scan3A_300:16 = scf.for %scan3A_420 = %scan3A_296 to %scan3A_298 step %scan3A_299 iter_args(%scan3A_421 = %scan3A_294#0, %scan3A_422 = %scan3A_294#1, %scan3A_423 = %scan3A_294#2, %scan3A_424 = %scan3A_294#3, %scan3A_425 = %scan3A_294#4, %scan3A_426 = %scan3A_294#5, %scan3A_427 = %scan3A_294#6, %scan3A_428 = %scan3A_294#7, %scan3A_429 = %scan3A_294#8, %scan3A_430 = %scan3A_294#9, %scan3A_431 = %scan3A_294#10, %scan3A_432 = %scan3A_294#11, %scan3A_433 = %scan3A_294#12, %scan3A_434 = %scan3A_294#13, %scan3A_435 = %scan3A_294#14, %scan3A_436 = %scan3A_294#15) -> (vector<16xf32>, vector<16xf32>, vector<16xf32>, vector<16xf32>, vector<16xf32>, vector<16xf32>, vector<16xf32>, vector<16xf32>, vector<16xf32>, vector<16xf32>, vector<16xf32>, vector<16xf32>, vector<16xf32>, vector<16xf32>, vector<16xf32>, vector<16xf32>)  : i32 {
          %mul3A_437 = arith.constant 256 : i32
          %mul3A_438 = arith.muli %scan3A_420, %mul3A_437 : i32
          %add3A_439 = arith.constant 0 : i32
          %add3A_440 = arith.addi %mul3A_438, %add3A_439 : i32
          %get3A_441 = arith.constant 3 : i32
          %get3A_442 = arith.index_cast %get3A_441 : i32 to index
          %get3A_443 = arith.index_cast %add3A_440 : i32 to index
          %get3A_444 = tpu.vector_load %arg6[%get3A_442, %get3A_443] {strides = array<i32>} : memref<8x6400xf32, #tpu.memory_space<vmem>>, vector<16xf32>,
          %add3A_445 = arith.addf %scan3A_421, %get3A_444 : vector<16xf32>
          %add3A_446 = arith.constant 16 : i32
          %add3A_447 = arith.addi %mul3A_438, %add3A_446 : i32
          %get3A_448 = arith.constant 3 : i32
          %get3A_449 = arith.index_cast %get3A_448 : i32 to index
          %get3A_450 = arith.index_cast %add3A_447 : i32 to index
          %get3A_451 = tpu.vector_load %arg6[%get3A_449, %get3A_450] {strides = array<i32>} : memref<8x6400xf32, #tpu.memory_space<vmem>>, vector<16xf32>,
          %add3A_452 = arith.addf %scan3A_422, %get3A_451 : vector<16xf32>
          %add3A_453 = arith.constant 32 : i32
          %add3A_454 = arith.addi %mul3A_438, %add3A_453 : i32
          %get3A_455 = arith.constant 3 : i32
          %get3A_456 = arith.index_cast %get3A_455 : i32 to index
          %get3A_457 = arith.index_cast %add3A_454 : i32 to index
          %get3A_458 = tpu.vector_load %arg6[%get3A_456, %get3A_457] {strides = array<i32>} : memref<8x6400xf32, #tpu.memory_space<vmem>>, vector<16xf32>,
          %add3A_459 = arith.addf %scan3A_423, %get3A_458 : vector<16xf32>
          %add3A_460 = arith.constant 48 : i32
          %add3A_461 = arith.addi %mul3A_438, %add3A_460 : i32
          %get3A_462 = arith.constant 3 : i32
          %get3A_463 = arith.index_cast %get3A_462 : i32 to index
          %get3A_464 = arith.index_cast %add3A_461 : i32 to index
          %get3A_465 = tpu.vector_load %arg6[%get3A_463, %get3A_464] {strides = array<i32>} : memref<8x6400xf32, #tpu.memory_space<vmem>>, vector<16xf32>,
          %add3A_466 = arith.addf %scan3A_424, %get3A_465 : vector<16xf32>
          %add3A_467 = arith.constant 64 : i32
          %add3A_468 = arith.addi %mul3A_438, %add3A_467 : i32
          %get3A_469 = arith.constant 3 : i32
          %get3A_470 = arith.index_cast %get3A_469 : i32 to index
          %get3A_471 = arith.index_cast %add3A_468 : i32 to index
          %get3A_472 = tpu.vector_load %arg6[%get3A_470, %get3A_471] {strides = array<i32>} : memref<8x6400xf32, #tpu.memory_space<vmem>>, vector<16xf32>,
          %add3A_473 = arith.addf %scan3A_425, %get3A_472 : vector<16xf32>
          %add3A_474 = arith.constant 80 : i32
          %add3A_475 = arith.addi %mul3A_438, %add3A_474 : i32
          %get3A_476 = arith.constant 3 : i32
          %get3A_477 = arith.index_cast %get3A_476 : i32 to index
          %get3A_478 = arith.index_cast %add3A_475 : i32 to index
          %get3A_479 = tpu.vector_load %arg6[%get3A_477, %get3A_478] {strides = array<i32>} : memref<8x6400xf32, #tpu.memory_space<vmem>>, vector<16xf32>,
          %add3A_480 = arith.addf %scan3A_426, %get3A_479 : vector<16xf32>
          %add3A_481 = arith.constant 96 : i32
          %add3A_482 = arith.addi %mul3A_438, %add3A_481 : i32
          %get3A_483 = arith.constant 3 : i32
          %get3A_484 = arith.index_cast %get3A_483 : i32 to index
          %get3A_485 = arith.index_cast %add3A_482 : i32 to index
          %get3A_486 = tpu.vector_load %arg6[%get3A_484, %get3A_485] {strides = array<i32>} : memref<8x6400xf32, #tpu.memory_space<vmem>>, vector<16xf32>,
          %add3A_487 = arith.addf %scan3A_427, %get3A_486 : vector<16xf32>
          %add3A_488 = arith.constant 112 : i32
          %add3A_489 = arith.addi %mul3A_438, %add3A_488 : i32
          %get3A_490 = arith.constant 3 : i32
          %get3A_491 = arith.index_cast %get3A_490 : i32 to index
          %get3A_492 = arith.index_cast %add3A_489 : i32 to index
          %get3A_493 = tpu.vector_load %arg6[%get3A_491, %get3A_492] {strides = array<i32>} : memref<8x6400xf32, #tpu.memory_space<vmem>>, vector<16xf32>,
          %add3A_494 = arith.addf %scan3A_428, %get3A_493 : vector<16xf32>
          %add3A_495 = arith.constant 128 : i32
          %add3A_496 = arith.addi %mul3A_438, %add3A_495 : i32
          %get3A_497 = arith.constant 3 : i32
          %get3A_498 = arith.index_cast %get3A_497 : i32 to index
          %get3A_499 = arith.index_cast %add3A_496 : i32 to index
          %get3A_500 = tpu.vector_load %arg6[%get3A_498, %get3A_499] {strides = array<i32>} : memref<8x6400xf32, #tpu.memory_space<vmem>>, vector<16xf32>,
          %add3A_501 = arith.addf %scan3A_429, %get3A_500 : vector<16xf32>
          %add3A_502 = arith.constant 144 : i32
          %add3A_503 = arith.addi %mul3A_438, %add3A_502 : i32
          %get3A_504 = arith.constant 3 : i32
          %get3A_505 = arith.index_cast %get3A_504 : i32 to index
          %get3A_506 = arith.index_cast %add3A_503 : i32 to index
          %get3A_507 = tpu.vector_load %arg6[%get3A_505, %get3A_506] {strides = array<i32>} : memref<8x6400xf32, #tpu.memory_space<vmem>>, vector<16xf32>,
          %add3A_508 = arith.addf %scan3A_430, %get3A_507 : vector<16xf32>
          %add3A_509 = arith.constant 160 : i32
          %add3A_510 = arith.addi %mul3A_438, %add3A_509 : i32
          %get3A_511 = arith.constant 3 : i32
          %get3A_512 = arith.index_cast %get3A_511 : i32 to index
          %get3A_513 = arith.index_cast %add3A_510 : i32 to index
          %get3A_514 = tpu.vector_load %arg6[%get3A_512, %get3A_513] {strides = array<i32>} : memref<8x6400xf32, #tpu.memory_space<vmem>>, vector<16xf32>,
          %add3A_515 = arith.addf %scan3A_431, %get3A_514 : vector<16xf32>
          %add3A_516 = arith.constant 176 : i32
          %add3A_517 = arith.addi %mul3A_438, %add3A_516 : i32
          %get3A_518 = arith.constant 3 : i32
          %get3A_519 = arith.index_cast %get3A_518 : i32 to index
          %get3A_520 = arith.index_cast %add3A_517 : i32 to index
          %get3A_521 = tpu.vector_load %arg6[%get3A_519, %get3A_520] {strides = array<i32>} : memref<8x6400xf32, #tpu.memory_space<vmem>>, vector<16xf32>,
          %add3A_522 = arith.addf %scan3A_432, %get3A_521 : vector<16xf32>
          %add3A_523 = arith.constant 192 : i32
          %add3A_524 = arith.addi %mul3A_438, %add3A_523 : i32
          %get3A_525 = arith.constant 3 : i32
          %get3A_526 = arith.index_cast %get3A_525 : i32 to index
          %get3A_527 = arith.index_cast %add3A_524 : i32 to index
          %get3A_528 = tpu.vector_load %arg6[%get3A_526, %get3A_527] {strides = array<i32>} : memref<8x6400xf32, #tpu.memory_space<vmem>>, vector<16xf32>,
          %add3A_529 = arith.addf %scan3A_433, %get3A_528 : vector<16xf32>
          %add3A_530 = arith.constant 208 : i32
          %add3A_531 = arith.addi %mul3A_438, %add3A_530 : i32
          %get3A_532 = arith.constant 3 : i32
          %get3A_533 = arith.index_cast %get3A_532 : i32 to index
          %get3A_534 = arith.index_cast %add3A_531 : i32 to index
          %get3A_535 = tpu.vector_load %arg6[%get3A_533, %get3A_534] {strides = array<i32>} : memref<8x6400xf32, #tpu.memory_space<vmem>>, vector<16xf32>,
          %add3A_536 = arith.addf %scan3A_434, %get3A_535 : vector<16xf32>
          %add3A_537 = arith.constant 224 : i32
          %add3A_538 = arith.addi %mul3A_438, %add3A_537 : i32
          %get3A_539 = arith.constant 3 : i32
          %get3A_540 = arith.index_cast %get3A_539 : i32 to index
          %get3A_541 = arith.index_cast %add3A_538 : i32 to index
          %get3A_542 = tpu.vector_load %arg6[%get3A_540, %get3A_541] {strides = array<i32>} : memref<8x6400xf32, #tpu.memory_space<vmem>>, vector<16xf32>,
          %add3A_543 = arith.addf %scan3A_435, %get3A_542 : vector<16xf32>
          %add3A_544 = arith.constant 240 : i32
          %add3A_545 = arith.addi %mul3A_438, %add3A_544 : i32
          %get3A_546 = arith.constant 3 : i32
          %get3A_547 = arith.index_cast %get3A_546 : i32 to index
          %get3A_548 = arith.index_cast %add3A_545 : i32 to index
          %get3A_549 = tpu.vector_load %arg6[%get3A_547, %get3A_548] {strides = array<i32>} : memref<8x6400xf32, #tpu.memory_space<vmem>>, vector<16xf32>,
          %add3A_550 = arith.addf %scan3A_436, %get3A_549 : vector<16xf32>
          scf.yield %add3A_445, %add3A_452, %add3A_459, %add3A_466, %add3A_473, %add3A_480, %add3A_487, %add3A_494, %add3A_501, %add3A_508, %add3A_515, %add3A_522, %add3A_529, %add3A_536, %add3A_543, %add3A_550 : vector<16xf32>, vector<16xf32>, vector<16xf32>, vector<16xf32>, vector<16xf32>, vector<16xf32>, vector<16xf32>, vector<16xf32>, vector<16xf32>, vector<16xf32>, vector<16xf32>, vector<16xf32>, vector<16xf32>, vector<16xf32>, vector<16xf32>, vector<16xf32>
        }
        %scan3A_301 = arith.constant 25 : i32
        %scan3A_302 = arith.constant 0 : i32
        %scan3A_303 = arith.constant 25 : i32
        %scan3A_304 = arith.addi %scan3A_302, %scan3A_303 : i32
        %scan3A_305 = arith.constant 1 : i32
        %scan3A_306:16 = scf.for %scan3A_420 = %scan3A_302 to %scan3A_304 step %scan3A_305 iter_args(%scan3A_421 = %scan3A_300#0, %scan3A_422 = %scan3A_300#1, %scan3A_423 = %scan3A_300#2, %scan3A_424 = %scan3A_300#3, %scan3A_425 = %scan3A_300#4, %scan3A_426 = %scan3A_300#5, %scan3A_427 = %scan3A_300#6, %scan3A_428 = %scan3A_300#7, %scan3A_429 = %scan3A_300#8, %scan3A_430 = %scan3A_300#9, %scan3A_431 = %scan3A_300#10, %scan3A_432 = %scan3A_300#11, %scan3A_433 = %scan3A_300#12, %scan3A_434 = %scan3A_300#13, %scan3A_435 = %scan3A_300#14, %scan3A_436 = %scan3A_300#15) -> (vector<16xf32>, vector<16xf32>, vector<16xf32>, vector<16xf32>, vector<16xf32>, vector<16xf32>, vector<16xf32>, vector<16xf32>, vector<16xf32>, vector<16xf32>, vector<16xf32>, vector<16xf32>, vector<16xf32>, vector<16xf32>, vector<16xf32>, vector<16xf32>)  : i32 {
          %mul3A_437 = arith.constant 256 : i32
          %mul3A_438 = arith.muli %scan3A_420, %mul3A_437 : i32
          %add3A_439 = arith.constant 0 : i32
          %add3A_440 = arith.addi %mul3A_438, %add3A_439 : i32
          %get3A_441 = arith.constant 4 : i32
          %get3A_442 = arith.index_cast %get3A_441 : i32 to index
          %get3A_443 = arith.index_cast %add3A_440 : i32 to index
          %get3A_444 = tpu.vector_load %arg6[%get3A_442, %get3A_443] {strides = array<i32>} : memref<8x6400xf32, #tpu.memory_space<vmem>>, vector<16xf32>,
          %add3A_445 = arith.addf %scan3A_421, %get3A_444 : vector<16xf32>
          %add3A_446 = arith.constant 16 : i32
          %add3A_447 = arith.addi %mul3A_438, %add3A_446 : i32
          %get3A_448 = arith.constant 4 : i32
          %get3A_449 = arith.index_cast %get3A_448 : i32 to index
          %get3A_450 = arith.index_cast %add3A_447 : i32 to index
          %get3A_451 = tpu.vector_load %arg6[%get3A_449, %get3A_450] {strides = array<i32>} : memref<8x6400xf32, #tpu.memory_space<vmem>>, vector<16xf32>,
          %add3A_452 = arith.addf %scan3A_422, %get3A_451 : vector<16xf32>
          %add3A_453 = arith.constant 32 : i32
          %add3A_454 = arith.addi %mul3A_438, %add3A_453 : i32
          %get3A_455 = arith.constant 4 : i32
          %get3A_456 = arith.index_cast %get3A_455 : i32 to index
          %get3A_457 = arith.index_cast %add3A_454 : i32 to index
          %get3A_458 = tpu.vector_load %arg6[%get3A_456, %get3A_457] {strides = array<i32>} : memref<8x6400xf32, #tpu.memory_space<vmem>>, vector<16xf32>,
          %add3A_459 = arith.addf %scan3A_423, %get3A_458 : vector<16xf32>
          %add3A_460 = arith.constant 48 : i32
          %add3A_461 = arith.addi %mul3A_438, %add3A_460 : i32
          %get3A_462 = arith.constant 4 : i32
          %get3A_463 = arith.index_cast %get3A_462 : i32 to index
          %get3A_464 = arith.index_cast %add3A_461 : i32 to index
          %get3A_465 = tpu.vector_load %arg6[%get3A_463, %get3A_464] {strides = array<i32>} : memref<8x6400xf32, #tpu.memory_space<vmem>>, vector<16xf32>,
          %add3A_466 = arith.addf %scan3A_424, %get3A_465 : vector<16xf32>
          %add3A_467 = arith.constant 64 : i32
          %add3A_468 = arith.addi %mul3A_438, %add3A_467 : i32
          %get3A_469 = arith.constant 4 : i32
          %get3A_470 = arith.index_cast %get3A_469 : i32 to index
          %get3A_471 = arith.index_cast %add3A_468 : i32 to index
          %get3A_472 = tpu.vector_load %arg6[%get3A_470, %get3A_471] {strides = array<i32>} : memref<8x6400xf32, #tpu.memory_space<vmem>>, vector<16xf32>,
          %add3A_473 = arith.addf %scan3A_425, %get3A_472 : vector<16xf32>
          %add3A_474 = arith.constant 80 : i32
          %add3A_475 = arith.addi %mul3A_438, %add3A_474 : i32
          %get3A_476 = arith.constant 4 : i32
          %get3A_477 = arith.index_cast %get3A_476 : i32 to index
          %get3A_478 = arith.index_cast %add3A_475 : i32 to index
          %get3A_479 = tpu.vector_load %arg6[%get3A_477, %get3A_478] {strides = array<i32>} : memref<8x6400xf32, #tpu.memory_space<vmem>>, vector<16xf32>,
          %add3A_480 = arith.addf %scan3A_426, %get3A_479 : vector<16xf32>
          %add3A_481 = arith.constant 96 : i32
          %add3A_482 = arith.addi %mul3A_438, %add3A_481 : i32
          %get3A_483 = arith.constant 4 : i32
          %get3A_484 = arith.index_cast %get3A_483 : i32 to index
          %get3A_485 = arith.index_cast %add3A_482 : i32 to index
          %get3A_486 = tpu.vector_load %arg6[%get3A_484, %get3A_485] {strides = array<i32>} : memref<8x6400xf32, #tpu.memory_space<vmem>>, vector<16xf32>,
          %add3A_487 = arith.addf %scan3A_427, %get3A_486 : vector<16xf32>
          %add3A_488 = arith.constant 112 : i32
          %add3A_489 = arith.addi %mul3A_438, %add3A_488 : i32
          %get3A_490 = arith.constant 4 : i32
          %get3A_491 = arith.index_cast %get3A_490 : i32 to index
          %get3A_492 = arith.index_cast %add3A_489 : i32 to index
          %get3A_493 = tpu.vector_load %arg6[%get3A_491, %get3A_492] {strides = array<i32>} : memref<8x6400xf32, #tpu.memory_space<vmem>>, vector<16xf32>,
          %add3A_494 = arith.addf %scan3A_428, %get3A_493 : vector<16xf32>
          %add3A_495 = arith.constant 128 : i32
          %add3A_496 = arith.addi %mul3A_438, %add3A_495 : i32
          %get3A_497 = arith.constant 4 : i32
          %get3A_498 = arith.index_cast %get3A_497 : i32 to index
          %get3A_499 = arith.index_cast %add3A_496 : i32 to index
          %get3A_500 = tpu.vector_load %arg6[%get3A_498, %get3A_499] {strides = array<i32>} : memref<8x6400xf32, #tpu.memory_space<vmem>>, vector<16xf32>,
          %add3A_501 = arith.addf %scan3A_429, %get3A_500 : vector<16xf32>
          %add3A_502 = arith.constant 144 : i32
          %add3A_503 = arith.addi %mul3A_438, %add3A_502 : i32
          %get3A_504 = arith.constant 4 : i32
          %get3A_505 = arith.index_cast %get3A_504 : i32 to index
          %get3A_506 = arith.index_cast %add3A_503 : i32 to index
          %get3A_507 = tpu.vector_load %arg6[%get3A_505, %get3A_506] {strides = array<i32>} : memref<8x6400xf32, #tpu.memory_space<vmem>>, vector<16xf32>,
          %add3A_508 = arith.addf %scan3A_430, %get3A_507 : vector<16xf32>
          %add3A_509 = arith.constant 160 : i32
          %add3A_510 = arith.addi %mul3A_438, %add3A_509 : i32
          %get3A_511 = arith.constant 4 : i32
          %get3A_512 = arith.index_cast %get3A_511 : i32 to index
          %get3A_513 = arith.index_cast %add3A_510 : i32 to index
          %get3A_514 = tpu.vector_load %arg6[%get3A_512, %get3A_513] {strides = array<i32>} : memref<8x6400xf32, #tpu.memory_space<vmem>>, vector<16xf32>,
          %add3A_515 = arith.addf %scan3A_431, %get3A_514 : vector<16xf32>
          %add3A_516 = arith.constant 176 : i32
          %add3A_517 = arith.addi %mul3A_438, %add3A_516 : i32
          %get3A_518 = arith.constant 4 : i32
          %get3A_519 = arith.index_cast %get3A_518 : i32 to index
          %get3A_520 = arith.index_cast %add3A_517 : i32 to index
          %get3A_521 = tpu.vector_load %arg6[%get3A_519, %get3A_520] {strides = array<i32>} : memref<8x6400xf32, #tpu.memory_space<vmem>>, vector<16xf32>,
          %add3A_522 = arith.addf %scan3A_432, %get3A_521 : vector<16xf32>
          %add3A_523 = arith.constant 192 : i32
          %add3A_524 = arith.addi %mul3A_438, %add3A_523 : i32
          %get3A_525 = arith.constant 4 : i32
          %get3A_526 = arith.index_cast %get3A_525 : i32 to index
          %get3A_527 = arith.index_cast %add3A_524 : i32 to index
          %get3A_528 = tpu.vector_load %arg6[%get3A_526, %get3A_527] {strides = array<i32>} : memref<8x6400xf32, #tpu.memory_space<vmem>>, vector<16xf32>,
          %add3A_529 = arith.addf %scan3A_433, %get3A_528 : vector<16xf32>
          %add3A_530 = arith.constant 208 : i32
          %add3A_531 = arith.addi %mul3A_438, %add3A_530 : i32
          %get3A_532 = arith.constant 4 : i32
          %get3A_533 = arith.index_cast %get3A_532 : i32 to index
          %get3A_534 = arith.index_cast %add3A_531 : i32 to index
          %get3A_535 = tpu.vector_load %arg6[%get3A_533, %get3A_534] {strides = array<i32>} : memref<8x6400xf32, #tpu.memory_space<vmem>>, vector<16xf32>,
          %add3A_536 = arith.addf %scan3A_434, %get3A_535 : vector<16xf32>
          %add3A_537 = arith.constant 224 : i32
          %add3A_538 = arith.addi %mul3A_438, %add3A_537 : i32
          %get3A_539 = arith.constant 4 : i32
          %get3A_540 = arith.index_cast %get3A_539 : i32 to index
          %get3A_541 = arith.index_cast %add3A_538 : i32 to index
          %get3A_542 = tpu.vector_load %arg6[%get3A_540, %get3A_541] {strides = array<i32>} : memref<8x6400xf32, #tpu.memory_space<vmem>>, vector<16xf32>,
          %add3A_543 = arith.addf %scan3A_435, %get3A_542 : vector<16xf32>
          %add3A_544 = arith.constant 240 : i32
          %add3A_545 = arith.addi %mul3A_438, %add3A_544 : i32
          %get3A_546 = arith.constant 4 : i32
          %get3A_547 = arith.index_cast %get3A_546 : i32 to index
          %get3A_548 = arith.index_cast %add3A_545 : i32 to index
          %get3A_549 = tpu.vector_load %arg6[%get3A_547, %get3A_548] {strides = array<i32>} : memref<8x6400xf32, #tpu.memory_space<vmem>>, vector<16xf32>,
          %add3A_550 = arith.addf %scan3A_436, %get3A_549 : vector<16xf32>
          scf.yield %add3A_445, %add3A_452, %add3A_459, %add3A_466, %add3A_473, %add3A_480, %add3A_487, %add3A_494, %add3A_501, %add3A_508, %add3A_515, %add3A_522, %add3A_529, %add3A_536, %add3A_543, %add3A_550 : vector<16xf32>, vector<16xf32>, vector<16xf32>, vector<16xf32>, vector<16xf32>, vector<16xf32>, vector<16xf32>, vector<16xf32>, vector<16xf32>, vector<16xf32>, vector<16xf32>, vector<16xf32>, vector<16xf32>, vector<16xf32>, vector<16xf32>, vector<16xf32>
        }
        %scan3A_307 = arith.constant 25 : i32
        %scan3A_308 = arith.constant 0 : i32
        %scan3A_309 = arith.constant 25 : i32
        %scan3A_310 = arith.addi %scan3A_308, %scan3A_309 : i32
        %scan3A_311 = arith.constant 1 : i32
        %scan3A_312:16 = scf.for %scan3A_420 = %scan3A_308 to %scan3A_310 step %scan3A_311 iter_args(%scan3A_421 = %scan3A_306#0, %scan3A_422 = %scan3A_306#1, %scan3A_423 = %scan3A_306#2, %scan3A_424 = %scan3A_306#3, %scan3A_425 = %scan3A_306#4, %scan3A_426 = %scan3A_306#5, %scan3A_427 = %scan3A_306#6, %scan3A_428 = %scan3A_306#7, %scan3A_429 = %scan3A_306#8, %scan3A_430 = %scan3A_306#9, %scan3A_431 = %scan3A_306#10, %scan3A_432 = %scan3A_306#11, %scan3A_433 = %scan3A_306#12, %scan3A_434 = %scan3A_306#13, %scan3A_435 = %scan3A_306#14, %scan3A_436 = %scan3A_306#15) -> (vector<16xf32>, vector<16xf32>, vector<16xf32>, vector<16xf32>, vector<16xf32>, vector<16xf32>, vector<16xf32>, vector<16xf32>, vector<16xf32>, vector<16xf32>, vector<16xf32>, vector<16xf32>, vector<16xf32>, vector<16xf32>, vector<16xf32>, vector<16xf32>)  : i32 {
          %mul3A_437 = arith.constant 256 : i32
          %mul3A_438 = arith.muli %scan3A_420, %mul3A_437 : i32
          %add3A_439 = arith.constant 0 : i32
          %add3A_440 = arith.addi %mul3A_438, %add3A_439 : i32
          %get3A_441 = arith.constant 5 : i32
          %get3A_442 = arith.index_cast %get3A_441 : i32 to index
          %get3A_443 = arith.index_cast %add3A_440 : i32 to index
          %get3A_444 = tpu.vector_load %arg6[%get3A_442, %get3A_443] {strides = array<i32>} : memref<8x6400xf32, #tpu.memory_space<vmem>>, vector<16xf32>,
          %add3A_445 = arith.addf %scan3A_421, %get3A_444 : vector<16xf32>
          %add3A_446 = arith.constant 16 : i32
          %add3A_447 = arith.addi %mul3A_438, %add3A_446 : i32
          %get3A_448 = arith.constant 5 : i32
          %get3A_449 = arith.index_cast %get3A_448 : i32 to index
          %get3A_450 = arith.index_cast %add3A_447 : i32 to index
          %get3A_451 = tpu.vector_load %arg6[%get3A_449, %get3A_450] {strides = array<i32>} : memref<8x6400xf32, #tpu.memory_space<vmem>>, vector<16xf32>,
          %add3A_452 = arith.addf %scan3A_422, %get3A_451 : vector<16xf32>
          %add3A_453 = arith.constant 32 : i32
          %add3A_454 = arith.addi %mul3A_438, %add3A_453 : i32
          %get3A_455 = arith.constant 5 : i32
          %get3A_456 = arith.index_cast %get3A_455 : i32 to index
          %get3A_457 = arith.index_cast %add3A_454 : i32 to index
          %get3A_458 = tpu.vector_load %arg6[%get3A_456, %get3A_457] {strides = array<i32>} : memref<8x6400xf32, #tpu.memory_space<vmem>>, vector<16xf32>,
          %add3A_459 = arith.addf %scan3A_423, %get3A_458 : vector<16xf32>
          %add3A_460 = arith.constant 48 : i32
          %add3A_461 = arith.addi %mul3A_438, %add3A_460 : i32
          %get3A_462 = arith.constant 5 : i32
          %get3A_463 = arith.index_cast %get3A_462 : i32 to index
          %get3A_464 = arith.index_cast %add3A_461 : i32 to index
          %get3A_465 = tpu.vector_load %arg6[%get3A_463, %get3A_464] {strides = array<i32>} : memref<8x6400xf32, #tpu.memory_space<vmem>>, vector<16xf32>,
          %add3A_466 = arith.addf %scan3A_424, %get3A_465 : vector<16xf32>
          %add3A_467 = arith.constant 64 : i32
          %add3A_468 = arith.addi %mul3A_438, %add3A_467 : i32
          %get3A_469 = arith.constant 5 : i32
          %get3A_470 = arith.index_cast %get3A_469 : i32 to index
          %get3A_471 = arith.index_cast %add3A_468 : i32 to index
          %get3A_472 = tpu.vector_load %arg6[%get3A_470, %get3A_471] {strides = array<i32>} : memref<8x6400xf32, #tpu.memory_space<vmem>>, vector<16xf32>,
          %add3A_473 = arith.addf %scan3A_425, %get3A_472 : vector<16xf32>
          %add3A_474 = arith.constant 80 : i32
          %add3A_475 = arith.addi %mul3A_438, %add3A_474 : i32
          %get3A_476 = arith.constant 5 : i32
          %get3A_477 = arith.index_cast %get3A_476 : i32 to index
          %get3A_478 = arith.index_cast %add3A_475 : i32 to index
          %get3A_479 = tpu.vector_load %arg6[%get3A_477, %get3A_478] {strides = array<i32>} : memref<8x6400xf32, #tpu.memory_space<vmem>>, vector<16xf32>,
          %add3A_480 = arith.addf %scan3A_426, %get3A_479 : vector<16xf32>
          %add3A_481 = arith.constant 96 : i32
          %add3A_482 = arith.addi %mul3A_438, %add3A_481 : i32
          %get3A_483 = arith.constant 5 : i32
          %get3A_484 = arith.index_cast %get3A_483 : i32 to index
          %get3A_485 = arith.index_cast %add3A_482 : i32 to index
          %get3A_486 = tpu.vector_load %arg6[%get3A_484, %get3A_485] {strides = array<i32>} : memref<8x6400xf32, #tpu.memory_space<vmem>>, vector<16xf32>,
          %add3A_487 = arith.addf %scan3A_427, %get3A_486 : vector<16xf32>
          %add3A_488 = arith.constant 112 : i32
          %add3A_489 = arith.addi %mul3A_438, %add3A_488 : i32
          %get3A_490 = arith.constant 5 : i32
          %get3A_491 = arith.index_cast %get3A_490 : i32 to index
          %get3A_492 = arith.index_cast %add3A_489 : i32 to index
          %get3A_493 = tpu.vector_load %arg6[%get3A_491, %get3A_492] {strides = array<i32>} : memref<8x6400xf32, #tpu.memory_space<vmem>>, vector<16xf32>,
          %add3A_494 = arith.addf %scan3A_428, %get3A_493 : vector<16xf32>
          %add3A_495 = arith.constant 128 : i32
          %add3A_496 = arith.addi %mul3A_438, %add3A_495 : i32
          %get3A_497 = arith.constant 5 : i32
          %get3A_498 = arith.index_cast %get3A_497 : i32 to index
          %get3A_499 = arith.index_cast %add3A_496 : i32 to index
          %get3A_500 = tpu.vector_load %arg6[%get3A_498, %get3A_499] {strides = array<i32>} : memref<8x6400xf32, #tpu.memory_space<vmem>>, vector<16xf32>,
          %add3A_501 = arith.addf %scan3A_429, %get3A_500 : vector<16xf32>
          %add3A_502 = arith.constant 144 : i32
          %add3A_503 = arith.addi %mul3A_438, %add3A_502 : i32
          %get3A_504 = arith.constant 5 : i32
          %get3A_505 = arith.index_cast %get3A_504 : i32 to index
          %get3A_506 = arith.index_cast %add3A_503 : i32 to index
          %get3A_507 = tpu.vector_load %arg6[%get3A_505, %get3A_506] {strides = array<i32>} : memref<8x6400xf32, #tpu.memory_space<vmem>>, vector<16xf32>,
          %add3A_508 = arith.addf %scan3A_430, %get3A_507 : vector<16xf32>
          %add3A_509 = arith.constant 160 : i32
          %add3A_510 = arith.addi %mul3A_438, %add3A_509 : i32
          %get3A_511 = arith.constant 5 : i32
          %get3A_512 = arith.index_cast %get3A_511 : i32 to index
          %get3A_513 = arith.index_cast %add3A_510 : i32 to index
          %get3A_514 = tpu.vector_load %arg6[%get3A_512, %get3A_513] {strides = array<i32>} : memref<8x6400xf32, #tpu.memory_space<vmem>>, vector<16xf32>,
          %add3A_515 = arith.addf %scan3A_431, %get3A_514 : vector<16xf32>
          %add3A_516 = arith.constant 176 : i32
          %add3A_517 = arith.addi %mul3A_438, %add3A_516 : i32
          %get3A_518 = arith.constant 5 : i32
          %get3A_519 = arith.index_cast %get3A_518 : i32 to index
          %get3A_520 = arith.index_cast %add3A_517 : i32 to index
          %get3A_521 = tpu.vector_load %arg6[%get3A_519, %get3A_520] {strides = array<i32>} : memref<8x6400xf32, #tpu.memory_space<vmem>>, vector<16xf32>,
          %add3A_522 = arith.addf %scan3A_432, %get3A_521 : vector<16xf32>
          %add3A_523 = arith.constant 192 : i32
          %add3A_524 = arith.addi %mul3A_438, %add3A_523 : i32
          %get3A_525 = arith.constant 5 : i32
          %get3A_526 = arith.index_cast %get3A_525 : i32 to index
          %get3A_527 = arith.index_cast %add3A_524 : i32 to index
          %get3A_528 = tpu.vector_load %arg6[%get3A_526, %get3A_527] {strides = array<i32>} : memref<8x6400xf32, #tpu.memory_space<vmem>>, vector<16xf32>,
          %add3A_529 = arith.addf %scan3A_433, %get3A_528 : vector<16xf32>
          %add3A_530 = arith.constant 208 : i32
          %add3A_531 = arith.addi %mul3A_438, %add3A_530 : i32
          %get3A_532 = arith.constant 5 : i32
          %get3A_533 = arith.index_cast %get3A_532 : i32 to index
          %get3A_534 = arith.index_cast %add3A_531 : i32 to index
          %get3A_535 = tpu.vector_load %arg6[%get3A_533, %get3A_534] {strides = array<i32>} : memref<8x6400xf32, #tpu.memory_space<vmem>>, vector<16xf32>,
          %add3A_536 = arith.addf %scan3A_434, %get3A_535 : vector<16xf32>
          %add3A_537 = arith.constant 224 : i32
          %add3A_538 = arith.addi %mul3A_438, %add3A_537 : i32
          %get3A_539 = arith.constant 5 : i32
          %get3A_540 = arith.index_cast %get3A_539 : i32 to index
          %get3A_541 = arith.index_cast %add3A_538 : i32 to index
          %get3A_542 = tpu.vector_load %arg6[%get3A_540, %get3A_541] {strides = array<i32>} : memref<8x6400xf32, #tpu.memory_space<vmem>>, vector<16xf32>,
          %add3A_543 = arith.addf %scan3A_435, %get3A_542 : vector<16xf32>
          %add3A_544 = arith.constant 240 : i32
          %add3A_545 = arith.addi %mul3A_438, %add3A_544 : i32
          %get3A_546 = arith.constant 5 : i32
          %get3A_547 = arith.index_cast %get3A_546 : i32 to index
          %get3A_548 = arith.index_cast %add3A_545 : i32 to index
          %get3A_549 = tpu.vector_load %arg6[%get3A_547, %get3A_548] {strides = array<i32>} : memref<8x6400xf32, #tpu.memory_space<vmem>>, vector<16xf32>,
          %add3A_550 = arith.addf %scan3A_436, %get3A_549 : vector<16xf32>
          scf.yield %add3A_445, %add3A_452, %add3A_459, %add3A_466, %add3A_473, %add3A_480, %add3A_487, %add3A_494, %add3A_501, %add3A_508, %add3A_515, %add3A_522, %add3A_529, %add3A_536, %add3A_543, %add3A_550 : vector<16xf32>, vector<16xf32>, vector<16xf32>, vector<16xf32>, vector<16xf32>, vector<16xf32>, vector<16xf32>, vector<16xf32>, vector<16xf32>, vector<16xf32>, vector<16xf32>, vector<16xf32>, vector<16xf32>, vector<16xf32>, vector<16xf32>, vector<16xf32>
        }
        %scan3A_313 = arith.constant 25 : i32
        %scan3A_314 = arith.constant 0 : i32
        %scan3A_315 = arith.constant 25 : i32
        %scan3A_316 = arith.addi %scan3A_314, %scan3A_315 : i32
        %scan3A_317 = arith.constant 1 : i32
        %scan3A_318:16 = scf.for %scan3A_420 = %scan3A_314 to %scan3A_316 step %scan3A_317 iter_args(%scan3A_421 = %scan3A_312#0, %scan3A_422 = %scan3A_312#1, %scan3A_423 = %scan3A_312#2, %scan3A_424 = %scan3A_312#3, %scan3A_425 = %scan3A_312#4, %scan3A_426 = %scan3A_312#5, %scan3A_427 = %scan3A_312#6, %scan3A_428 = %scan3A_312#7, %scan3A_429 = %scan3A_312#8, %scan3A_430 = %scan3A_312#9, %scan3A_431 = %scan3A_312#10, %scan3A_432 = %scan3A_312#11, %scan3A_433 = %scan3A_312#12, %scan3A_434 = %scan3A_312#13, %scan3A_435 = %scan3A_312#14, %scan3A_436 = %scan3A_312#15) -> (vector<16xf32>, vector<16xf32>, vector<16xf32>, vector<16xf32>, vector<16xf32>, vector<16xf32>, vector<16xf32>, vector<16xf32>, vector<16xf32>, vector<16xf32>, vector<16xf32>, vector<16xf32>, vector<16xf32>, vector<16xf32>, vector<16xf32>, vector<16xf32>)  : i32 {
          %mul3A_437 = arith.constant 256 : i32
          %mul3A_438 = arith.muli %scan3A_420, %mul3A_437 : i32
          %add3A_439 = arith.constant 0 : i32
          %add3A_440 = arith.addi %mul3A_438, %add3A_439 : i32
          %get3A_441 = arith.constant 6 : i32
          %get3A_442 = arith.index_cast %get3A_441 : i32 to index
          %get3A_443 = arith.index_cast %add3A_440 : i32 to index
          %get3A_444 = tpu.vector_load %arg6[%get3A_442, %get3A_443] {strides = array<i32>} : memref<8x6400xf32, #tpu.memory_space<vmem>>, vector<16xf32>,
          %add3A_445 = arith.addf %scan3A_421, %get3A_444 : vector<16xf32>
          %add3A_446 = arith.constant 16 : i32
          %add3A_447 = arith.addi %mul3A_438, %add3A_446 : i32
          %get3A_448 = arith.constant 6 : i32
          %get3A_449 = arith.index_cast %get3A_448 : i32 to index
          %get3A_450 = arith.index_cast %add3A_447 : i32 to index
          %get3A_451 = tpu.vector_load %arg6[%get3A_449, %get3A_450] {strides = array<i32>} : memref<8x6400xf32, #tpu.memory_space<vmem>>, vector<16xf32>,
          %add3A_452 = arith.addf %scan3A_422, %get3A_451 : vector<16xf32>
          %add3A_453 = arith.constant 32 : i32
          %add3A_454 = arith.addi %mul3A_438, %add3A_453 : i32
          %get3A_455 = arith.constant 6 : i32
          %get3A_456 = arith.index_cast %get3A_455 : i32 to index
          %get3A_457 = arith.index_cast %add3A_454 : i32 to index
          %get3A_458 = tpu.vector_load %arg6[%get3A_456, %get3A_457] {strides = array<i32>} : memref<8x6400xf32, #tpu.memory_space<vmem>>, vector<16xf32>,
          %add3A_459 = arith.addf %scan3A_423, %get3A_458 : vector<16xf32>
          %add3A_460 = arith.constant 48 : i32
          %add3A_461 = arith.addi %mul3A_438, %add3A_460 : i32
          %get3A_462 = arith.constant 6 : i32
          %get3A_463 = arith.index_cast %get3A_462 : i32 to index
          %get3A_464 = arith.index_cast %add3A_461 : i32 to index
          %get3A_465 = tpu.vector_load %arg6[%get3A_463, %get3A_464] {strides = array<i32>} : memref<8x6400xf32, #tpu.memory_space<vmem>>, vector<16xf32>,
          %add3A_466 = arith.addf %scan3A_424, %get3A_465 : vector<16xf32>
          %add3A_467 = arith.constant 64 : i32
          %add3A_468 = arith.addi %mul3A_438, %add3A_467 : i32
          %get3A_469 = arith.constant 6 : i32
          %get3A_470 = arith.index_cast %get3A_469 : i32 to index
          %get3A_471 = arith.index_cast %add3A_468 : i32 to index
          %get3A_472 = tpu.vector_load %arg6[%get3A_470, %get3A_471] {strides = array<i32>} : memref<8x6400xf32, #tpu.memory_space<vmem>>, vector<16xf32>,
          %add3A_473 = arith.addf %scan3A_425, %get3A_472 : vector<16xf32>
          %add3A_474 = arith.constant 80 : i32
          %add3A_475 = arith.addi %mul3A_438, %add3A_474 : i32
          %get3A_476 = arith.constant 6 : i32
          %get3A_477 = arith.index_cast %get3A_476 : i32 to index
          %get3A_478 = arith.index_cast %add3A_475 : i32 to index
          %get3A_479 = tpu.vector_load %arg6[%get3A_477, %get3A_478] {strides = array<i32>} : memref<8x6400xf32, #tpu.memory_space<vmem>>, vector<16xf32>,
          %add3A_480 = arith.addf %scan3A_426, %get3A_479 : vector<16xf32>
          %add3A_481 = arith.constant 96 : i32
          %add3A_482 = arith.addi %mul3A_438, %add3A_481 : i32
          %get3A_483 = arith.constant 6 : i32
          %get3A_484 = arith.index_cast %get3A_483 : i32 to index
          %get3A_485 = arith.index_cast %add3A_482 : i32 to index
          %get3A_486 = tpu.vector_load %arg6[%get3A_484, %get3A_485] {strides = array<i32>} : memref<8x6400xf32, #tpu.memory_space<vmem>>, vector<16xf32>,
          %add3A_487 = arith.addf %scan3A_427, %get3A_486 : vector<16xf32>
          %add3A_488 = arith.constant 112 : i32
          %add3A_489 = arith.addi %mul3A_438, %add3A_488 : i32
          %get3A_490 = arith.constant 6 : i32
          %get3A_491 = arith.index_cast %get3A_490 : i32 to index
          %get3A_492 = arith.index_cast %add3A_489 : i32 to index
          %get3A_493 = tpu.vector_load %arg6[%get3A_491, %get3A_492] {strides = array<i32>} : memref<8x6400xf32, #tpu.memory_space<vmem>>, vector<16xf32>,
          %add3A_494 = arith.addf %scan3A_428, %get3A_493 : vector<16xf32>
          %add3A_495 = arith.constant 128 : i32
          %add3A_496 = arith.addi %mul3A_438, %add3A_495 : i32
          %get3A_497 = arith.constant 6 : i32
          %get3A_498 = arith.index_cast %get3A_497 : i32 to index
          %get3A_499 = arith.index_cast %add3A_496 : i32 to index
          %get3A_500 = tpu.vector_load %arg6[%get3A_498, %get3A_499] {strides = array<i32>} : memref<8x6400xf32, #tpu.memory_space<vmem>>, vector<16xf32>,
          %add3A_501 = arith.addf %scan3A_429, %get3A_500 : vector<16xf32>
          %add3A_502 = arith.constant 144 : i32
          %add3A_503 = arith.addi %mul3A_438, %add3A_502 : i32
          %get3A_504 = arith.constant 6 : i32
          %get3A_505 = arith.index_cast %get3A_504 : i32 to index
          %get3A_506 = arith.index_cast %add3A_503 : i32 to index
          %get3A_507 = tpu.vector_load %arg6[%get3A_505, %get3A_506] {strides = array<i32>} : memref<8x6400xf32, #tpu.memory_space<vmem>>, vector<16xf32>,
          %add3A_508 = arith.addf %scan3A_430, %get3A_507 : vector<16xf32>
          %add3A_509 = arith.constant 160 : i32
          %add3A_510 = arith.addi %mul3A_438, %add3A_509 : i32
          %get3A_511 = arith.constant 6 : i32
          %get3A_512 = arith.index_cast %get3A_511 : i32 to index
          %get3A_513 = arith.index_cast %add3A_510 : i32 to index
          %get3A_514 = tpu.vector_load %arg6[%get3A_512, %get3A_513] {strides = array<i32>} : memref<8x6400xf32, #tpu.memory_space<vmem>>, vector<16xf32>,
          %add3A_515 = arith.addf %scan3A_431, %get3A_514 : vector<16xf32>
          %add3A_516 = arith.constant 176 : i32
          %add3A_517 = arith.addi %mul3A_438, %add3A_516 : i32
          %get3A_518 = arith.constant 6 : i32
          %get3A_519 = arith.index_cast %get3A_518 : i32 to index
          %get3A_520 = arith.index_cast %add3A_517 : i32 to index
          %get3A_521 = tpu.vector_load %arg6[%get3A_519, %get3A_520] {strides = array<i32>} : memref<8x6400xf32, #tpu.memory_space<vmem>>, vector<16xf32>,
          %add3A_522 = arith.addf %scan3A_432, %get3A_521 : vector<16xf32>
          %add3A_523 = arith.constant 192 : i32
          %add3A_524 = arith.addi %mul3A_438, %add3A_523 : i32
          %get3A_525 = arith.constant 6 : i32
          %get3A_526 = arith.index_cast %get3A_525 : i32 to index
          %get3A_527 = arith.index_cast %add3A_524 : i32 to index
          %get3A_528 = tpu.vector_load %arg6[%get3A_526, %get3A_527] {strides = array<i32>} : memref<8x6400xf32, #tpu.memory_space<vmem>>, vector<16xf32>,
          %add3A_529 = arith.addf %scan3A_433, %get3A_528 : vector<16xf32>
          %add3A_530 = arith.constant 208 : i32
          %add3A_531 = arith.addi %mul3A_438, %add3A_530 : i32
          %get3A_532 = arith.constant 6 : i32
          %get3A_533 = arith.index_cast %get3A_532 : i32 to index
          %get3A_534 = arith.index_cast %add3A_531 : i32 to index
          %get3A_535 = tpu.vector_load %arg6[%get3A_533, %get3A_534] {strides = array<i32>} : memref<8x6400xf32, #tpu.memory_space<vmem>>, vector<16xf32>,
          %add3A_536 = arith.addf %scan3A_434, %get3A_535 : vector<16xf32>
          %add3A_537 = arith.constant 224 : i32
          %add3A_538 = arith.addi %mul3A_438, %add3A_537 : i32
          %get3A_539 = arith.constant 6 : i32
          %get3A_540 = arith.index_cast %get3A_539 : i32 to index
          %get3A_541 = arith.index_cast %add3A_538 : i32 to index
          %get3A_542 = tpu.vector_load %arg6[%get3A_540, %get3A_541] {strides = array<i32>} : memref<8x6400xf32, #tpu.memory_space<vmem>>, vector<16xf32>,
          %add3A_543 = arith.addf %scan3A_435, %get3A_542 : vector<16xf32>
          %add3A_544 = arith.constant 240 : i32
          %add3A_545 = arith.addi %mul3A_438, %add3A_544 : i32
          %get3A_546 = arith.constant 6 : i32
          %get3A_547 = arith.index_cast %get3A_546 : i32 to index
          %get3A_548 = arith.index_cast %add3A_545 : i32 to index
          %get3A_549 = tpu.vector_load %arg6[%get3A_547, %get3A_548] {strides = array<i32>} : memref<8x6400xf32, #tpu.memory_space<vmem>>, vector<16xf32>,
          %add3A_550 = arith.addf %scan3A_436, %get3A_549 : vector<16xf32>
          scf.yield %add3A_445, %add3A_452, %add3A_459, %add3A_466, %add3A_473, %add3A_480, %add3A_487, %add3A_494, %add3A_501, %add3A_508, %add3A_515, %add3A_522, %add3A_529, %add3A_536, %add3A_543, %add3A_550 : vector<16xf32>, vector<16xf32>, vector<16xf32>, vector<16xf32>, vector<16xf32>, vector<16xf32>, vector<16xf32>, vector<16xf32>, vector<16xf32>, vector<16xf32>, vector<16xf32>, vector<16xf32>, vector<16xf32>, vector<16xf32>, vector<16xf32>, vector<16xf32>
        }
        %scan3A_319 = arith.constant 25 : i32
        %scan3A_320 = arith.constant 0 : i32
        %scan3A_321 = arith.constant 25 : i32
        %scan3A_322 = arith.addi %scan3A_320, %scan3A_321 : i32
        %scan3A_323 = arith.constant 1 : i32
        %scan3A_324:16 = scf.for %scan3A_420 = %scan3A_320 to %scan3A_322 step %scan3A_323 iter_args(%scan3A_421 = %scan3A_318#0, %scan3A_422 = %scan3A_318#1, %scan3A_423 = %scan3A_318#2, %scan3A_424 = %scan3A_318#3, %scan3A_425 = %scan3A_318#4, %scan3A_426 = %scan3A_318#5, %scan3A_427 = %scan3A_318#6, %scan3A_428 = %scan3A_318#7, %scan3A_429 = %scan3A_318#8, %scan3A_430 = %scan3A_318#9, %scan3A_431 = %scan3A_318#10, %scan3A_432 = %scan3A_318#11, %scan3A_433 = %scan3A_318#12, %scan3A_434 = %scan3A_318#13, %scan3A_435 = %scan3A_318#14, %scan3A_436 = %scan3A_318#15) -> (vector<16xf32>, vector<16xf32>, vector<16xf32>, vector<16xf32>, vector<16xf32>, vector<16xf32>, vector<16xf32>, vector<16xf32>, vector<16xf32>, vector<16xf32>, vector<16xf32>, vector<16xf32>, vector<16xf32>, vector<16xf32>, vector<16xf32>, vector<16xf32>)  : i32 {
          %mul3A_437 = arith.constant 256 : i32
          %mul3A_438 = arith.muli %scan3A_420, %mul3A_437 : i32
          %add3A_439 = arith.constant 0 : i32
          %add3A_440 = arith.addi %mul3A_438, %add3A_439 : i32
          %get3A_441 = arith.constant 7 : i32
          %get3A_442 = arith.index_cast %get3A_441 : i32 to index
          %get3A_443 = arith.index_cast %add3A_440 : i32 to index
          %get3A_444 = tpu.vector_load %arg6[%get3A_442, %get3A_443] {strides = array<i32>} : memref<8x6400xf32, #tpu.memory_space<vmem>>, vector<16xf32>,
          %add3A_445 = arith.addf %scan3A_421, %get3A_444 : vector<16xf32>
          %add3A_446 = arith.constant 16 : i32
          %add3A_447 = arith.addi %mul3A_438, %add3A_446 : i32
          %get3A_448 = arith.constant 7 : i32
          %get3A_449 = arith.index_cast %get3A_448 : i32 to index
          %get3A_450 = arith.index_cast %add3A_447 : i32 to index
          %get3A_451 = tpu.vector_load %arg6[%get3A_449, %get3A_450] {strides = array<i32>} : memref<8x6400xf32, #tpu.memory_space<vmem>>, vector<16xf32>,
          %add3A_452 = arith.addf %scan3A_422, %get3A_451 : vector<16xf32>
          %add3A_453 = arith.constant 32 : i32
          %add3A_454 = arith.addi %mul3A_438, %add3A_453 : i32
          %get3A_455 = arith.constant 7 : i32
          %get3A_456 = arith.index_cast %get3A_455 : i32 to index
          %get3A_457 = arith.index_cast %add3A_454 : i32 to index
          %get3A_458 = tpu.vector_load %arg6[%get3A_456, %get3A_457] {strides = array<i32>} : memref<8x6400xf32, #tpu.memory_space<vmem>>, vector<16xf32>,
          %add3A_459 = arith.addf %scan3A_423, %get3A_458 : vector<16xf32>
          %add3A_460 = arith.constant 48 : i32
          %add3A_461 = arith.addi %mul3A_438, %add3A_460 : i32
          %get3A_462 = arith.constant 7 : i32
          %get3A_463 = arith.index_cast %get3A_462 : i32 to index
          %get3A_464 = arith.index_cast %add3A_461 : i32 to index
          %get3A_465 = tpu.vector_load %arg6[%get3A_463, %get3A_464] {strides = array<i32>} : memref<8x6400xf32, #tpu.memory_space<vmem>>, vector<16xf32>,
          %add3A_466 = arith.addf %scan3A_424, %get3A_465 : vector<16xf32>
          %add3A_467 = arith.constant 64 : i32
          %add3A_468 = arith.addi %mul3A_438, %add3A_467 : i32
          %get3A_469 = arith.constant 7 : i32
          %get3A_470 = arith.index_cast %get3A_469 : i32 to index
          %get3A_471 = arith.index_cast %add3A_468 : i32 to index
          %get3A_472 = tpu.vector_load %arg6[%get3A_470, %get3A_471] {strides = array<i32>} : memref<8x6400xf32, #tpu.memory_space<vmem>>, vector<16xf32>,
          %add3A_473 = arith.addf %scan3A_425, %get3A_472 : vector<16xf32>
          %add3A_474 = arith.constant 80 : i32
          %add3A_475 = arith.addi %mul3A_438, %add3A_474 : i32
          %get3A_476 = arith.constant 7 : i32
          %get3A_477 = arith.index_cast %get3A_476 : i32 to index
          %get3A_478 = arith.index_cast %add3A_475 : i32 to index
          %get3A_479 = tpu.vector_load %arg6[%get3A_477, %get3A_478] {strides = array<i32>} : memref<8x6400xf32, #tpu.memory_space<vmem>>, vector<16xf32>,
          %add3A_480 = arith.addf %scan3A_426, %get3A_479 : vector<16xf32>
          %add3A_481 = arith.constant 96 : i32
          %add3A_482 = arith.addi %mul3A_438, %add3A_481 : i32
          %get3A_483 = arith.constant 7 : i32
          %get3A_484 = arith.index_cast %get3A_483 : i32 to index
          %get3A_485 = arith.index_cast %add3A_482 : i32 to index
          %get3A_486 = tpu.vector_load %arg6[%get3A_484, %get3A_485] {strides = array<i32>} : memref<8x6400xf32, #tpu.memory_space<vmem>>, vector<16xf32>,
          %add3A_487 = arith.addf %scan3A_427, %get3A_486 : vector<16xf32>
          %add3A_488 = arith.constant 112 : i32
          %add3A_489 = arith.addi %mul3A_438, %add3A_488 : i32
          %get3A_490 = arith.constant 7 : i32
          %get3A_491 = arith.index_cast %get3A_490 : i32 to index
          %get3A_492 = arith.index_cast %add3A_489 : i32 to index
          %get3A_493 = tpu.vector_load %arg6[%get3A_491, %get3A_492] {strides = array<i32>} : memref<8x6400xf32, #tpu.memory_space<vmem>>, vector<16xf32>,
          %add3A_494 = arith.addf %scan3A_428, %get3A_493 : vector<16xf32>
          %add3A_495 = arith.constant 128 : i32
          %add3A_496 = arith.addi %mul3A_438, %add3A_495 : i32
          %get3A_497 = arith.constant 7 : i32
          %get3A_498 = arith.index_cast %get3A_497 : i32 to index
          %get3A_499 = arith.index_cast %add3A_496 : i32 to index
          %get3A_500 = tpu.vector_load %arg6[%get3A_498, %get3A_499] {strides = array<i32>} : memref<8x6400xf32, #tpu.memory_space<vmem>>, vector<16xf32>,
          %add3A_501 = arith.addf %scan3A_429, %get3A_500 : vector<16xf32>
          %add3A_502 = arith.constant 144 : i32
          %add3A_503 = arith.addi %mul3A_438, %add3A_502 : i32
          %get3A_504 = arith.constant 7 : i32
          %get3A_505 = arith.index_cast %get3A_504 : i32 to index
          %get3A_506 = arith.index_cast %add3A_503 : i32 to index
          %get3A_507 = tpu.vector_load %arg6[%get3A_505, %get3A_506] {strides = array<i32>} : memref<8x6400xf32, #tpu.memory_space<vmem>>, vector<16xf32>,
          %add3A_508 = arith.addf %scan3A_430, %get3A_507 : vector<16xf32>
          %add3A_509 = arith.constant 160 : i32
          %add3A_510 = arith.addi %mul3A_438, %add3A_509 : i32
          %get3A_511 = arith.constant 7 : i32
          %get3A_512 = arith.index_cast %get3A_511 : i32 to index
          %get3A_513 = arith.index_cast %add3A_510 : i32 to index
          %get3A_514 = tpu.vector_load %arg6[%get3A_512, %get3A_513] {strides = array<i32>} : memref<8x6400xf32, #tpu.memory_space<vmem>>, vector<16xf32>,
          %add3A_515 = arith.addf %scan3A_431, %get3A_514 : vector<16xf32>
          %add3A_516 = arith.constant 176 : i32
          %add3A_517 = arith.addi %mul3A_438, %add3A_516 : i32
          %get3A_518 = arith.constant 7 : i32
          %get3A_519 = arith.index_cast %get3A_518 : i32 to index
          %get3A_520 = arith.index_cast %add3A_517 : i32 to index
          %get3A_521 = tpu.vector_load %arg6[%get3A_519, %get3A_520] {strides = array<i32>} : memref<8x6400xf32, #tpu.memory_space<vmem>>, vector<16xf32>,
          %add3A_522 = arith.addf %scan3A_432, %get3A_521 : vector<16xf32>
          %add3A_523 = arith.constant 192 : i32
          %add3A_524 = arith.addi %mul3A_438, %add3A_523 : i32
          %get3A_525 = arith.constant 7 : i32
          %get3A_526 = arith.index_cast %get3A_525 : i32 to index
          %get3A_527 = arith.index_cast %add3A_524 : i32 to index
          %get3A_528 = tpu.vector_load %arg6[%get3A_526, %get3A_527] {strides = array<i32>} : memref<8x6400xf32, #tpu.memory_space<vmem>>, vector<16xf32>,
          %add3A_529 = arith.addf %scan3A_433, %get3A_528 : vector<16xf32>
          %add3A_530 = arith.constant 208 : i32
          %add3A_531 = arith.addi %mul3A_438, %add3A_530 : i32
          %get3A_532 = arith.constant 7 : i32
          %get3A_533 = arith.index_cast %get3A_532 : i32 to index
          %get3A_534 = arith.index_cast %add3A_531 : i32 to index
          %get3A_535 = tpu.vector_load %arg6[%get3A_533, %get3A_534] {strides = array<i32>} : memref<8x6400xf32, #tpu.memory_space<vmem>>, vector<16xf32>,
          %add3A_536 = arith.addf %scan3A_434, %get3A_535 : vector<16xf32>
          %add3A_537 = arith.constant 224 : i32
          %add3A_538 = arith.addi %mul3A_438, %add3A_537 : i32
          %get3A_539 = arith.constant 7 : i32
          %get3A_540 = arith.index_cast %get3A_539 : i32 to index
          %get3A_541 = arith.index_cast %add3A_538 : i32 to index
          %get3A_542 = tpu.vector_load %arg6[%get3A_540, %get3A_541] {strides = array<i32>} : memref<8x6400xf32, #tpu.memory_space<vmem>>, vector<16xf32>,
          %add3A_543 = arith.addf %scan3A_435, %get3A_542 : vector<16xf32>
          %add3A_544 = arith.constant 240 : i32
          %add3A_545 = arith.addi %mul3A_438, %add3A_544 : i32
          %get3A_546 = arith.constant 7 : i32
          %get3A_547 = arith.index_cast %get3A_546 : i32 to index
          %get3A_548 = arith.index_cast %add3A_545 : i32 to index
          %get3A_549 = tpu.vector_load %arg6[%get3A_547, %get3A_548] {strides = array<i32>} : memref<8x6400xf32, #tpu.memory_space<vmem>>, vector<16xf32>,
          %add3A_550 = arith.addf %scan3A_436, %get3A_549 : vector<16xf32>
          scf.yield %add3A_445, %add3A_452, %add3A_459, %add3A_466, %add3A_473, %add3A_480, %add3A_487, %add3A_494, %add3A_501, %add3A_508, %add3A_515, %add3A_522, %add3A_529, %add3A_536, %add3A_543, %add3A_550 : vector<16xf32>, vector<16xf32>, vector<16xf32>, vector<16xf32>, vector<16xf32>, vector<16xf32>, vector<16xf32>, vector<16xf32>, vector<16xf32>, vector<16xf32>, vector<16xf32>, vector<16xf32>, vector<16xf32>, vector<16xf32>, vector<16xf32>, vector<16xf32>
        }
        %scan3A_325 = arith.constant 25 : i32
        %eq3A = vector.broadcast %scan3A_229 : i32 to vector<16xi32>
        %eq3A_326 = arith.cmpi eq, %shift_right_arithmetic3A_31, %eq3A : vector<16xi32>
        %eq3A_327 = vector.broadcast %scan3A_254 : i32 to vector<16xi32>
        %eq3A_328 = arith.cmpi eq, %select_n3A, %eq3A_327 : vector<16xi32>
        %and3A_329 = arith.andi %eq3A_326, %eq3A_328 : vector<16xi1>
        %and3A_330 = arith.andi %and3A_329, %ge3A_40 : vector<16xi1>
        %gather3A = tpu.vector_load_idx %arg6[%and3A_34, %sub3A_38] masked %and3A_330 : memref<8x6400xf32, #tpu.memory_space<vmem>>[vector<16xi32>, vector<16xi32>], vector<16xf32>, vector<16xi1>
        %jit3A_331 = arith.constant 0.000000e+00 : f32
        %broadcast_in_dim3A_332 = vector.broadcast %jit3A_331 : f32 to vector<16xf32>
        %select_n3A_333 = arith.select %and3A_330, %gather3A, %broadcast_in_dim3A_332 : vector<16xi1>, vector<16xf32>
        %add3A_334 = arith.addf %scan3A_271, %select_n3A_333 : vector<16xf32>
        %eq3A_335 = vector.broadcast %scan3A_229 : i32 to vector<16xi32>
        %eq3A_336 = arith.cmpi eq, %shift_right_arithmetic3A_31, %eq3A_335 : vector<16xi32>
        %eq3A_337 = arith.constant 0 : i32
        %eq3A_338 = arith.cmpi eq, %scan3A_254, %eq3A_337 : i32
        %and3A_339 = vector.broadcast %eq3A_338 : i1 to vector<16xi1>
        %and3A_340 = arith.andi %eq3A_336, %and3A_339 : vector<16xi1>
        %gather3A_341 = tpu.vector_load_idx %arg6[%and3A_34, %broadcast_in_dim3A_188] masked %and3A_340 : memref<8x6400xf32, #tpu.memory_space<vmem>>[vector<16xi32>, vector<16xi32>], vector<16xf32>, vector<16xi1>
        %gather3A_342 = tpu.vector_load_idx %arg6[%and3A_34, %add3A_191] masked %and3A_340 : memref<8x6400xf32, #tpu.memory_space<vmem>>[vector<16xi32>, vector<16xi32>], vector<16xf32>, vector<16xi1>
        %add3A_343 = arith.addf %gather3A_341, %gather3A_342 : vector<16xf32>
        %jit3A_344 = arith.constant 0.000000e+00 : f32
        %broadcast_in_dim3A_345 = vector.broadcast %jit3A_344 : f32 to vector<16xf32>
        %select_n3A_346 = arith.select %and3A_340, %add3A_343, %broadcast_in_dim3A_345 : vector<16xi1>, vector<16xf32>
        %add3A_347 = arith.addf %scan3A_272, %select_n3A_346 : vector<16xf32>
        %eq3A_348 = vector.broadcast %scan3A_229 : i32 to vector<16xi32>
        %eq3A_349 = arith.cmpi eq, %shift_right_arithmetic3A_79, %eq3A_348 : vector<16xi32>
        %eq3A_350 = vector.broadcast %scan3A_254 : i32 to vector<16xi32>
        %eq3A_351 = arith.cmpi eq, %select_n3A_76, %eq3A_350 : vector<16xi32>
        %and3A_352 = arith.andi %eq3A_349, %eq3A_351 : vector<16xi1>
        %and3A_353 = arith.andi %and3A_352, %ge3A_89 : vector<16xi1>
        %gather3A_354 = tpu.vector_load_idx %arg6[%and3A_82, %sub3A_86] masked %and3A_353 : memref<8x6400xf32, #tpu.memory_space<vmem>>[vector<16xi32>, vector<16xi32>], vector<16xf32>, vector<16xi1>
        %jit3A_355 = arith.constant 0.000000e+00 : f32
        %broadcast_in_dim3A_356 = vector.broadcast %jit3A_355 : f32 to vector<16xf32>
        %select_n3A_357 = arith.select %and3A_353, %gather3A_354, %broadcast_in_dim3A_356 : vector<16xi1>, vector<16xf32>
        %add3A_358 = arith.addf %add3A_334, %select_n3A_357 : vector<16xf32>
        %eq3A_359 = vector.broadcast %scan3A_229 : i32 to vector<16xi32>
        %eq3A_360 = arith.cmpi eq, %shift_right_arithmetic3A_79, %eq3A_359 : vector<16xi32>
        %eq3A_361 = arith.constant 0 : i32
        %eq3A_362 = arith.cmpi eq, %scan3A_254, %eq3A_361 : i32
        %and3A_363 = vector.broadcast %eq3A_362 : i1 to vector<16xi1>
        %and3A_364 = arith.andi %eq3A_360, %and3A_363 : vector<16xi1>
        %gather3A_365 = tpu.vector_load_idx %arg6[%and3A_82, %broadcast_in_dim3A_188] masked %and3A_364 : memref<8x6400xf32, #tpu.memory_space<vmem>>[vector<16xi32>, vector<16xi32>], vector<16xf32>, vector<16xi1>
        %gather3A_366 = tpu.vector_load_idx %arg6[%and3A_82, %add3A_191] masked %and3A_364 : memref<8x6400xf32, #tpu.memory_space<vmem>>[vector<16xi32>, vector<16xi32>], vector<16xf32>, vector<16xi1>
        %add3A_367 = arith.addf %gather3A_365, %gather3A_366 : vector<16xf32>
        %jit3A_368 = arith.constant 0.000000e+00 : f32
        %broadcast_in_dim3A_369 = vector.broadcast %jit3A_368 : f32 to vector<16xf32>
        %select_n3A_370 = arith.select %and3A_364, %add3A_367, %broadcast_in_dim3A_369 : vector<16xi1>, vector<16xf32>
        %add3A_371 = arith.addf %add3A_347, %select_n3A_370 : vector<16xf32>
        %eq3A_372 = vector.broadcast %scan3A_229 : i32 to vector<16xi32>
        %eq3A_373 = arith.cmpi eq, %shift_right_arithmetic3A_128, %eq3A_372 : vector<16xi32>
        %eq3A_374 = vector.broadcast %scan3A_254 : i32 to vector<16xi32>
        %eq3A_375 = arith.cmpi eq, %select_n3A_125, %eq3A_374 : vector<16xi32>
        %and3A_376 = arith.andi %eq3A_373, %eq3A_375 : vector<16xi1>
        %and3A_377 = arith.andi %and3A_376, %ge3A_138 : vector<16xi1>
        %gather3A_378 = tpu.vector_load_idx %arg6[%and3A_131, %sub3A_135] masked %and3A_377 : memref<8x6400xf32, #tpu.memory_space<vmem>>[vector<16xi32>, vector<16xi32>], vector<16xf32>, vector<16xi1>
        %jit3A_379 = arith.constant 0.000000e+00 : f32
        %broadcast_in_dim3A_380 = vector.broadcast %jit3A_379 : f32 to vector<16xf32>
        %select_n3A_381 = arith.select %and3A_377, %gather3A_378, %broadcast_in_dim3A_380 : vector<16xi1>, vector<16xf32>
        %add3A_382 = arith.addf %add3A_358, %select_n3A_381 : vector<16xf32>
        %eq3A_383 = vector.broadcast %scan3A_229 : i32 to vector<16xi32>
        %eq3A_384 = arith.cmpi eq, %shift_right_arithmetic3A_128, %eq3A_383 : vector<16xi32>
        %eq3A_385 = arith.constant 0 : i32
        %eq3A_386 = arith.cmpi eq, %scan3A_254, %eq3A_385 : i32
        %and3A_387 = vector.broadcast %eq3A_386 : i1 to vector<16xi1>
        %and3A_388 = arith.andi %eq3A_384, %and3A_387 : vector<16xi1>
        %gather3A_389 = tpu.vector_load_idx %arg6[%and3A_131, %broadcast_in_dim3A_188] masked %and3A_388 : memref<8x6400xf32, #tpu.memory_space<vmem>>[vector<16xi32>, vector<16xi32>], vector<16xf32>, vector<16xi1>
        %gather3A_390 = tpu.vector_load_idx %arg6[%and3A_131, %add3A_191] masked %and3A_388 : memref<8x6400xf32, #tpu.memory_space<vmem>>[vector<16xi32>, vector<16xi32>], vector<16xf32>, vector<16xi1>
        %add3A_391 = arith.addf %gather3A_389, %gather3A_390 : vector<16xf32>
        %jit3A_392 = arith.constant 0.000000e+00 : f32
        %broadcast_in_dim3A_393 = vector.broadcast %jit3A_392 : f32 to vector<16xf32>
        %select_n3A_394 = arith.select %and3A_388, %add3A_391, %broadcast_in_dim3A_393 : vector<16xi1>, vector<16xf32>
        %add3A_395 = arith.addf %add3A_371, %select_n3A_394 : vector<16xf32>
        %eq3A_396 = vector.broadcast %scan3A_229 : i32 to vector<16xi32>
        %eq3A_397 = arith.cmpi eq, %shift_right_arithmetic3A_177, %eq3A_396 : vector<16xi32>
        %eq3A_398 = vector.broadcast %scan3A_254 : i32 to vector<16xi32>
        %eq3A_399 = arith.cmpi eq, %select_n3A_174, %eq3A_398 : vector<16xi32>
        %and3A_400 = arith.andi %eq3A_397, %eq3A_399 : vector<16xi1>
        %and3A_401 = arith.andi %and3A_400, %ge3A_187 : vector<16xi1>
        %gather3A_402 = tpu.vector_load_idx %arg6[%and3A_180, %sub3A_184] masked %and3A_401 : memref<8x6400xf32, #tpu.memory_space<vmem>>[vector<16xi32>, vector<16xi32>], vector<16xf32>, vector<16xi1>
        %jit3A_403 = arith.constant 0.000000e+00 : f32
        %broadcast_in_dim3A_404 = vector.broadcast %jit3A_403 : f32 to vector<16xf32>
        %select_n3A_405 = arith.select %and3A_401, %gather3A_402, %broadcast_in_dim3A_404 : vector<16xi1>, vector<16xf32>
        %add3A_406 = arith.addf %add3A_382, %select_n3A_405 : vector<16xf32>
        %eq3A_407 = vector.broadcast %scan3A_229 : i32 to vector<16xi32>
        %eq3A_408 = arith.cmpi eq, %shift_right_arithmetic3A_177, %eq3A_407 : vector<16xi32>
        %eq3A_409 = arith.constant 0 : i32
        %eq3A_410 = arith.cmpi eq, %scan3A_254, %eq3A_409 : i32
        %and3A_411 = vector.broadcast %eq3A_410 : i1 to vector<16xi1>
        %and3A_412 = arith.andi %eq3A_408, %and3A_411 : vector<16xi1>
        %gather3A_413 = tpu.vector_load_idx %arg6[%and3A_180, %broadcast_in_dim3A_188] masked %and3A_412 : memref<8x6400xf32, #tpu.memory_space<vmem>>[vector<16xi32>, vector<16xi32>], vector<16xf32>, vector<16xi1>
        %gather3A_414 = tpu.vector_load_idx %arg6[%and3A_180, %add3A_191] masked %and3A_412 : memref<8x6400xf32, #tpu.memory_space<vmem>>[vector<16xi32>, vector<16xi32>], vector<16xf32>, vector<16xi1>
        %add3A_415 = arith.addf %gather3A_413, %gather3A_414 : vector<16xf32>
        %jit3A_416 = arith.constant 0.000000e+00 : f32
        %broadcast_in_dim3A_417 = vector.broadcast %jit3A_416 : f32 to vector<16xf32>
        %select_n3A_418 = arith.select %and3A_412, %add3A_415, %broadcast_in_dim3A_417 : vector<16xi1>, vector<16xf32>
        %add3A_419 = arith.addf %add3A_395, %select_n3A_418 : vector<16xf32>
        scf.yield %scan3A_324#0, %scan3A_324#1, %scan3A_324#2, %scan3A_324#3, %scan3A_324#4, %scan3A_324#5, %scan3A_324#6, %scan3A_324#7, %scan3A_324#8, %scan3A_324#9, %scan3A_324#10, %scan3A_324#11, %scan3A_324#12, %scan3A_324#13, %scan3A_324#14, %scan3A_324#15, %add3A_406, %add3A_419 : vector<16xf32>, vector<16xf32>, vector<16xf32>, vector<16xf32>, vector<16xf32>, vector<16xf32>, vector<16xf32>, vector<16xf32>, vector<16xf32>, vector<16xf32>, vector<16xf32>, vector<16xf32>, vector<16xf32>, vector<16xf32>, vector<16xf32>, vector<16xf32>, vector<16xf32>, vector<16xf32>
      }
      %scan3A_253 = arith.constant 5 : i32
      scf.yield %scan3A_252#0, %scan3A_252#1, %scan3A_252#2, %scan3A_252#3, %scan3A_252#4, %scan3A_252#5, %scan3A_252#6, %scan3A_252#7, %scan3A_252#8, %scan3A_252#9, %scan3A_252#10, %scan3A_252#11, %scan3A_252#12, %scan3A_252#13, %scan3A_252#14, %scan3A_252#15, %scan3A_252#16, %scan3A_252#17 : vector<16xf32>, vector<16xf32>, vector<16xf32>, vector<16xf32>, vector<16xf32>, vector<16xf32>, vector<16xf32>, vector<16xf32>, vector<16xf32>, vector<16xf32>, vector<16xf32>, vector<16xf32>, vector<16xf32>, vector<16xf32>, vector<16xf32>, vector<16xf32>, vector<16xf32>, vector<16xf32>
    }
    %scan3A_198 = arith.constant 8 : i32
    %add3A_199 = arith.addf %scan3A_197#0, %scan3A_197#1 : vector<16xf32>
    %add3A_200 = arith.addf %add3A_199, %scan3A_197#2 : vector<16xf32>
    %add3A_201 = arith.addf %add3A_200, %scan3A_197#3 : vector<16xf32>
    %add3A_202 = arith.addf %add3A_201, %scan3A_197#4 : vector<16xf32>
    %add3A_203 = arith.addf %add3A_202, %scan3A_197#5 : vector<16xf32>
    %add3A_204 = arith.addf %add3A_203, %scan3A_197#6 : vector<16xf32>
    %add3A_205 = arith.addf %add3A_204, %scan3A_197#7 : vector<16xf32>
    %add3A_206 = arith.addf %add3A_205, %scan3A_197#8 : vector<16xf32>
    %add3A_207 = arith.addf %add3A_206, %scan3A_197#9 : vector<16xf32>
    %add3A_208 = arith.addf %add3A_207, %scan3A_197#10 : vector<16xf32>
    %add3A_209 = arith.addf %add3A_208, %scan3A_197#11 : vector<16xf32>
    %add3A_210 = arith.addf %add3A_209, %scan3A_197#12 : vector<16xf32>
    %add3A_211 = arith.addf %add3A_210, %scan3A_197#13 : vector<16xf32>
    %add3A_212 = arith.addf %add3A_211, %scan3A_197#14 : vector<16xf32>
    %add3A_213 = arith.addf %add3A_212, %scan3A_197#15 : vector<16xf32>
    %swap3A = arith.constant 0 : index
    %swap3A_214 = tpu.vector_load %arg7[%swap3A] {strides = array<i32>} : memref<16xf32, #tpu.memory_space<vmem>>, vector<16xf32>,
    tpu.vector_store %arg7[%swap3A], %add3A_213 {strides = array<i32>} : memref<16xf32, #tpu.memory_space<vmem>>, vector<16xf32>,
    %mul3A_215 = arith.constant 16 : i32
    %mul3A_216 = arith.muli %add3A, %mul3A_215 : i32
    "tpu.region"() ({
      %run_scoped3A = tpu.sem_alloc : memref<!tpu.dma_semaphore, #tpu.memory_space<semaphore_mem>>
      %dma_start3A = tpu.memref_slice %arg4[%mul3A_216] : memref<1536xf32, #tpu.memory_space<hbm>> -> memref<16xf32, #tpu.memory_space<hbm>>
      %dma_start3A_229 = tpu.memref_slice %arg4[%mul3A_216] : memref<1536xf32, #tpu.memory_space<hbm>> -> memref<16xf32, #tpu.memory_space<hbm>>
      tpu.enqueue_dma source(%arg7 : memref<16xf32, #tpu.memory_space<vmem>>) target(%dma_start3A_229 : memref<16xf32, #tpu.memory_space<hbm>>) target_semaphore(%run_scoped3A : memref<!tpu.dma_semaphore, #tpu.memory_space<semaphore_mem>>)
      %dma_wait3A = tpu.memref_slice %arg4[%mul3A_216] : memref<1536xf32, #tpu.memory_space<hbm>> -> memref<16xf32, #tpu.memory_space<hbm>>
      %dma_wait3A_230 = tpu.memref_slice %arg4[%mul3A_216] : memref<1536xf32, #tpu.memory_space<hbm>> -> memref<16xf32, #tpu.memory_space<hbm>>
      tpu.wait_dma2 semaphore(%run_scoped3A : memref<!tpu.dma_semaphore, #tpu.memory_space<semaphore_mem>>) src(%arg7 : memref<16xf32, #tpu.memory_space<vmem>>) dst(%dma_wait3A_230 : memref<16xf32, #tpu.memory_space<hbm>>)
      tpu.yield
    }) : () -> ()
    %swap3A_217 = arith.constant 0 : index
    %swap3A_218 = tpu.vector_load %arg7[%swap3A_217] {strides = array<i32>} : memref<16xf32, #tpu.memory_space<vmem>>, vector<16xf32>,
    tpu.vector_store %arg7[%swap3A_217], %scan3A_197#16 {strides = array<i32>} : memref<16xf32, #tpu.memory_space<vmem>>, vector<16xf32>,
    %mul3A_219 = arith.constant 16 : i32
    %mul3A_220 = arith.muli %add3A, %mul3A_219 : i32
    %add3A_221 = arith.constant 512 : i32
    %add3A_222 = arith.addi %add3A_221, %mul3A_220 : i32
    "tpu.region"() ({
      %run_scoped3A = tpu.sem_alloc : memref<!tpu.dma_semaphore, #tpu.memory_space<semaphore_mem>>
      %dma_start3A = tpu.memref_slice %arg4[%add3A_222] : memref<1536xf32, #tpu.memory_space<hbm>> -> memref<16xf32, #tpu.memory_space<hbm>>
      %dma_start3A_229 = tpu.memref_slice %arg4[%add3A_222] : memref<1536xf32, #tpu.memory_space<hbm>> -> memref<16xf32, #tpu.memory_space<hbm>>
      tpu.enqueue_dma source(%arg7 : memref<16xf32, #tpu.memory_space<vmem>>) target(%dma_start3A_229 : memref<16xf32, #tpu.memory_space<hbm>>) target_semaphore(%run_scoped3A : memref<!tpu.dma_semaphore, #tpu.memory_space<semaphore_mem>>)
      %dma_wait3A = tpu.memref_slice %arg4[%add3A_222] : memref<1536xf32, #tpu.memory_space<hbm>> -> memref<16xf32, #tpu.memory_space<hbm>>
      %dma_wait3A_230 = tpu.memref_slice %arg4[%add3A_222] : memref<1536xf32, #tpu.memory_space<hbm>> -> memref<16xf32, #tpu.memory_space<hbm>>
      tpu.wait_dma2 semaphore(%run_scoped3A : memref<!tpu.dma_semaphore, #tpu.memory_space<semaphore_mem>>) src(%arg7 : memref<16xf32, #tpu.memory_space<vmem>>) dst(%dma_wait3A_230 : memref<16xf32, #tpu.memory_space<hbm>>)
      tpu.yield
    }) : () -> ()
    %swap3A_223 = arith.constant 0 : index
    %swap3A_224 = tpu.vector_load %arg7[%swap3A_223] {strides = array<i32>} : memref<16xf32, #tpu.memory_space<vmem>>, vector<16xf32>,
    tpu.vector_store %arg7[%swap3A_223], %scan3A_197#17 {strides = array<i32>} : memref<16xf32, #tpu.memory_space<vmem>>, vector<16xf32>,
    %mul3A_225 = arith.constant 16 : i32
    %mul3A_226 = arith.muli %add3A, %mul3A_225 : i32
    %add3A_227 = arith.constant 1024 : i32
    %add3A_228 = arith.addi %add3A_227, %mul3A_226 : i32
    "tpu.region"() ({
      %run_scoped3A = tpu.sem_alloc : memref<!tpu.dma_semaphore, #tpu.memory_space<semaphore_mem>>
      %dma_start3A = tpu.memref_slice %arg4[%add3A_228] : memref<1536xf32, #tpu.memory_space<hbm>> -> memref<16xf32, #tpu.memory_space<hbm>>
      %dma_start3A_229 = tpu.memref_slice %arg4[%add3A_228] : memref<1536xf32, #tpu.memory_space<hbm>> -> memref<16xf32, #tpu.memory_space<hbm>>
      tpu.enqueue_dma source(%arg7 : memref<16xf32, #tpu.memory_space<vmem>>) target(%dma_start3A_229 : memref<16xf32, #tpu.memory_space<hbm>>) target_semaphore(%run_scoped3A : memref<!tpu.dma_semaphore, #tpu.memory_space<semaphore_mem>>)
      %dma_wait3A = tpu.memref_slice %arg4[%add3A_228] : memref<1536xf32, #tpu.memory_space<hbm>> -> memref<16xf32, #tpu.memory_space<hbm>>
      %dma_wait3A_230 = tpu.memref_slice %arg4[%add3A_228] : memref<1536xf32, #tpu.memory_space<hbm>> -> memref<16xf32, #tpu.memory_space<hbm>>
      tpu.wait_dma2 semaphore(%run_scoped3A : memref<!tpu.dma_semaphore, #tpu.memory_space<semaphore_mem>>) src(%arg7 : memref<16xf32, #tpu.memory_space<vmem>>) dst(%dma_wait3A_230 : memref<16xf32, #tpu.memory_space<hbm>>)
      tpu.yield
    }) : () -> ()
    return
  }
}

module attributes {stable_mosaic.version = 14 : i64} {
  func.func @_combine_body(%arg0: memref<1x1xf32, #tpu.memory_space<vmem>>, %arg1: memref<1x1536xf32, #tpu.memory_space<vmem>>, %arg2: memref<1x1xf32, #tpu.memory_space<vmem>>) attributes {dimension_semantics = [], scalar_prefetch = 0 : i64, scratch_operands = 0 : i64, tpu.core_type = #tpu.core_type<tc>} {
    %get3A = arith.constant 0 : index
    %get3A_0 = arith.constant 0 : index
    %get3A_1 = vector.load %arg1[%get3A, %get3A_0] : memref<1x1536xf32, #tpu.memory_space<vmem>>, vector<1x512xf32>
    %get3A_2 = vector.shape_cast %get3A_1 : vector<1x512xf32> to vector<512xf32>
    %reduce_sum3A = vector.shape_cast %get3A_2 : vector<512xf32> to vector<1x512xf32>
    %reduce_sum3A_3 = arith.constant dense<0.000000e+00> : vector<1xf32>
    %reduce_sum3A_4 = vector.multi_reduction <add>, %reduce_sum3A, %reduce_sum3A_3 [1] : vector<1x512xf32> to vector<1xf32>
    %reduce_sum3A_5 = vector.shape_cast %reduce_sum3A_4 : vector<1xf32> to vector<1x1xf32>
    %reduce_sum3A_6 = vector.extract %reduce_sum3A_5[0, 0] : f32 from vector<1x1xf32>
    %get3A_7 = arith.constant 0 : index
    %get3A_8 = arith.constant 512 : index
    %get3A_9 = vector.load %arg1[%get3A_7, %get3A_8] : memref<1x1536xf32, #tpu.memory_space<vmem>>, vector<1x512xf32>
    %get3A_10 = vector.shape_cast %get3A_9 : vector<1x512xf32> to vector<512xf32>
    %reduce_sum3A_11 = vector.shape_cast %get3A_10 : vector<512xf32> to vector<1x512xf32>
    %reduce_sum3A_12 = arith.constant dense<0.000000e+00> : vector<1xf32>
    %reduce_sum3A_13 = vector.multi_reduction <add>, %reduce_sum3A_11, %reduce_sum3A_12 [1] : vector<1x512xf32> to vector<1xf32>
    %reduce_sum3A_14 = vector.shape_cast %reduce_sum3A_13 : vector<1xf32> to vector<1x1xf32>
    %reduce_sum3A_15 = vector.extract %reduce_sum3A_14[0, 0] : f32 from vector<1x1xf32>
    %get3A_16 = arith.constant 0 : index
    %get3A_17 = arith.constant 1024 : index
    %get3A_18 = vector.load %arg1[%get3A_16, %get3A_17] : memref<1x1536xf32, #tpu.memory_space<vmem>>, vector<1x512xf32>
    %get3A_19 = vector.shape_cast %get3A_18 : vector<1x512xf32> to vector<512xf32>
    %reduce_sum3A_20 = vector.shape_cast %get3A_19 : vector<512xf32> to vector<1x512xf32>
    %reduce_sum3A_21 = arith.constant dense<0.000000e+00> : vector<1xf32>
    %reduce_sum3A_22 = vector.multi_reduction <add>, %reduce_sum3A_20, %reduce_sum3A_21 [1] : vector<1x512xf32> to vector<1xf32>
    %reduce_sum3A_23 = vector.shape_cast %reduce_sum3A_22 : vector<1xf32> to vector<1x1xf32>
    %reduce_sum3A_24 = vector.extract %reduce_sum3A_23[0, 0] : f32 from vector<1x1xf32>
    %get3A_25 = arith.constant 0 : index
    %get3A_26 = arith.constant 0 : index
    %get3A_27 = vector.load %arg0[%get3A_25, %get3A_26] : memref<1x1xf32, #tpu.memory_space<vmem>>, vector<1x1xf32>
    %mul3A = arith.constant 3.12519524E-6 : f32
    %mul3A_28 = arith.mulf %mul3A, %reduce_sum3A_6 : f32
    %sub3A = vector.broadcast %mul3A_28 : f32 to vector<1x1xf32>
    %sub3A_29 = arith.subf %get3A_27, %sub3A : vector<1x1xf32>
    %mul3A_30 = arith.constant 0.899996876 : f32
    %mul3A_31 = arith.mulf %mul3A_30, %reduce_sum3A_15 : f32
    %sub3A_32 = vector.broadcast %mul3A_31 : f32 to vector<1x1xf32>
    %sub3A_33 = arith.subf %sub3A_29, %sub3A_32 : vector<1x1xf32>
    %mul3A_34 = arith.constant 3.12519524E-6 : f32
    %mul3A_35 = arith.mulf %mul3A_34, %reduce_sum3A_24 : f32
    %add3A = vector.broadcast %mul3A_35 : f32 to vector<1x1xf32>
    %add3A_36 = arith.addf %sub3A_33, %add3A : vector<1x1xf32>
    %swap3A = arith.constant 0 : index
    %swap3A_37 = arith.constant 0 : index
    %swap3A_38 = vector.load %arg2[%swap3A, %swap3A_37] : memref<1x1xf32, #tpu.memory_space<vmem>>, vector<1x1xf32>
    tpu.vector_store %arg2[%swap3A, %swap3A_37], %add3A_36 {strides = array<i32>} : memref<1x1xf32, #tpu.memory_space<vmem>>, vector<1x1xf32>,
    return
  }
}

module attributes {stable_mosaic.version = 14 : i64} {
  func.func @_tc_body(%arg0: i32, %arg1: i32, %arg2: memref<1024x3200xf32, #tpu.memory_space<vmem>>, %arg3: memref<1x4096xi32, #tpu.memory_space<vmem>>, %arg4: memref<1x1xf32, #tpu.memory_space<vmem>>) attributes {dimension_semantics = [#tpu.dimension_semantics<arbitrary>, #tpu.dimension_semantics<arbitrary>], iteration_bounds = array<i64: 2, 10>, scalar_prefetch = 0 : i64, scratch_operands = 0 : i64, tpu.core_type = #tpu.core_type<tc>, window_params = [{transform_indices = @transform_0, window_bounds = array<i64: 1024, 3200>}, {pipeline_mode = #tpu.pipeline_mode<synchronous>, transform_indices = @transform_1, window_bounds = array<i64: 1, 4096>}, {pipeline_mode = #tpu.pipeline_mode<synchronous>, transform_indices = @transform_2, window_bounds = array<i64: 1, 1>}]} {
    %eq3A = arith.constant 0 : i32
    %eq3A_0 = arith.cmpi eq, %arg0, %eq3A : i32
    %eq3A_1 = arith.constant 0 : i32
    %eq3A_2 = arith.cmpi eq, %arg1, %eq3A_1 : i32
    %and3A = arith.andi %eq3A_0, %eq3A_2 : i1
    %convert_element_type3A = arith.extui %and3A : i1 to i32
    %cond3A = arith.constant 0 : i32
    %cond3A_3 = arith.cmpi ne, %convert_element_type3A, %cond3A : i32
    scf.if %cond3A_3 {
      %broadcast_in_dim3A_52 = arith.constant 0.000000e+00 : f32
      %broadcast_in_dim3A_53 = vector.broadcast %broadcast_in_dim3A_52 : f32 to vector<1x1xf32>
      %swap3A_54 = arith.constant 0 : index
      %swap3A_55 = arith.constant 0 : index
      %swap3A_56 = vector.load %arg4[%swap3A_54, %swap3A_55] : memref<1x1xf32, #tpu.memory_space<vmem>>, vector<1x1xf32>
      tpu.vector_store %arg4[%swap3A_54, %swap3A_55], %broadcast_in_dim3A_53 {strides = array<i32>} : memref<1x1xf32, #tpu.memory_space<vmem>>, vector<1x1xf32>,
    } else {
    }
    %get3A = arith.constant 0 : index
    %get3A_4 = arith.constant 0 : index
    %get3A_5 = vector.load %arg2[%get3A, %get3A_4] : memref<1024x3200xf32, #tpu.memory_space<vmem>>, vector<1024x3200xf32>
    %mul3A = arith.constant 1024 : i32
    %mul3A_6 = arith.muli %arg0, %mul3A : i32
    %add3A = arith.constant 2048 : i32
    %add3A_7 = arith.addi %add3A, %mul3A_6 : i32
    %get3A_8 = arith.constant 0 : index
    %get3A_9 = arith.index_cast %add3A_7 : i32 to index
    %get3A_10 = vector.load %arg3[%get3A_8, %get3A_9] : memref<1x4096xi32, #tpu.memory_space<vmem>>, vector<1x1024xi32>
    %get3A_11 = vector.shape_cast %get3A_10 : vector<1x1024xi32> to vector<1024xi32>
    %mul3A_12 = arith.constant 3200 : i32
    %mul3A_13 = arith.muli %arg1, %mul3A_12 : i32
    %sub3A = vector.broadcast %mul3A_13 : i32 to vector<1024xi32>
    %sub3A_14 = arith.subi %get3A_11, %sub3A : vector<1024xi32>
    %broadcast_in_dim3A = vector.shape_cast %sub3A_14 : vector<1024xi32> to vector<1024x1xi32>
    %broadcast_in_dim3A_15 = vector.shape_cast %get3A_11 : vector<1024xi32> to vector<1024x1xi32>
    %ge3A = arith.constant 2 : i32
    %ge3A_16 = vector.broadcast %ge3A : i32 to vector<1024x1xi32>
    %ge3A_17 = arith.cmpi sge, %broadcast_in_dim3A_15, %ge3A_16 : vector<1024x1xi32>
    %jit3A = arith.constant 2.879820e+05 : f32
    %jit3A_18 = arith.constant 1.000000e+00 : f32
    %broadcast_in_dim3A_19 = vector.broadcast %jit3A : f32 to vector<1024x1xf32>
    %broadcast_in_dim3A_20 = vector.broadcast %jit3A_18 : f32 to vector<1024x1xf32>
    %select_n3A = arith.select %ge3A_17, %broadcast_in_dim3A_19, %broadcast_in_dim3A_20 : vector<1024x1xi1>, vector<1024x1xf32>
    %iota3A = tpu.iota {dimensions = array<i32: 1>} : vector<1024x3200xi32>
    %eq3A_21 = vector.broadcast %broadcast_in_dim3A : vector<1024x1xi32> to vector<1024x3200xi32>
    %eq3A_22 = arith.cmpi eq, %iota3A, %eq3A_21 : vector<1024x3200xi32>
    %mul3A_23 = vector.broadcast %select_n3A : vector<1024x1xf32> to vector<1024x3200xf32>
    %mul3A_24 = arith.mulf %get3A_5, %mul3A_23 : vector<1024x3200xf32>
    %select_n3A_25 = arith.select %eq3A_22, %mul3A_24, %get3A_5 : vector<1024x3200xi1>, vector<1024x3200xf32>
    %reduce_sum3A = vector.shape_cast %select_n3A_25 : vector<1024x3200xf32> to vector<1x1024x3200xf32>
    %reduce_sum3A_26 = arith.constant dense<0.000000e+00> : vector<1xf32>
    %reduce_sum3A_27 = vector.multi_reduction <add>, %reduce_sum3A, %reduce_sum3A_26 [1, 2] : vector<1x1024x3200xf32> to vector<1xf32>
    %reduce_sum3A_28 = vector.shape_cast %reduce_sum3A_27 : vector<1xf32> to vector<1x1x1xf32>
    %reduce_sum3A_29 = vector.extract %reduce_sum3A_28[0, 0, 0] : f32 from vector<1x1x1xf32>
    %mul3A_30 = arith.constant -3.12519524E-6 : f32
    %mul3A_31 = arith.mulf %mul3A_30, %reduce_sum3A_29 : f32
    %eq3A_32 = arith.constant 0 : i32
    %eq3A_33 = arith.cmpi eq, %arg1, %eq3A_32 : i32
    %convert_element_type3A_34 = arith.extui %eq3A_33 : i1 to i32
    %cond3A_35 = arith.constant 0 : i32
    %cond3A_36 = arith.cmpi ne, %convert_element_type3A_34, %cond3A_35 : i32
    scf.if %cond3A_36 {
      %get3A_52 = arith.constant 0 : index
      %get3A_53 = arith.constant 0 : index
      %get3A_54 = vector.load %arg4[%get3A_52, %get3A_53] : memref<1x1xf32, #tpu.memory_space<vmem>>, vector<1x1xf32>
      %slice3A = vector.extract_strided_slice %get3A_5 {offsets = [0, 0], sizes = [1024, 1], strides = [1, 1]} : vector<1024x3200xf32> to vector<1024x1xf32>
      %squeeze3A = vector.shape_cast %slice3A : vector<1024x1xf32> to vector<1024xf32>
      %slice3A_55 = vector.extract_strided_slice %get3A_5 {offsets = [0, 1], sizes = [1024, 1], strides = [1, 1]} : vector<1024x3200xf32> to vector<1024x1xf32>
      %squeeze3A_56 = vector.shape_cast %slice3A_55 : vector<1024x1xf32> to vector<1024xf32>
      %add3A_57 = arith.addf %squeeze3A, %squeeze3A_56 : vector<1024xf32>
      %reduce_sum3A_58 = vector.shape_cast %add3A_57 : vector<1024xf32> to vector<1x1024xf32>
      %reduce_sum3A_59 = arith.constant dense<0.000000e+00> : vector<1xf32>
      %reduce_sum3A_60 = vector.multi_reduction <add>, %reduce_sum3A_58, %reduce_sum3A_59 [1] : vector<1x1024xf32> to vector<1xf32>
      %reduce_sum3A_61 = vector.shape_cast %reduce_sum3A_60 : vector<1xf32> to vector<1x1xf32>
      %reduce_sum3A_62 = vector.extract %reduce_sum3A_61[0, 0] : f32 from vector<1x1xf32>
      %mul3A_63 = arith.constant 3.12519524E-6 : f32
      %mul3A_64 = arith.mulf %mul3A_63, %reduce_sum3A_62 : f32
      %add3A_65 = vector.broadcast %mul3A_64 : f32 to vector<1x1xf32>
      %add3A_66 = arith.addf %get3A_54, %add3A_65 : vector<1x1xf32>
      %swap3A_67 = arith.constant 0 : index
      %swap3A_68 = arith.constant 0 : index
      %swap3A_69 = vector.load %arg4[%swap3A_67, %swap3A_68] : memref<1x1xf32, #tpu.memory_space<vmem>>, vector<1x1xf32>
      tpu.vector_store %arg4[%swap3A_67, %swap3A_68], %add3A_66 {strides = array<i32>} : memref<1x1xf32, #tpu.memory_space<vmem>>, vector<1x1xf32>,
    } else {
    }
    %eq3A_37 = arith.constant 1 : i32
    %eq3A_38 = arith.cmpi eq, %arg0, %eq3A_37 : i32
    %eq3A_39 = arith.constant 9 : i32
    %eq3A_40 = arith.cmpi eq, %arg1, %eq3A_39 : i32
    %and3A_41 = arith.andi %eq3A_38, %eq3A_40 : i1
    %convert_element_type3A_42 = arith.extui %and3A_41 : i1 to i32
    %cond3A_43 = arith.constant 0 : i32
    %cond3A_44 = arith.cmpi ne, %convert_element_type3A_42, %cond3A_43 : i32
    scf.if %cond3A_44 {
      %get3A_52 = arith.constant 0 : index
      %get3A_53 = arith.constant 0 : index
      %get3A_54 = vector.load %arg3[%get3A_52, %get3A_53] : memref<1x4096xi32, #tpu.memory_space<vmem>>, vector<1x4096xi32>
      %get3A_55 = vector.shape_cast %get3A_54 : vector<1x4096xi32> to vector<4096xi32>
      %ge3A_56 = arith.constant 2 : i32
      %ge3A_57 = vector.broadcast %ge3A_56 : i32 to vector<4096xi32>
      %ge3A_58 = arith.cmpi sge, %get3A_55, %ge3A_57 : vector<4096xi32>
      %jit3A_59 = arith.constant 1.000000e+00 : f32
      %jit3A_60 = arith.constant 0.000000e+00 : f32
      %broadcast_in_dim3A_61 = vector.broadcast %jit3A_59 : f32 to vector<4096xf32>
      %broadcast_in_dim3A_62 = vector.broadcast %jit3A_60 : f32 to vector<4096xf32>
      %select_n3A_63 = arith.select %ge3A_58, %broadcast_in_dim3A_61, %broadcast_in_dim3A_62 : vector<4096xi1>, vector<4096xf32>
      %reduce_sum3A_64 = vector.shape_cast %select_n3A_63 : vector<4096xf32> to vector<1x4096xf32>
      %reduce_sum3A_65 = arith.constant dense<0.000000e+00> : vector<1xf32>
      %reduce_sum3A_66 = vector.multi_reduction <add>, %reduce_sum3A_64, %reduce_sum3A_65 [1] : vector<1x4096xf32> to vector<1xf32>
      %reduce_sum3A_67 = vector.shape_cast %reduce_sum3A_66 : vector<1xf32> to vector<1x1xf32>
      %reduce_sum3A_68 = vector.extract %reduce_sum3A_67[0, 0] : f32 from vector<1x1xf32>
      %get3A_69 = arith.constant 0 : index
      %get3A_70 = arith.constant 0 : index
      %get3A_71 = vector.load %arg4[%get3A_69, %get3A_70] : memref<1x1xf32, #tpu.memory_space<vmem>>, vector<1x1xf32>
      %mul3A_72 = arith.constant -0.0947848483 : f32
      %mul3A_73 = arith.mulf %reduce_sum3A_68, %mul3A_72 : f32
      %add3A_74 = arith.constant -5192.09521 : f32
      %add3A_75 = arith.addf %add3A_74, %mul3A_73 : f32
      %add3A_76 = vector.broadcast %add3A_75 : f32 to vector<1x1xf32>
      %add3A_77 = arith.addf %get3A_71, %add3A_76 : vector<1x1xf32>
      %swap3A_78 = arith.constant 0 : index
      %swap3A_79 = arith.constant 0 : index
      %swap3A_80 = vector.load %arg4[%swap3A_78, %swap3A_79] : memref<1x1xf32, #tpu.memory_space<vmem>>, vector<1x1xf32>
      tpu.vector_store %arg4[%swap3A_78, %swap3A_79], %add3A_77 {strides = array<i32>} : memref<1x1xf32, #tpu.memory_space<vmem>>, vector<1x1xf32>,
    } else {
    }
    %get3A_45 = arith.constant 0 : index
    %get3A_46 = arith.constant 0 : index
    %get3A_47 = vector.load %arg4[%get3A_45, %get3A_46] : memref<1x1xf32, #tpu.memory_space<vmem>>, vector<1x1xf32>
    %add3A_48 = vector.broadcast %mul3A_31 : f32 to vector<1x1xf32>
    %add3A_49 = arith.addf %get3A_47, %add3A_48 : vector<1x1xf32>
    %swap3A = arith.constant 0 : index
    %swap3A_50 = arith.constant 0 : index
    %swap3A_51 = vector.load %arg4[%swap3A, %swap3A_50] : memref<1x1xf32, #tpu.memory_space<vmem>>, vector<1x1xf32>
    tpu.vector_store %arg4[%swap3A, %swap3A_50], %add3A_49 {strides = array<i32>} : memref<1x1xf32, #tpu.memory_space<vmem>>, vector<1x1xf32>,
    return
  }
  func.func @transform_0(%arg0: i32, %arg1: i32) -> (i32, i32) {
    %add3A = arith.constant 2 : i32
    %add3A_0 = arith.addi %arg0, %add3A : i32
    %c0_i32 = arith.constant 0 : i32
    return %add3A_0, %arg1 : i32, i32
  }
  func.func @transform_1(%arg0: i32, %arg1: i32) -> (i32, i32) {
    %c0_i32 = arith.constant 0 : i32
    %c0_i32_0 = arith.constant 0 : i32
    %c0_i32_1 = arith.constant 0 : i32
    return %c0_i32, %c0_i32_0 : i32, i32
  }
  func.func @transform_2(%arg0: i32, %arg1: i32) -> (i32, i32) {
    %c0_i32 = arith.constant 0 : i32
    %c0_i32_0 = arith.constant 0 : i32
    %c0_i32_1 = arith.constant 0 : i32
    return %c0_i32, %c0_i32_0 : i32, i32
  }
}

</mosaic_0001>

<sc_bundles>
// kernel: kernel.5.cloned.1.call-start
scs
__scs_entry_jumppad:
0x0: {  	(pc) =	sbr.rel $0x88, $3  }
0x1: {  	(tag) =	ssettag $0x0;
	lr =	simm.s32 $0x1  }
0x2: {  	[smem:$0x3F9F] =	sst lr;
	_ =	strace $0xD0000000  }
0x3: {  	_ = 	snop  }
0x4: {  	_ = 	snop  }
0x5: {  	_ = 	snop  }
0x6: {  	_ = 	snop  }
0x7: {  	_ = 	snop  }
__scs_overlays_trampoline_lowered:
0x8: {  	[smem:$0x3FAE] =	sst s0  }
0x9: {  	[smem:$0x3FAF] =	sst s1  }
0xa: {  	[smem:$0x3FB0] =	sst s2  }
0xb: {  	[smem:$0x3FB1] =	sst s3  }
0xc: {  	[smem:$0x3FB2] =	sst s4  }
0xd: {  	[smem:$0x3FB3] =	sst s5  }
0xe: {  	[smem:$0x3FB4] =	sst s6  }
0xf: {  	[smem:$0x3FB5] =	sst s7  }
0x10: {  	[smem:$0x3FB6] =	sst s8  }
0x11: {  	[smem:$0x3FB7] =	sst s9;
	s0 =	simm.s32 @!p0 $0x0  }
0x12: {  	s1 =	sld [smem:$0x3F9D];
	s0 =	simm.s32 @p0 $0x1  }
0x13: {  	[smem:$0x3FB8] =	sst s0;
	s0 =	simm.s32 @!p1 $0x0  }
0x14: {  	s2 =	sld [smem:$0x3F9C];
	s0 =	simm.s32 @p1 $0x1  }
0x15: {  	[smem:$0x3FB9] =	sst s0;
	s0 =	simm.s32 @!p2 $0x0  }
0x16: {  	s3 =	sld [smem:$0x3FDB];
	s0 =	simm.s32 @p2 $0x1  }
0x17: {  	s4 =	simm.s32 $0x1BF5;
	[smem:$0x3FBB] =	sst s0  }
0x18: {  	s0 =	sld [smem:$0x3F9E];
	_ =	swait.ge [sflag:s4], $0x0  }
0x19: {  	s7 =	sld [smem:$0x3F9F]  }
0x1a: {  	s8 =	sadd.s32 $0xFFFFE003, lr  }
0x1b: {  	s9 =	sadd.s32 $0xFFFFFEF7, lr;
	s5 =	simm.s32 $0xFFFFFFFF;
	p2 =	slt.u32 s8, $0xFFFFF086  }
0x1c: {  	p1 =	slt.u32 s9, $0xF7A;
	s5 =	simm.s32 @!p2 $0x0  }
0x1d: {  	s5 =	simm.s32 @p1 $0x1;
	p0 =	seq.s32 s7, s2  }
0x1e: {  	s7 =	smul.u32 @!p0 $0xF7A, s2;
	p2 =	seq.s32 @!p0 s5, $0x0  }
0x1f: {  	s9 =	smul.u32 $0xF7A, s1;
	s8 =	simm.s32 @!p0 $0x1BF5;
	p2 =	por !p2, p0  }
0x20: {  	[sflag:s8] =	ssyncset.s32 @!p0 $0xFFFFF086;
	s6 =	sadd.s32 @!p0 s3, s7;
	s7 =	simm.s32 @!p0 $0x108  }
0x21: {  	s3 =	sadd.s32 s3, s9;
	s6 =	sadd.s32 @!p0 $0x88, s6;
	s7 =	simm.s32 @p2 $0x1082  }
0x22: {  	[simem:s7], [sflag:s8] =	dma.local @!p0 [hbm:s6], $0xF7A  }
0x23: {  	s9 =	sor.u32 $0xD0000000, s2;
	s6 =	simm.s32 $0x108;
	_ =	swait.ge @!p0 [sflag:s8], $0x0  }
0x24: {  	s3 =	sadd.s32 $0x88, s3;
	s6 =	simm.s32 @!p1 $0x1082;
	[sflag:s4] =	ssyncset.s32 $0xFFFFF086  }
0x25: {  	[simem:s6], [sflag:s4] =	dma.local [hbm:s3], $0xF7A  }
0x26: {  	[smem:$0x3F9F] =	sst s1;
	(tag) =	ssettag s2;
	_ =	strace s9  }
0x27: {  	s1 =	sld [smem:$0x3FAF]  }
0x28: {  	s2 =	sld [smem:$0x3FB0]  }
0x29: {  	s4 =	sld [smem:$0x3FB2]  }
0x2a: {  	p0 =	seq.s32 s5, $0x0;
	s5 =	sld [smem:$0x3FB3]  }
0x2b: {  	s6 =	sld [smem:$0x3FB4]  }
0x2c: {  	s7 =	sld [smem:$0x3FB5]  }
0x2d: {  	s3 =	simm.s32 $0x108;
	s8 =	sld [smem:$0x3FB6]  }
0x2e: {  	s3 =	simm.s32 @!p0 $0x1082;
	s9 =	sld [smem:$0x3FB7]  }
0x2f: {  	lr =	sadd.s32 s0, s3;
	s0 =	sld [smem:$0x3FAE]  }
0x30: {  	s3 =	sld [smem:$0x3FB1]  }
0x31: {  	[smem:$0x3FBA] =	sst s10  }
0x32: {  	s10 =	sld [smem:$0x3FB8];
	_ =	sdelay $0x3  }
0x33: {  	p0 =	seq.s32 s10, $0x1;
	s10 =	sld [smem:$0x3FBA];
	_ =	sdelay $0x3  }
0x34: {  	[smem:$0x3FBA] =	sst s10  }
0x35: {  	s10 =	sld [smem:$0x3FB9];
	_ =	sdelay $0x3  }
0x36: {  	p1 =	seq.s32 s10, $0x1;
	s10 =	sld [smem:$0x3FBA];
	_ =	sdelay $0x3  }
0x37: {  	[smem:$0x3FBA] =	sst s10  }
0x38: {  	s10 =	sld [smem:$0x3FBB]  }
0x39: {  	_ = 	snop;
	(pc) =	sbr.ind lr, $3  }
0x3a: {  	_ = 	snop  }
0x3b: {  	_ = 	snop  }
0x3c: {  	p2 =	seq.s32 s10, $0x1;
	s10 =	sld [smem:$0x3FBA]  }
0x3d: {  	_ =	shalt  }
0x3e: {  	_ =	shalt  }
0x3f: {  	_ =	shalt  }
0x40: {  	_ =	shalt  }
0x41: {  	_ =	shalt  }
0x42: {  	_ =	shalt  }
0x43: {  	_ =	shalt  }
0x44: {  	_ =	shalt  }
0x45: {  	_ =	shalt  }
0x46: {  	_ =	shalt  }
0x47: {  	_ =	shalt  }
0x48: {  	_ =	shalt  }
0x49: {  	_ =	shalt  }
0x4a: {  	_ =	shalt  }
0x4b: {  	_ =	shalt  }
0x4c: {  	_ =	shalt  }
0x4d: {  	_ =	shalt  }
0x4e: {  	_ =	shalt  }
0x4f: {  	_ =	shalt  }
0x50: {  	_ =	shalt  }
0x51: {  	_ =	shalt  }
0x52: {  	_ =	shalt  }
0x53: {  	_ =	shalt  }
0x54: {  	_ =	shalt  }
0x55: {  	_ =	shalt  }
0x56: {  	_ =	shalt  }
0x57: {  	_ =	shalt  }
0x58: {  	_ =	shalt  }
0x59: {  	_ =	shalt  }
0x5a: {  	_ =	shalt  }
0x5b: {  	_ =	shalt  }
0x5c: {  	_ =	shalt  }
0x5d: {  	_ =	shalt  }
0x5e: {  	_ =	shalt  }
0x5f: {  	_ =	shalt  }
0x60: {  	_ =	shalt  }
0x61: {  	_ =	shalt  }
0x62: {  	_ =	shalt  }
0x63: {  	_ =	shalt  }
0x64: {  	_ =	shalt  }
0x65: {  	_ =	shalt  }
0x66: {  	_ =	shalt  }
0x67: {  	_ =	shalt  }
0x68: {  	_ =	shalt  }
0x69: {  	_ =	shalt  }
0x6a: {  	_ =	shalt  }
0x6b: {  	_ =	shalt  }
0x6c: {  	_ =	shalt  }
0x6d: {  	_ =	shalt  }
0x6e: {  	_ =	shalt  }
0x6f: {  	_ =	shalt  }
0x70: {  	_ =	shalt  }
0x71: {  	_ =	shalt  }
0x72: {  	_ =	shalt  }
0x73: {  	_ =	shalt  }
0x74: {  	_ =	shalt  }
0x75: {  	_ =	shalt  }
0x76: {  	_ =	shalt  }
0x77: {  	_ =	shalt  }
0x78: {  	_ =	shalt  }
0x79: {  	_ =	shalt  }
0x7a: {  	_ =	shalt  }
0x7b: {  	_ =	shalt  }
0x7c: {  	_ =	shalt  }
0x7d: {  	_ =	shalt  }
0x7e: {  	_ =	shalt  }
0x7f: {  	_ =	shalt  }
0x80: {  	_ =	shalt  }
0x81: {  	_ =	shalt  }
0x82: {  	_ =	shalt  }
0x83: {  	_ =	shalt  }
0x84: {  	_ =	shalt  }
0x85: {  	_ =	shalt  }
0x86: {  	_ =	shalt  }
0x87: {  	_ =	shalt  }
.Lfunc_end0:
.L_simem_size_0:
called_computation_lowered:
.L_overlay_start_0:
0x88: {  	s2 =	sld [smem:$0x3FD9]  }
0x89: {  	s3 =	sld [smem:$0x3FFE];
	_ =	sdelay $0x1  }
0x8a: {  	s1 =	srdreg.scid  }
0x8b: {  	s0 =	sand.u32 $0x1, s1  }
0x8c: {  	s17 =	sshll.u32 s0, $0xA;
	s2 =	sadd.s32 s3, s2  }
0x8d: {  	s2 =	sadd.s32 s2, s17  }
0x8e: {  	[smem:$0x3FC6] =	sst s2  }
0x8f: {  	_ = 	snop  }
0x90: {  	s2 =	sld [smem:$0x3FC9];
	(tm) =	ssettm $0x1  }
0x91: {  	s18 =	sld [smem:$0x3FFB];
	_ =	sdelay $0x3  }
0x92: {  	_ =	strace s18  }
0x93: {  	s3 =	sld [smem:$0x3FFC];
	_ =	sdelay $0x3  }
0x94: {  	_ =	strace s3  }
0x95: {  	s3 =	sld [smem:$0x3FFD];
	_ =	sdelay $0x3  }
0x96: {  	_ =	strace s3  }
0x97: {  	_ =	strace $0x8FFFFFFF  }
0x98: {  	s19 =	sld [smem:$0x3FDB];
	_ =	sdelay $0x1  }
0x99: {  	s4 =	simm.s32 $_scs_section_size  }
0x9a: {  	s5 =	simm.s32 $_size__tile_overlayer_lowered;
	s6 =	simm.s32 $_tile_overlayer_lowered  }
0x9b: {  	s22 =	simm.s32 $0x1BFF;
	s21 =	sshll.u32 s6, $0x1;
	s3 =	sadd.s32 s4, s19  }
0x9c: {  	s7 =	simm.s32 $0x0;
	s20 =	sshll.u32 s5, $0x1;
	s5 =	sadd.s32 s21, s3  }
0x9d: {  	[timem:s7], [sflag:s22] =	dma.local [hbm:s5], s20  }
0x9e: {  	_ =	swait.ge [sflag:s22], s20  }
0x9f: {  	s4 =	ssub.s32 $0x0, s20;
	[sflag:s22] =	ssyncset.done $0x0  }
0xa0: {  	[sflag:s22] =	ssyncadd.s32 s4;
	_ =	sdelay $0x1  }
0xa1: {  	s23 =	simm.s32 $0x1B8B  }
0xa2: {  	_ =	swait.ge [sflag:s23], $0x1  }
0xa3: {  	[sflag:s23] =	ssyncset.done $0x0  }
0xa4: {  	s25 =	simm.s32 $0x1B8E;
	s24 =	sld [smem:$0x3FFE];
	[sflag:s23] =	ssyncadd.s32 $0xFFFFFFFF  }
0xa5: {  	s26 =	simm.s32 $execute0_lowered;
	[smem:$0x3FD2] =	sst s25  }
0xa6: {  	s5 =	sshll.u32 s26, $0x1;
	_ =	strace $0x80000046;
	[dreg:$0x1] =	wrdreg $0xFFFFFFFF  }
0xa7: {  	s28 =	simm.s32 $_size_execute0_lowered;
	s3 =	sadd.s32 s3, s5;
	[dreg:$0x0] =	wrdreg $0x0  }
0xa8: {  	s5 =	sshll.u32 s28, $0x1;
	[dreg:$0x2] =	wrdreg s3  }
0xa9: {  	[dreg:$0x3] =	wrdreg s5  }
0xaa: {  	[dreg:$0x4] =	wrdreg $0xC0  }
0xab: {  	_ =	task [dreg:s7], $0x5FFFF  }
0xac: {  	[dreg:$0x1] =	wrdreg $0xFFFFFFFF  }
0xad: {  	[dreg:$0x0] =	wrdreg $0x60  }
0xae: {  	[dreg:$0x2] =	wrdreg s2  }
0xaf: {  	[dreg:$0x3] =	wrdreg s24  }
0xb0: {  	[dreg:$0x4] =	wrdreg $0x9  }
0xb1: {  	_ =	task.clear_ibuf [dreg:s7], $0x5FFFF;
	_ =	strace $0x90000046  }
0xb2: {  	s29 =	simm.s32 $0x9;
	_ =	strace $0x80000048  }
0xb3: {  	_ =	swait.ge [sflag:s29], $0x1  }
0xb4: {  	[sflag:s29] =	ssyncadd.s32 $0xFFFFFFFF  }
0xb5: {  	_ =	strace $0x90000048  }
0xb6: {  	_ =	sfence  }
0xb7: {  	s30 =	sld [smem:$0x0];
	_ =	sdelay $0x2  }
0xb8: {  	s31 =	sshll.u32 s1, $0xD;
	s1 =	sshrl.u32 s1, $0x2  }
0xb9: {  	s3 =	sand.u32 $0x4000, s31;
	s1 =	sadd.s32 s1, s30  }
0xba: {  	s0 =	sor.u32 s3, s0;
	s1 =	sshll.u32 s1, $0x11  }
0xbb: {  	s0 =	sor.u32 s1, s0  }
0xbc: {  	s0 =	sadd.s32 $0x8F2B, s0  }
0xbd: {  	[sflag:s0] =	ssyncadd.remote.s32 $0x1  }
0xbe: {  	_ =	sfence.sel $0xFFFF  }
0xbf: {  	[dreg:$0x0] =	wrdreg $0xFFFFFFFF;
	(pc) =	sbr.abs _section_cstart, $3  }
0xc0: {  	[dreg:$0x1] =	wrdreg $0xFFFFFFFF  }
0xc1: {  	_ =	task.clear_ibuf [dreg:s7], $0x2FFFF;
	_ =	strace $0x9FFFFFFF  }
0xc2: {  	(tm) =	ssettm $0x7FFFFFFF  }
0xc3: {  	_ =	shalt  }
tec
execute0_lowered:
.L_overlay_start_1:
0x0: {  	(tag) =	ssettag $0x1  }
0x1: {  	s1 =	rddreg [dreg:$0x0]  }
0x2: {  	s2 =	srdreg.scid;
	s3 =	stileid.u32  }
0x3: {  	s6 =	simm.s32 $0x0;
	s2 =	sand.u32 $0x1, s2;
	s3 =	sshll.u32 s3, $0x1  }
0x4: {  	[smem:$0x7FF] =	sst s6;
	s3 =	sor.u32 s2, s3  }
0x5: {  	s0 =	rddreg [dreg:$0x1];
	_ =	strace $0x80000047;
	s7 =	sshll.u32 s3, $0x3  }
0x6: {  	s2 =	ssub.s32 $0x2, s2;
	s3 =	sshll.u32 s3, $0x1;
	s5 =	sadd.s32 s7, s0  }
0x7: {  	s0 =	sadd.s32 s3, s0;
	[dreg:$0x3] =	wrdreg s7;
	s28 =	sadd.s32 $0x600, s5  }
.Ltmp0:
0x8: {  	v0 =	vimm.s32 $0xECA86420;
	v1 =	vlaneseq.u32;
	vm0 =	vmmov $0xff;
	s29 =	sadd.s32 $0x800, s0;
	[dreg:$0x4] =	wrdreg s28;
	(pc) =	sbr.rel .LBB2_1-.Ltmp0, $4  }
0x9: {  	v3 =	vimm.s32 $0x0;
	vm9 =	vmxor vm9, vm9;
	vm2 =	vcmask $0x1310;
	s4 =	sshrl.u32 s2, $0x1;
	s30 =	sadd.s32 $0x840, s0;
	[dreg:$0x5] =	wrdreg s29  }
0xa: {  	vm7 =	vcmask $0x3330;
	vm8 =	vcmask $0x3B38;
	v0 =	vunpack.c.l.s4.s8 v0;
	s2 =	ssub.s32 s2, s4;
	s0 =	sadd.s32 $0x880, s0;
	[dreg:$0x6] =	wrdreg s30  }
0xb: {  	s10 =	simm.s32 $0x1;
	v2 =	vmul.u32 $0x2, v1;
	v3 =	vsel vm0, $0xFFFFFFFF, v3;
	v4 =	vand.u32 $0x7, v1;
	s31 =	smax.u32 s2, $0x1;
	[dreg:$0x7] =	wrdreg s0  }
0xc: {  	s11 =	simm.s32 $0x80;
	[tilespmem:$0x1FFF0] =	vst v3;
	v3 =	vimm.s32 $0x0;
	v4 =	vmul.u32 $0x80, v4;
	v0 =	vunpack.c.0.s8.s32 v0;
	s2 =	simm.s32 $0x0;
	[dreg:$0x8] =	wrdreg s31  }
.LBB2_42:
0xd: {  	v5 =	vadd.f32 v34, v35;
	_ =	sdelay $0x1  }
0xe: {  	v5 =	vadd.f32 v33, v5;
	_ =	sdelay $0x1  }
0xf: {  	v5 =	vadd.f32 v32, v5;
	_ =	sdelay $0x1  }
0x10: {  	v5 =	vadd.f32 v29, v5;
	_ =	sdelay $0x1  }
0x11: {  	v5 =	vadd.f32 v31, v5;
	_ =	sdelay $0x1  }
0x12: {  	v5 =	vadd.f32 v28, v5;
	_ =	sdelay $0x1  }
0x13: {  	v5 =	vadd.f32 v27, v5;
	_ =	sdelay $0x1  }
0x14: {  	v5 =	vadd.f32 v26, v5;
	_ =	sdelay $0x1  }
0x15: {  	v5 =	vadd.f32 v25, v5;
	_ =	sdelay $0x1  }
0x16: {  	v5 =	vadd.f32 v23, v5;
	_ =	sdelay $0x1  }
0x17: {  	v5 =	vadd.f32 v21, v5;
	_ =	sdelay $0x1  }
0x18: {  	v5 =	vadd.f32 v22, v5;
	_ =	sdelay $0x1  }
0x19: {  	v5 =	vadd.f32 v20, v5;
	_ =	sdelay $0x1  }
0x1a: {  	v5 =	vadd.f32 v24, v5;
	_ =	sdelay $0x1  }
0x1b: {  	v5 =	vadd.f32 v30, v5;
	_ =	sdelay $0x1  }
0x1c: {  	s6 =	simm.s32 $0x0;
	s0 =	rddreg [dreg:$0x5];
	s2 =	simm.s32 $0xC880;
	[tilespmem:$0xC880] =	vst v5  }
0x1d: {  	[hbm4b:s0+s6] =	stream.linear.scatter [tilespmem:s2], [sflag:$0x1], $0x10, $0x38;
	[tilespmem:$0xC900] =	vst v63  }
0x1e: {  	_ =	swait.ge [sflag:s10], $0x10  }
0x1f: {  	[sflag:s10] =	ssyncset.done $0x0  }
0x20: {  	[sflag:s10] =	ssyncadd.s32 $0xFFFFFFF0  }
0x21: {  	s28 =	rddreg [dreg:$0x6];
	[tilespmem:$0xC880] =	vst v16  }
0x22: {  	[hbm4b:s28+s6] =	stream.linear.scatter [tilespmem:s2], [sflag:$0x1], $0x10, $0x38;
	[tilespmem:$0xC900] =	vst v63  }
0x23: {  	_ =	swait.ge [sflag:s10], $0x10  }
0x24: {  	[sflag:s10] =	ssyncset.done $0x0  }
0x25: {  	[sflag:s10] =	ssyncadd.s32 $0xFFFFFFF0  }
0x26: {  	s29 =	rddreg [dreg:$0x7];
	[tilespmem:$0xC880] =	vst v14  }
0x27: {  	[hbm4b:s29+s6] =	stream.linear.scatter [tilespmem:s2], [sflag:$0x1], $0x10, $0x38;
	[tilespmem:$0xC900] =	vst v63  }
0x28: {  	_ =	swait.ge [sflag:s10], $0x10  }
0x29: {  	s30 =	rddreg [dreg:$0x9]  }
0x2a: {  	s31 =	rddreg [dreg:$0x8];
	s2 =	sadd.s32 $0x1, s30  }
0x2b: {  	p0 =	sne.s32 s2, s31  }
.Ltmp1:
0x2c: {  	_ = 	snop;
	(pc) =	sbr.rel @!p0 .LBB2_43-.Ltmp1, $3  }
0x2d: {  	_ =	sdelay $0x1  }
0x2e: {  	[sflag:s10] =	ssyncset.done $0x0  }
0x2f: {  	[sflag:s10] =	ssyncadd.s32 $0xFFFFFFF0  }
.LBB2_1:
0x30: {  	[dreg:$0x9] =	wrdreg s2  }
0x31: {  	s0 =	rddreg [dreg:$0x4]  }
0x32: {  	[tilespmem:s6], [sflag:$0x1] =	stream.linear.gather [hbm4b:s0+s6], $0x40, $0x38;
	[tilespmem:$0xC900] =	vst v63  }
0x33: {  	_ =	swait.ge [sflag:s10], $0x40  }
0x34: {  	[sflag:s10] =	ssyncset.done $0x0  }
0x35: {  	[sflag:s10] =	ssyncadd.s32 $0xFFFFFFC0  }
0x36: {  	v5 =	vld [tilespmem:$0x0];
	_ =	sdelay $0x4  }
0x37: {  	(v2sf) =	vpush v5, $0xD;
	_ =	sdelay $0x1  }
0x38: {  	(v2sf) =	vpush v5, $0xC;
	_ =	sdelay $0x1  }
0x39: {  	(v2sf) =	vpush v5, $0xE  }
0x3a: {  	(v2sf) =	vpush v5, $0xF;
	_ =	sdelay $0x1  }
0x3b: {  	(v2sf) =	vpush v5, $0x9  }
0x3c: {  	(v2sf) =	vpush v5, $0x8;
	_ =	sdelay $0x1  }
0x3d: {  	(v2sf) =	vpush v5, $0xA;
	_ =	sdelay $0x3  }
0x3e: {  	(v2sf) =	vpush v5, $0xB  }
0x3f: {  	s30 =	spop (v2sf)  }
0x40: {  	(v2sf) =	vpush v5, $0x0;
	s31 =	smulhi.u32 $0x51EB851F, s30;
	s0 =	sshra.s32 s30, $0x1F  }
0x41: {  	(v2sf) =	vpush v5, $0x1;
	s2 =	spop (v2sf);
	s29 =	smul.u32 $0x51EB851F, s0  }
0x42: {  	(v2sf) =	vpush v5, $0x2;
	s21 =	smulhi.u32 $0x51EB851F, s2;
	s0 =	sshra.s32 s2, $0x1F  }
0x43: {  	s3 =	spop (v2sf);
	s13 =	smul.u32 $0x51EB851F, s0  }
0x44: {  	s22 =	smulhi.u32 $0x51EB851F, s3;
	s0 =	sshra.s32 s3, $0x1F;
	s4 =	spop (v2sf);
	(v2sf) =	vpush v5, $0x3  }
0x45: {  	s8 =	smul.u32 $0x51EB851F, s0  }
0x46: {  	s23 =	smulhi.u32 $0x51EB851F, s4;
	s0 =	sshra.s32 s4, $0x1F;
	s5 =	spop (v2sf);
	(v2sf) =	vpush v5, $0x4  }
0x47: {  	s18 =	smul.u32 $0x51EB851F, s0;
	s6 =	spop (v2sf);
	(v2sf) =	vpush v5, $0x5  }
0x48: {  	s24 =	smulhi.u32 $0x51EB851F, s5;
	s0 =	sshra.s32 s5, $0x1F  }
0x49: {  	s15 =	smul.u32 $0x51EB851F, s0;
	s7 =	spop (v2sf);
	(v2sf) =	vpush v5, $0x6  }
0x4a: {  	s25 =	smulhi.u32 $0x51EB851F, s6;
	s0 =	sshra.s32 s6, $0x1F  }
0x4b: {  	v6 =	vld [tilespmem:$0x10];
	s4 =	smul.u32 $0x51EB851F, s0  }
0x4c: {  	s26 =	smulhi.u32 $0x51EB851F, s7;
	s0 =	sshra.s32 s7, $0x1F;
	(v2sf) =	vpush v5, $0x7  }
0x4d: {  	s9 =	spop (v2sf);
	s12 =	smul.u32 $0x51EB851F, s0  }
0x4e: {  	[smem:$0x7B5] =	sst s31;
	s28 =	smulhi.u32 $0x51EB851F, s9;
	s0 =	sshra.s32 s9, $0x1F  }
0x4f: {  	s14 =	spop (v2sf);
	s9 =	smul.u32 $0x51EB851F, s0  }
0x50: {  	(v2sf) =	vpush v6, $0xD;
	s30 =	smulhi.u32 $0x51EB851F, s14;
	s16 =	spop (v2sf)  }
0x51: {  	s31 =	smulhi.u32 $0x51EB851F, s16;
	s3 =	spop (v2sf)  }
0x52: {  	s5 =	smulhi.u32 $0x51EB851F, s3;
	s3 =	sshra.s32 s3, $0x1F  }
0x53: {  	s6 =	smul.u32 $0x51EB851F, s3;
	s17 =	spop (v2sf)  }
0x54: {  	s0 =	sshra.s32 s14, $0x1F;
	(v2sf) =	vpush v6, $0xC;
	s19 =	smulhi.u32 $0x51EB851F, s17;
	s3 =	sshra.s32 s17, $0x1F  }
0x55: {  	s2 =	sshra.s32 s16, $0x1F;
	s20 =	spop (v2sf);
	s16 =	smul.u32 $0x51EB851F, s3  }
0x56: {  	s7 =	smulhi.u32 $0x51EB851F, s20;
	s3 =	sshra.s32 s20, $0x1F;
	s14 =	spop (v2sf)  }
0x57: {  	[smem:$0x7B7] =	sst s19;
	s17 =	smul.u32 $0x51EB851F, s3  }
0x58: {  	(v2sf) =	vpush v6, $0xE;
	s19 =	smulhi.u32 $0x51EB851F, s14;
	s20 =	spop (v2sf)  }
0x59: {  	s3 =	sshra.s32 s14, $0x1F;
	s14 =	smulhi.u32 $0x51EB851F, s20;
	_ =	sdelay $0x1  }
0x5a: {  	[smem:$0x7BA] =	sst s14;
	s14 =	spop (v2sf)  }
0x5b: {  	(v2sf) =	vpush v6, $0xF;
	[smem:$0x7B9] =	sst s19;
	s19 =	smulhi.u32 $0x51EB851F, s14  }
0x5c: {  	[smem:$0x7B8] =	sst s7  }
0x5d: {  	s7 =	smul.u32 $0x51EB851F, s3;
	s14 =	sshra.s32 s14, $0x1F;
	[smem:$0x7BB] =	sst s19  }
0x5e: {  	s19 =	smul.u32 $0x51EB851F, s14;
	s14 =	spop (v2sf)  }
0x5f: {  	(v2sf) =	vpush v6, $0x9;
	s3 =	sshra.s32 s20, $0x1F;
	s20 =	smulhi.u32 $0x51EB851F, s14;
	s14 =	sshra.s32 s14, $0x1F  }
0x60: {  	s14 =	smul.u32 $0x51EB851F, s14;
	_ =	sdelay $0x1  }
0x61: {  	[smem:$0x7BD] =	sst s14;
	s14 =	spop (v2sf)  }
0x62: {  	(v2sf) =	vpush v6, $0x8;
	[smem:$0x7BC] =	sst s20;
	s20 =	smulhi.u32 $0x51EB851F, s14;
	s14 =	sshra.s32 s14, $0x1F  }
0x63: {  	s14 =	smul.u32 $0x51EB851F, s14;
	_ =	sdelay $0x1  }
0x64: {  	[smem:$0x7BF] =	sst s14;
	s14 =	spop (v2sf)  }
0x65: {  	(v2sf) =	vpush v6, $0xA;
	[smem:$0x7BE] =	sst s20;
	s20 =	smulhi.u32 $0x51EB851F, s14;
	s14 =	sshra.s32 s14, $0x1F  }
0x66: {  	s14 =	smul.u32 $0x51EB851F, s14;
	_ =	sdelay $0x1  }
0x67: {  	[smem:$0x7C1] =	sst s14;
	s14 =	spop (v2sf)  }
0x68: {  	(v2sf) =	vpush v6, $0xB;
	[smem:$0x7C0] =	sst s20;
	s20 =	smulhi.u32 $0x51EB851F, s14;
	s14 =	sshra.s32 s14, $0x1F  }
0x69: {  	s14 =	smul.u32 $0x51EB851F, s14;
	_ =	sdelay $0x1  }
0x6a: {  	[smem:$0x7C3] =	sst s14;
	s14 =	spop (v2sf)  }
0x6b: {  	(v2sf) =	vpush v6, $0x0;
	[smem:$0x7C2] =	sst s20;
	s20 =	smulhi.u32 $0x51EB851F, s14;
	s14 =	sshra.s32 s14, $0x1F  }
0x6c: {  	s14 =	smul.u32 $0x51EB851F, s14;
	_ =	sdelay $0x1  }
0x6d: {  	[smem:$0x7C5] =	sst s14;
	s14 =	spop (v2sf)  }
0x6e: {  	(v2sf) =	vpush v6, $0x1;
	[smem:$0x7C4] =	sst s20;
	s20 =	smulhi.u32 $0x51EB851F, s14;
	s14 =	sshra.s32 s14, $0x1F  }
0x6f: {  	s14 =	smul.u32 $0x51EB851F, s14  }
0x70: {  	(v2sf) =	vpush v6, $0x2  }
0x71: {  	[smem:$0x7C7] =	sst s14;
	s14 =	spop (v2sf)  }
0x72: {  	[smem:$0x7C6] =	sst s20;
	s20 =	smulhi.u32 $0x51EB851F, s14;
	s14 =	sshra.s32 s14, $0x1F  }
0x73: {  	s14 =	smul.u32 $0x51EB851F, s14  }
0x74: {  	(v2sf) =	vpush v6, $0x3  }
0x75: {  	[smem:$0x7C9] =	sst s14;
	s14 =	spop (v2sf)  }
0x76: {  	[smem:$0x7C8] =	sst s20;
	s20 =	smulhi.u32 $0x51EB851F, s14;
	s14 =	sshra.s32 s14, $0x1F  }
0x77: {  	s13 =	sadd.s32 s13, s21;
	s14 =	smul.u32 $0x51EB851F, s14  }
0x78: {  	[smem:$0x7E3] =	sst s13  }
0x79: {  	s8 =	sadd.s32 s8, s22;
	[smem:$0x7CB] =	sst s14;
	s14 =	spop (v2sf)  }
0x7a: {  	(v2sf) =	vpush v6, $0x4;
	[smem:$0x7CA] =	sst s20;
	s20 =	smulhi.u32 $0x51EB851F, s14;
	s14 =	sshra.s32 s14, $0x1F  }
0x7b: {  	[smem:$0x7E4] =	sst s8;
	(v2sf) =	vpush v6, $0x5;
	s14 =	smul.u32 $0x51EB851F, s14  }
0x7c: {  	[smem:$0x7B6] =	sst s5  }
0x7d: {  	[smem:$0x7CD] =	sst s14;
	s14 =	spop (v2sf)  }
0x7e: {  	(v2sf) =	vpush v6, $0x6;
	[smem:$0x7CC] =	sst s20;
	s20 =	smulhi.u32 $0x51EB851F, s14;
	s14 =	sshra.s32 s14, $0x1F  }
0x7f: {  	s22 =	sadd.s32 s18, s23;
	s5 =	smul.u32 $0x51EB851F, s14;
	s14 =	spop (v2sf)  }
0x80: {  	[smem:$0x7CE] =	sst s20;
	s20 =	smulhi.u32 $0x51EB851F, s14;
	s14 =	sshra.s32 s14, $0x1F  }
0x81: {  	v7 =	vld [tilespmem:$0x20];
	[smem:$0x7E5] =	sst s22;
	s4 =	sadd.s32 s4, s25;
	(v2sf) =	vpush v6, $0x7;
	s14 =	smul.u32 $0x51EB851F, s14  }
0x82: {  	[smem:$0x7E7] =	sst s4  }
0x83: {  	[smem:$0x7D0] =	sst s14;
	s14 =	spop (v2sf)  }
0x84: {  	s22 =	sadd.s32 s9, s28;
	[smem:$0x7CF] =	sst s20;
	s20 =	smulhi.u32 $0x51EB851F, s14  }
0x85: {  	[smem:$0x7E9] =	sst s22  }
0x86: {  	(v2sf) =	vpush v7, $0xD;
	s14 =	sshra.s32 s14, $0x1F;
	[smem:$0x7D1] =	sst s20  }
0x87: {  	s14 =	smul.u32 $0x51EB851F, s14;
	s20 =	sld [smem:$0x7B5]  }
0x88: {  	s22 =	sld [smem:$0x7BE]  }
0x89: {  	[smem:$0x7D2] =	sst s14;
	s14 =	spop (v2sf)  }
0x8a: {  	s13 =	spop (v2sf);
	s20 =	sadd.s32 s29, s20;
	s29 =	smulhi.u32 $0x51EB851F, s14  }
0x8b: {  	s21 =	sshra.s32 s13, $0x1F;
	[smem:$0x7E2] =	sst s20;
	s20 =	smulhi.u32 $0x51EB851F, s13  }
0x8c: {  	s8 =	smul.u32 $0x51EB851F, s21;
	[smem:$0x7D3] =	sst s29  }
0x8d: {  	s14 =	sshra.s32 s14, $0x1F;
	s23 =	spop (v2sf);
	[smem:$0x7D5] =	sst s20  }
0x8e: {  	(v2sf) =	vpush v7, $0xC;
	s29 =	smul.u32 $0x51EB851F, s14;
	[smem:$0x7D6] =	sst s8  }
0x8f: {  	s14 =	smulhi.u32 $0x51EB851F, s23;
	s20 =	sadd.s32 s12, s26;
	s12 =	sld [smem:$0x7B9]  }
0x90: {  	s18 =	spop (v2sf);
	[smem:$0x7D4] =	sst s29  }
0x91: {  	s21 =	smulhi.u32 $0x51EB851F, s18;
	[smem:$0x7D7] =	sst s14  }
0x92: {  	s4 =	sshra.s32 s18, $0x1F;
	[smem:$0x7E8] =	sst s20  }
0x93: {  	s8 =	sshra.s32 s23, $0x1F;
	s4 =	smul.u32 $0x51EB851F, s4;
	[smem:$0x7D9] =	sst s21  }
0x94: {  	s29 =	sadd.s32 s15, s24;
	s15 =	smul.u32 $0x51EB851F, s8;
	s8 =	sld [smem:$0x7B8]  }
0x95: {  	s23 =	spop (v2sf);
	s20 =	sld [smem:$0x7BD]  }
0x96: {  	(v2sf) =	vpush v7, $0xE;
	s24 =	smulhi.u32 $0x51EB851F, s23;
	s25 =	sshra.s32 s23, $0x1F;
	s23 =	sld [smem:$0x7BF]  }
0x97: {  	[smem:$0x7E6] =	sst s29  }
0x98: {  	(v2sf) =	vpush v7, $0xF;
	[smem:$0x7DA] =	sst s4  }
0x99: {  	s29 =	sld [smem:$0x7B6]  }
0x9a: {  	s2 =	smul.u32 $0x51EB851F, s2;
	[smem:$0x7D8] =	sst s15  }
0x9b: {  	s0 =	smul.u32 $0x51EB851F, s0;
	[smem:$0x7DB] =	sst s24  }
0x9c: {  	s24 =	sadd.s32 s2, s31;
	s31 =	sld [smem:$0x7B7]  }
0x9d: {  	s21 =	sadd.s32 s0, s30;
	s28 =	spop (v2sf);
	s15 =	sld [smem:$0x7BA]  }
0x9e: {  	s26 =	smul.u32 $0x51EB851F, s25;
	s0 =	sadd.s32 s7, s12;
	s7 =	sld [smem:$0x7C3]  }
0x9f: {  	s30 =	smulhi.u32 $0x51EB851F, s28;
	s12 =	sld [smem:$0x7C5]  }
0xa0: {  	s2 =	sshra.s32 s28, $0x1F;
	[smem:$0x7DC] =	sst s26  }
0xa1: {  	[smem:$0x7DD] =	sst s30;
	s4 =	smul.u32 $0x51EB851F, s2  }
0xa2: {  	(v2sf) =	vpush v7, $0x9;
	[smem:$0x7EB] =	sst s0  }
0xa3: {  	s3 =	smul.u32 $0x51EB851F, s3;
	(v2sf) =	vpush v7, $0x8;
	s25 =	sadd.s32 s6, s29;
	[smem:$0x7DE] =	sst s4  }
0xa4: {  	(v2sf) =	vpush v7, $0xA;
	s26 =	sadd.s32 s16, s31;
	s31 =	sadd.s32 s17, s8;
	s17 =	sld [smem:$0x7BB]  }
0xa5: {  	s6 =	spop (v2sf);
	s0 =	sadd.s32 s3, s15;
	s3 =	sld [smem:$0x7C0]  }
0xa6: {  	s9 =	smulhi.u32 $0x51EB851F, s6;
	s4 =	sld [smem:$0x7C1]  }
0xa7: {  	s2 =	sshra.s32 s6, $0x1F;
	s14 =	spop (v2sf);
	s6 =	sld [smem:$0x7C2]  }
0xa8: {  	s13 =	smul.u32 $0x51EB851F, s2;
	[smem:$0x7EC] =	sst s0  }
0xa9: {  	s16 =	smulhi.u32 $0x51EB851F, s14;
	s2 =	sshra.s32 s14, $0x1F;
	s14 =	sld [smem:$0x7C7]  }
0xaa: {  	[smem:$0x7DF] =	sst s9  }
0xab: {  	(v2sf) =	vpush v7, $0xB;
	s9 =	sld [smem:$0x7C4]  }
0xac: {  	[smem:$0x7E0] =	sst s13  }
0xad: {  	[smem:$0x7E1] =	sst s16  }
0xae: {  	(v2sf) =	vpush v7, $0x0;
	s0 =	sadd.s32 s19, s17;
	s19 =	sld [smem:$0x7BC]  }
0xaf: {  	(v2sf) =	vpush v7, $0x1;
	s13 =	sld [smem:$0x7C6]  }
0xb0: {  	s28 =	smul.u32 $0x51EB851F, s2;
	s16 =	sld [smem:$0x7C8]  }
0xb1: {  	[smem:$0x7EA] =	sst s0;
	s18 =	spop (v2sf)  }
0xb2: {  	s2 =	sshra.s32 s18, $0x1F;
	s29 =	spop (v2sf);
	s0 =	sadd.s32 s20, s19  }
0xb3: {  	s8 =	spop (v2sf);
	[smem:$0x7ED] =	sst s0;
	s0 =	sadd.s32 s23, s22  }
0xb4: {  	s22 =	smul.u32 $0x51EB851F, s2;
	s2 =	sadd.s32 s4, s3;
	s3 =	sld [smem:$0x7CB]  }
0xb5: {  	s19 =	smulhi.u32 $0x51EB851F, s8;
	s17 =	sshra.s32 s8, $0x1F;
	s8 =	sld [smem:$0x7CE]  }
0xb6: {  	[smem:$0x7EE] =	sst s0  }
0xb7: {  	[dreg:$0x1f] =	wrdreg s2  }
0xb8: {  	s23 =	smulhi.u32 $0x51EB851F, s29;
	s0 =	sshra.s32 s29, $0x1F;
	s29 =	sld [smem:$0x7C9]  }
0xb9: {  	s30 =	smulhi.u32 $0x51EB851F, s18;
	s2 =	sadd.s32 s7, s6;
	s6 =	sld [smem:$0x7CC]  }
0xba: {  	s15 =	spop (v2sf);
	s7 =	sld [smem:$0x7CD]  }
0xbb: {  	s18 =	smul.u32 $0x51EB851F, s17;
	s17 =	sshra.s32 s15, $0x1F;
	[smem:$0x7EF] =	sst s2  }
0xbc: {  	s20 =	smul.u32 $0x51EB851F, s0;
	s0 =	sadd.s32 s12, s9;
	s2 =	sld [smem:$0x7CA]  }
0xbd: {  	s4 =	spop (v2sf);
	s22 =	sadd.s32 s22, s30;
	[smem:$0x7F0] =	sst s0  }
0xbe: {  	s0 =	sadd.s32 s14, s13;
	s14 =	smulhi.u32 $0x51EB851F, s4;
	s9 =	spop (v2sf)  }
0xbf: {  	(v2sf) =	vpush v7, $0x2;
	[smem:$0x7F1] =	sst s0;
	s0 =	sadd.s32 s29, s16;
	s16 =	smulhi.u32 $0x51EB851F, s15  }
0xc0: {  	[dreg:$0x15] =	wrdreg s22;
	s18 =	sadd.s32 s18, s19;
	s15 =	smul.u32 $0x51EB851F, s17  }
0xc1: {  	s17 =	sadd.s32 s7, s6;
	s29 =	sshra.s32 s4, $0x1F;
	s6 =	sld [smem:$0x7D2]  }
0xc2: {  	s12 =	smulhi.u32 $0x51EB851F, s9;
	s4 =	sshra.s32 s9, $0x1F;
	s9 =	sld [smem:$0x7D3]  }
0xc3: {  	[dreg:$0x13] =	wrdreg s18  }
0xc4: {  	[smem:$0x7F2] =	sst s0  }
0xc5: {  	(v2sf) =	vpush v7, $0x3;
	s0 =	sadd.s32 s3, s2;
	s2 =	sld [smem:$0x7CF]  }
0xc6: {  	s3 =	sld [smem:$0x7D0]  }
0xc7: {  	s20 =	sadd.s32 s20, s23;
	s13 =	smul.u32 $0x51EB851F, s29;
	s29 =	sld [smem:$0x7D4]  }
0xc8: {  	[dreg:$0x14] =	wrdreg s20  }
0xc9: {  	[smem:$0x7F3] =	sst s0  }
0xca: {  	s0 =	sadd.s32 s5, s8;
	s5 =	sld [smem:$0x7D1]  }
0xcb: {  	s8 =	smul.u32 $0x51EB851F, s4;
	s4 =	sld [smem:$0x7D6]  }
0xcc: {  	[dreg:$0x1e] =	wrdreg s0  }
0xcd: {  	s0 =	sadd.s32 s3, s2;
	s3 =	sld [smem:$0x7D5]  }
0xce: {  	s7 =	spop (v2sf);
	[dreg:$0x1d] =	wrdreg s0;
	s2 =	sadd.s32 s6, s5  }
0xcf: {  	s0 =	sshra.s32 s7, $0x1F;
	[smem:$0x7F4] =	sst s2  }
0xd0: {  	(v2sf) =	vpush v7, $0x4;
	s2 =	sadd.s32 s29, s9;
	s9 =	smulhi.u32 $0x51EB851F, s7;
	s7 =	sld [smem:$0x7D7]  }
0xd1: {  	s29 =	sld [smem:$0x7D8]  }
0xd2: {  	[dreg:$0x1c] =	wrdreg s2  }
0xd3: {  	s2 =	sadd.s32 s4, s3;
	s3 =	sld [smem:$0x7D9]  }
0xd4: {  	v8 =	vld [tilespmem:$0x30];
	(v2sf) =	vpush v7, $0x5;
	s5 =	spop (v2sf);
	s4 =	sld [smem:$0x7DA]  }
0xd5: {  	s6 =	smul.u32 $0x51EB851F, s0;
	s0 =	sshra.s32 s5, $0x1F;
	[dreg:$0x1b] =	wrdreg s2  }
0xd6: {  	(v2sf) =	vpush v7, $0x6;
	s2 =	sadd.s32 s29, s7;
	s7 =	smulhi.u32 $0x51EB851F, s5;
	s5 =	sld [smem:$0x7DB]  }
0xd7: {  	s29 =	sld [smem:$0x7DC]  }
0xd8: {  	(v2sf) =	vpush v7, $0x7;
	[dreg:$0x1a] =	wrdreg s2  }
0xd9: {  	(v2sf) =	vpush v8, $0xD;
	s2 =	sadd.s32 s4, s3;
	s3 =	sld [smem:$0x7DD]  }
0xda: {  	[smem:$0x7F5] =	sst s2  }
0xdb: {  	s15 =	sadd.s32 s15, s16;
	s2 =	sadd.s32 s29, s5;
	s29 =	sld [smem:$0x7DE]  }
0xdc: {  	(v2sf) =	vpush v8, $0xC;
	[dreg:$0x12] =	wrdreg s15  }
0xdd: {  	s4 =	smul.u32 $0x51EB851F, s0;
	[dreg:$0x19] =	wrdreg s2  }
0xde: {  	s2 =	sadd.s32 s29, s3;
	s3 =	sld [smem:$0x7DF]  }
0xdf: {  	s0 =	spop (v2sf);
	s4 =	sadd.s32 s4, s7;
	s29 =	sld [smem:$0x7E0]  }
0xe0: {  	(v2sf) =	vpush v8, $0xE;
	s5 =	smulhi.u32 $0x51EB851F, s0;
	s0 =	sshra.s32 s0, $0x1F;
	[dreg:$0x10] =	wrdreg s4  }
0xe1: {  	[dreg:$0x18] =	wrdreg s2;
	s2 =	smul.u32 $0x51EB851F, s0  }
0xe2: {  	s19 =	sadd.s32 s13, s14;
	s3 =	sadd.s32 s29, s3;
	s29 =	sld [smem:$0x7E1]  }
0xe3: {  	s0 =	spop (v2sf);
	s2 =	sadd.s32 s2, s5;
	[dreg:$0x17] =	wrdreg s3  }
0xe4: {  	s3 =	smulhi.u32 $0x51EB851F, s0;
	s0 =	sshra.s32 s0, $0x1F;
	[dreg:$0xf] =	wrdreg s2  }
0xe5: {  	s0 =	smul.u32 $0x51EB851F, s0;
	s28 =	sadd.s32 s28, s29;
	s29 =	spop (v2sf)  }
0xe6: {  	[dreg:$0x16] =	wrdreg s28;
	s22 =	smulhi.u32 $0x51EB851F, s29;
	s28 =	sshra.s32 s29, $0x1F  }
0xe7: {  	s30 =	spop (v2sf);
	s0 =	sadd.s32 s0, s3;
	s20 =	smul.u32 $0x51EB851F, s28  }
0xe8: {  	s18 =	smulhi.u32 $0x51EB851F, s30;
	s23 =	sshra.s32 s30, $0x1F;
	s28 =	spop (v2sf)  }
0xe9: {  	s14 =	sadd.s32 s8, s12;
	[dreg:$0xe] =	wrdreg s0;
	s15 =	smul.u32 $0x51EB851F, s23  }
0xea: {  	s23 =	smulhi.u32 $0x51EB851F, s28;
	s3 =	sadd.s32 s20, s22;
	s20 =	sld [smem:$0x7E6]  }
0xeb: {  	s29 =	sshra.s32 s28, $0x1F;
	s30 =	spop (v2sf);
	s22 =	sld [smem:$0x7E7]  }
0xec: {  	s8 =	smul.u32 $0x51EB851F, s29;
	s12 =	sshra.s32 s30, $0x1F;
	[dreg:$0xd] =	wrdreg s3  }
0xed: {  	s13 =	sadd.s32 s6, s9;
	s16 =	smul.u32 $0x51EB851F, s12;
	s12 =	sld [smem:$0x7E2]  }
0xee: {  	s6 =	smulhi.u32 $0x51EB851F, s30;
	s7 =	sadd.s32 s15, s18;
	s15 =	sld [smem:$0x7E3]  }
0xef: {  	s28 =	spop (v2sf);
	s18 =	sld [smem:$0x7E5]  }
0xf0: {  	s29 =	smulhi.u32 $0x51EB851F, s28;
	s30 =	sshra.s32 s28, $0x1F;
	s28 =	sld [smem:$0x7E9]  }
0xf1: {  	[dreg:$0x11] =	wrdreg s7  }
0xf2: {  	s8 =	sadd.s32 s8, s23;
	s23 =	sld [smem:$0x7E8]  }
0xf3: {  	s5 =	smul.u32 $0x51EB851F, s30;
	s30 =	sld [smem:$0x7EA]  }
0xf4: {  	[dreg:$0xc] =	wrdreg s8  }
0xf5: {  	s9 =	sadd.s32 s16, s6;
	s16 =	sld [smem:$0x7E4]  }
0xf6: {  	s8 =	sshra.s32 s22, $0xB;
	[dreg:$0xb] =	wrdreg s9  }
0xf7: {  	s0 =	sadd.s32 s5, s29;
	s4 =	sshrl.u32 s12, $0x1F;
	s7 =	sshra.s32 s12, $0xB  }
0xf8: {  	s5 =	sshrl.u32 s15, $0x1F;
	s9 =	sshra.s32 s15, $0xB;
	s6 =	sshra.s32 s18, $0xB  }
0xf9: {  	s2 =	sshra.s32 s28, $0xB;
	[dreg:$0xa] =	wrdreg s0;
	s0 =	sshra.s32 s20, $0xB  }
0xfa: {  	s12 =	sshra.s32 s23, $0xB;
	s29 =	sshra.s32 s30, $0x1F;
	v9 =	vmov s5;
	s5 =	sshrl.u32 s21, $0x1F  }
0xfb: {  	vm1 =	vcmask $0xB08;
	vm3 =	vcmask $0x300;
	s15 =	sshrl.u32 s16, $0x1F;
	s3 =	sshra.s32 s16, $0xB;
	s16 =	sshrl.u32 s18, $0x1F  }
0xfc: {  	vm11 =	vcmask $0x704;
	s18 =	sshrl.u32 s20, $0x1F;
	s20 =	sshrl.u32 s22, $0x1F;
	v10 =	vmov s29;
	s29 =	sshra.s32 s21, $0xB;
	v11 =	vmov s5  }
0xfd: {  	vm5 =	vcmask $0x1B18;
	s22 =	sshrl.u32 s23, $0x1F;
	s21 =	sshra.s32 s21, $0x1F;
	s5 =	sshrl.u32 s24, $0x1F;
	v10 =	vsel vm3, s29, v10;
	v11 =	vnsel vm3, $0x0, v11  }
0xfe: {  	s23 =	sshrl.u32 s28, $0x1F;
	v9 =	vsel vm1, s4, v9;
	s28 =	sshra.s32 s24, $0xB;
	s29 =	sshrl.u32 s25, $0x1F;
	v10 =	vsel vm11, s21, v10;
	v11 =	vsel vm1, s5, v11  }
0xff: {  	v9 =	vsel vm2, s15, v9;
	s5 =	sshra.s32 s26, $0xB;
	v10 =	vsel vm1, s28, v10;
	s28 =	sshrl.u32 s26, $0x1F;
	v11 =	vsel vm2, s29, v11  }
0x100: {  	vm13 =	vcmask $0x2320;
	v9 =	vsel vm5, s16, v9;
	s16 =	sshra.s32 s26, $0x1F;
	s29 =	sshrl.u32 s31, $0x1F;
	s26 =	sld [smem:$0x7EB];
	v11 =	vsel vm5, s28, v11  }
0x101: {  	vm12 =	vcmask $0xF0C;
	s24 =	sshra.s32 s24, $0x1F;
	v12 =	vmov s20;
	v11 =	vsel vm13, s29, v11;
	s29 =	sld [smem:$0x7EC]  }
0x102: {  	s20 =	sshra.s32 s31, $0xB;
	s21 =	sshra.s32 s25, $0xB;
	s25 =	sshra.s32 s25, $0x1F;
	v12 =	vsel vm1, s18, v12;
	v10 =	vsel vm12, s24, v10  }
0x103: {  	vm4 =	vcmask $0x1714;
	v12 =	vsel vm2, s22, v12;
	s24 =	sshra.s32 s31, $0x1F;
	v10 =	vsel vm2, s21, v10;
	s28 =	sshrl.u32 s26, $0x1F;
	s18 =	sshra.s32 s26, $0xB  }
0x104: {  	s21 =	sshra.s32 s26, $0x1F;
	v13 =	vsel vm4, s25, v10;
	v10 =	vsel vm5, s23, v12;
	s23 =	sld [smem:$0x7EF];
	s31 =	sshrl.u32 s29, $0x1F  }
0x105: {  	vm14 =	vcmask $0x2B28;
	vm10 =	vcmask $0x1F1C;
	v12 =	vsel vm5, s5, v13;
	s22 =	sshra.s32 s29, $0xB;
	s26 =	sshra.s32 s29, $0x1F;
	s29 =	sld [smem:$0x7ED]  }
0x106: {  	v11 =	vsel vm14, s28, v11;
	v13 =	vmov s9;
	v12 =	vsel vm10, s16, v12;
	s16 =	rddreg [dreg:$0x1f]  }
0x107: {  	v13 =	vsel vm1, s7, v13;
	v11 =	vsel vm7, s31, v11;
	s31 =	sld [smem:$0x7EE];
	s7 =	sshra.s32 s16, $0xB  }
0x108: {  	s25 =	sshrl.u32 s30, $0x1F;
	v13 =	vsel vm2, s3, v13;
	[smem:$0x7F7] =	sst s7  }
0x109: {  	v11 =	vsel vm8, s25, v11;
	s25 =	sshra.s32 s23, $0xB;
	v13 =	vsel vm5, s6, v13;
	s6 =	sld [smem:$0x7F1]  }
0x10a: {  	vm15 =	vcmask $0x2724;
	v14 =	vmov s8;
	s5 =	sshra.s32 s30, $0xB;
	v12 =	vsel vm13, s20, v12;
	[smem:$0x7F8] =	sst s25  }
0x10b: {  	v14 =	vsel vm1, s0, v14;
	v12 =	vsel vm15, s24, v12;
	s28 =	sshrl.u32 s29, $0x1F;
	s30 =	sshra.s32 s29, $0xB;
	s29 =	sld [smem:$0x7F0]  }
0x10c: {  	v14 =	vsel vm2, s12, v14;
	v12 =	vsel vm14, s18, v12;
	s18 =	sld [smem:$0x7F2]  }
0x10d: {  	v16 =	vsel vm5, s2, v14;
	s2 =	sshrl.u32 s17, $0x1F;
	s25 =	sld [smem:$0x7F3];
	s15 =	sshrl.u32 s31, $0x1F  }
0x10e: {  	vm0 =	vcmask $0x2F2C;
	s20 =	sshrl.u32 s16, $0x1F;
	s16 =	sshrl.u32 s23, $0x1F;
	[smem:$0x7F6] =	sst s30;
	v14 =	vmov s15  }
0x10f: {  	s30 =	sshra.s32 s31, $0xB;
	v12 =	vsel vm0, s21, v12;
	s7 =	sshrl.u32 s6, $0x1F;
	v14 =	vsel vm1, s28, v14;
	s28 =	rddreg [dreg:$0x1e]  }
0x110: {  	vm11 =	vcmask $0x3734;
	v12 =	vsel vm7, s22, v12;
	s31 =	sshrl.u32 s29, $0x1F;
	s23 =	sshra.s32 s29, $0xB;
	s29 =	rddreg [dreg:$0x1d]  }
0x111: {  	s9 =	sshra.s32 s6, $0xB;
	s15 =	sshra.s32 s17, $0xB;
	v12 =	vsel vm11, s26, v12;
	v17 =	vmov s7;
	s26 =	rddreg [dreg:$0x1c]  }
0x112: {  	s24 =	sshrl.u32 s18, $0x1F;
	s8 =	sshra.s32 s18, $0xB;
	v15 =	vsel vm8, s5, v12;
	v12 =	vsel vm2, s20, v14;
	v14 =	vsel vm1, s31, v17;
	s31 =	sld [smem:$0x7F4]  }
0x113: {  	s0 =	sshrl.u32 s28, $0x1F;
	s18 =	sshra.s32 s28, $0xB;
	s20 =	sld [smem:$0x7F5]  }
0x114: {  	s21 =	sshra.s32 s28, $0x1F;
	s4 =	sshrl.u32 s29, $0x1F;
	s28 =	rddreg [dreg:$0x1b]  }
0x115: {  	vm6 =	vmmov vm3;
	v20 =	vmov s9;
	s5 =	sshra.s32 s29, $0xB;
	s22 =	sshra.s32 s29, $0x1F;
	v17 =	vmov s2;
	s29 =	rddreg [dreg:$0x1a]  }
0x116: {  	s12 =	sshrl.u32 s25, $0x1F;
	v20 =	vsel vm1, s23, v20;
	s23 =	sld [smem:$0x7F7];
	v14 =	vsel vm2, s24, v14;
	v17 =	vnsel vm3, $0x0, v17;
	s7 =	sshra.s32 s20, $0x1F  }
0x117: {  	s17 =	sshra.s32 s17, $0x1F;
	s3 =	sshra.s32 s26, $0x1F;
	v20 =	vsel vm2, s8, v20;
	s8 =	rddreg [dreg:$0x10];
	v14 =	vsel vm5, s12, v14;
	v18 =	vmov s7  }
0x118: {  	s12 =	sshrl.u32 s26, $0x1F;
	v17 =	vsel vm1, s0, v17;
	s6 =	sshrl.u32 s31, $0x1F;
	s24 =	sshra.s32 s31, $0xB;
	v18 =	vsel vm3, s15, v18;
	vm3 =	vcmask $0x704  }
0x119: {  	s2 =	sshra.s32 s31, $0x1F;
	s31 =	sshra.s32 s26, $0xB;
	v17 =	vsel vm2, s4, v17;
	s26 =	rddreg [dreg:$0x18];
	v18 =	vsel vm3, s17, v18  }
0x11a: {  	(v2sf) =	vpush v8, $0xF;
	v17 =	vsel vm5, s6, v17;
	s6 =	rddreg [dreg:$0x17];
	v18 =	vsel vm1, s18, v18  }
0x11b: {  	s25 =	sshra.s32 s25, $0xB;
	v12 =	vsel vm5, s16, v12;
	s16 =	sshrl.u32 s28, $0x1F;
	v17 =	vsel vm13, s12, v17;
	v18 =	vsel vm12, s21, v18;
	s21 =	rddreg [dreg:$0x19]  }
0x11c: {  	(v2sf) =	vpush v8, $0x9;
	s9 =	sshra.s32 s19, $0x1F;
	v17 =	vsel vm14, s16, v17;
	s16 =	rddreg [dreg:$0x16];
	s4 =	sshra.s32 s21, $0xB  }
0x11d: {  	s0 =	sshrl.u32 s20, $0x1F;
	v18 =	vsel vm2, s5, v18;
	s5 =	sshra.s32 s6, $0xB;
	[smem:$0x7F9] =	sst s4  }
0x11e: {  	s7 =	sshra.s32 s28, $0xB;
	s12 =	sshra.s32 s26, $0xB;
	[smem:$0x7FA] =	sst s5  }
0x11f: {  	s18 =	sshra.s32 s20, $0xB;
	s4 =	sshrl.u32 s26, $0x1F;
	v18 =	vsel vm4, s22, v18;
	s22 =	rddreg [dreg:$0x15]  }
0x120: {  	(v2sf) =	vpush v8, $0x8;
	s26 =	sshrl.u32 s6, $0x1F;
	s5 =	sshra.s32 s16, $0xB;
	s6 =	rddreg [dreg:$0x14]  }
0x121: {  	v30 =	vimm.f32 $0.0e+00;
	v27 =	vimm.f32 $0.0e+00;
	(v2sf) =	vpush v8, $0xA;
	s20 =	sshrl.u32 s21, $0x1F;
	s21 =	sshrl.u32 s16, $0x1F;
	[smem:$0x7FB] =	sst s5  }
0x122: {  	v28 =	vimm.f32 $0.0e+00;
	v31 =	vimm.f32 $0.0e+00;
	(v2sf) =	vpush v8, $0xB;
	s16 =	sshrl.u32 s22, $0x1F;
	s5 =	sshra.s32 s22, $0xB;
	s22 =	rddreg [dreg:$0x13]  }
0x123: {  	v29 =	vimm.f32 $0.0e+00;
	(v2sf) =	vpush v8, $0x0;
	s17 =	sshra.s32 s28, $0x1F;
	s28 =	sshrl.u32 s29, $0x1F;
	v18 =	vsel vm5, s24, v18;
	[smem:$0x7FC] =	sst s5  }
0x124: {  	(v2sf) =	vpush v8, $0x1;
	s15 =	sshra.s32 s29, $0xB;
	s29 =	sshra.s32 s29, $0x1F;
	v17 =	vsel vm7, s28, v17;
	v18 =	vsel vm10, s2, v18;
	s2 =	rddreg [dreg:$0x12]  }
0x125: {  	v32 =	vimm.f32 $0.0e+00;
	(v2sf) =	vpush v8, $0x2;
	v17 =	vsel vm8, s0, v17;
	s24 =	sshrl.u32 s22, $0x1F;
	s0 =	sshra.s32 s22, $0xB;
	s22 =	sld [smem:$0x7F6]  }
0x126: {  	v33 =	vimm.f32 $0.0e+00;
	v34 =	vimm.f32 $0.0e+00;
	(v2sf) =	vpush v8, $0x3;
	s28 =	sshrl.u32 s6, $0x1F;
	s6 =	sshra.s32 s6, $0xB;
	[smem:$0x7FD] =	sst s0  }
0x127: {  	v19 =	vmov s30;
	v24 =	vmov s28;
	s5 =	sshrl.u32 s2, $0x1F;
	v18 =	vsel vm13, s31, v18;
	s30 =	sshra.s32 s2, $0xB;
	s31 =	sshrl.u32 s19, $0x1F  }
0x128: {  	s0 =	sshra.s32 s19, $0xB;
	s19 =	sshrl.u32 s14, $0x1F;
	v24 =	vsel vm1, s16, v24;
	v18 =	vsel vm15, s3, v18;
	v19 =	vsel vm1, s22, v19;
	s22 =	sld [smem:$0x7F8]  }
0x129: {  	(v2sf) =	vpush v8, $0x4;
	s3 =	spop (v2sf);
	v24 =	vsel vm2, s24, v24;
	v18 =	vsel vm14, s7, v18;
	s7 =	sshra.s32 s14, $0xB;
	s14 =	sshra.s32 s14, $0x1F  }
0x12a: {  	(v2sf) =	vpush v8, $0x5;
	s2 =	smulhi.u32 $0x51EB851F, s3;
	s3 =	sshra.s32 s3, $0x1F;
	v24 =	vsel vm5, s5, v24;
	s5 =	sld [smem:$0x7FA];
	v19 =	vsel vm2, s23, v19  }
0x12b: {  	v21 =	vmov s4;
	s4 =	spop (v2sf);
	v18 =	vsel vm0, s17, v18;
	s17 =	sshrl.u32 s13, $0x1F;
	v19 =	vsel vm5, s22, v19;
	s22 =	rddreg [dreg:$0x11]  }
0x12c: {  	(v2sf) =	vpush v8, $0x6;
	v20 =	vsel vm5, s25, v20;
	s23 =	sshra.s32 s13, $0xB;
	v18 =	vsel vm7, s15, v18;
	s15 =	smul.u32 $0x51EB851F, s3;
	s25 =	sshra.s32 s22, $0x1F  }
0x12d: {  	v9 =	vcombine.low v10, v9;
	s13 =	sshra.s32 s13, $0x1F;
	s3 =	smulhi.u32 $0x51EB851F, s4;
	s4 =	sshra.s32 s4, $0x1F;
	v18 =	vsel vm11, s29, v18;
	v22 =	vmov s25  }
0x12e: {  	s29 =	sshra.s32 s8, $0xB;
	v23 =	vsel vm8, s18, v18;
	v18 =	vsel vm1, s20, v21;
	s20 =	rddreg [dreg:$0xf];
	s18 =	smul.u32 $0x51EB851F, s4;
	v21 =	vsel vm6, s0, v22  }
0x12f: {  	v35 =	vimm.f32 $0.0e+00;
	s25 =	sshrl.u32 s8, $0x1F;
	v18 =	vsel vm2, s26, v18;
	s26 =	sshra.s32 s20, $0xB;
	s0 =	sshra.s32 s8, $0x1F;
	v21 =	vsel vm3, s9, v21  }
0x130: {  	v9 =	vperm.xlane v9, v0;
	v22 =	vmov s31;
	s31 =	sshrl.u32 s20, $0x1F;
	s9 =	spop (v2sf);
	v21 =	vsel vm1, s7, v21;
	s7 =	sshra.s32 s20, $0x1F  }
0x131: {  	v10 =	vcombine.low v16, v13;
	v11 =	vperm.xlane v11, v2;
	v22 =	vnsel vm6, $0x0, v22;
	s4 =	spop (v2sf);
	s8 =	smulhi.u32 $0x51EB851F, s9;
	s9 =	sshra.s32 s9, $0x1F  }
0x132: {  	v25 =	vmov s12;
	v22 =	vsel vm1, s19, v22;
	v21 =	vsel vm12, s14, v21;
	s19 =	spop (v2sf);
	s14 =	rddreg [dreg:$0xe];
	s12 =	sshra.s32 s4, $0x1F  }
0x133: {  	v26 =	vmov s6;
	v22 =	vsel vm2, s17, v22;
	v21 =	vsel vm2, s23, v21;
	s17 =	spop (v2sf);
	s28 =	sshrl.u32 s14, $0x1F;
	s23 =	smul.u32 $0x51EB851F, s9  }
0x134: {  	v18 =	vsel vm5, s21, v18;
	v22 =	vsel vm5, s25, v22;
	s9 =	smulhi.u32 $0x51EB851F, s19;
	s6 =	sshra.s32 s19, $0x1F;
	s19 =	sld [smem:$0x7FC];
	v21 =	vsel vm4, s13, v21  }
0x135: {  	(v2sf) =	vpush v8, $0x7;
	s21 =	sshra.s32 s14, $0xB;
	s13 =	sshra.s32 s14, $0x1F;
	v22 =	vsel vm13, s31, v22;
	v21 =	vsel vm5, s29, v21;
	s29 =	rddreg [dreg:$0xd]  }
0x136: {  	v10 =	vperm.xlane v10, v0;
	s25 =	spop (v2sf);
	v22 =	vsel vm14, s28, v22;
	s31 =	sshrl.u32 s29, $0x1F;
	v21 =	vsel vm10, s0, v21;
	s0 =	rddreg [dreg:$0xb]  }
0x137: {  	v15 =	vperm.xlane v15, v2;
	s20 =	spop (v2sf);
	s24 =	sshra.s32 s29, $0xB;
	v22 =	vsel vm7, s31, v22;
	v21 =	vsel vm13, s26, v21;
	s31 =	sld [smem:$0x7F9]  }
0x138: {  	v17 =	vperm.xlane v17, v2;
	v19 =	vcombine.low v20, v19;
	s28 =	sshra.s32 s29, $0x1F;
	s16 =	spop (v2sf);
	v21 =	vsel vm15, s7, v21;
	s7 =	sld [smem:$0x7FB]  }
0x139: {  	v20 =	vperm.xlane v23, v2;
	v23 =	vimm.f32 $0.0e+00;
	s29 =	smulhi.u32 $0x51EB851F, s4;
	s26 =	sshrl.u32 s22, $0x1F;
	v21 =	vsel vm14, s21, v21;
	s21 =	sld [smem:$0x7FD]  }
0x13a: {  	v19 =	vperm.xlane v19, v0;
	v18 =	vcombine.low v24, v18;
	s14 =	spop (v2sf);
	v22 =	vsel vm8, s26, v22;
	s26 =	sshra.s32 s22, $0xB;
	s22 =	rddreg [dreg:$0xc]  }
0x13b: {  	v26 =	vsel vm1, s19, v26;
	s4 =	sshrl.u32 s22, $0x1F;
	v25 =	vsel vm1, s31, v25;
	s31 =	smul.u32 $0x51EB851F, s12;
	s12 =	spop (v2sf);
	v21 =	vsel vm0, s13, v21  }
0x13c: {  	s13 =	smulhi.u32 $0x51EB851F, s17;
	v25 =	vsel vm2, s5, v25;
	s5 =	spop (v2sf);
	v21 =	vsel vm7, s24, v21;
	s24 =	sadd.s32 s15, s2;
	v26 =	vsel vm2, s21, v26  }
0x13d: {  	vm3 =	vlt.s32 v5, $0x1;
	s15 =	sshra.s32 s17, $0x1F;
	s2 =	sadd.s32 s23, s8;
	v25 =	vsel vm5, s7, v25;
	s7 =	smul.u32 $0x51EB851F, s6;
	v13 =	vsel vm5, s30, v26;
	v26 =	vld [tilespmem:$0x1FFF0]  }
0x13e: {  	v24 =	vimm.f32 $0.0e+00;
	v18 =	vperm.xlane v18, v0;
	vm15 =	vmmov vm11;
	s6 =	sshrl.u32 s0, $0x1F;
	s21 =	rddreg [dreg:$0xa];
	s19 =	smul.u32 $0x51EB851F, s15  }
0x13f: {  	v16 =	vsel vm11, s28, v21;
	s28 =	sshrl.u32 s2, $0x1F;
	s15 =	smulhi.u32 $0x51EB851F, s20;
	s20 =	sshra.s32 s20, $0x1F;
	vm11 =	vlt.s32 v6, $0x1;
	v21 =	vmov s6  }
0x140: {  	s17 =	sshrl.u32 s21, $0x1F;
	s30 =	sshrl.u32 s24, $0x1F;
	s6 =	smulhi.u32 $0x51EB851F, s25;
	v16 =	vsel vm8, s26, v16;
	v21 =	vsel vm1, s4, v21;
	v13 =	vcombine.low v13, v25  }
0x141: {  	s25 =	sshra.s32 s25, $0x1F;
	s20 =	smul.u32 $0x51EB851F, s20;
	s4 =	sadd.s32 s18, s3;
	v16 =	vperm.xlane v16, v2;
	v25 =	vimm.f32 $0.0e+00;
	v21 =	vsel vm2, s17, v21  }
0x142: {  	s8 =	smul.u32 $0x51EB851F, s25;
	s3 =	sadd.s32 s31, s29;
	s13 =	sadd.s32 s19, s13;
	v13 =	vperm.xlane v13, v0;
	vm0 =	vnez.u8 v26;
	v26 =	vimm.f32 $0.0e+00  }
0x143: {  	s29 =	smulhi.u32 $0x51EB851F, s14;
	s14 =	sshra.s32 s14, $0x1F;
	s26 =	sshrl.u32 s13, $0x1F;
	v9 =	vsel vm0, v11, v9;
	v10 =	vsel vm0, v15, v10;
	v11 =	vsel vm5, s30, v21  }
0x144: {  	s17 =	smulhi.u32 $0x51EB851F, s16;
	s23 =	spop (v2sf);
	s30 =	sshrl.u32 s4, $0x1F;
	v15 =	vmov s28;
	v21 =	vmov s26;
	v9 =	vadd.s32 v9, v10  }
0x145: {  	s31 =	sshrl.u32 s3, $0x1F;
	s25 =	smulhi.u32 $0x51EB851F, s23;
	s19 =	sshra.s32 s23, $0x1F;
	v10 =	vcombine.low v14, v12;
	v12 =	vsel vm1, s30, v15;
	v14 =	vmul.u32 $0xFFFFE700, v9  }
0x146: {  	s7 =	sadd.s32 s7, s9;
	s16 =	sshra.s32 s16, $0x1F;
	s19 =	smul.u32 $0x51EB851F, s19;
	v13 =	vsel vm0, v16, v13;
	v15 =	vsub.s32 $0x0, v5;
	v12 =	vsel vm2, s31, v12  }
0x147: {  	s15 =	sadd.s32 s20, s15;
	s8 =	sadd.s32 s8, s6;
	s16 =	smul.u32 $0x51EB851F, s16;
	v10 =	vperm.xlane v10, v0;
	vm4 =	vne.s32 v14, v15;
	v14 =	vnsel vm6, $0x0, v21  }
0x148: {  	s18 =	sshrl.u32 s15, $0x1F;
	s20 =	sshra.s32 s8, $0xB;
	s6 =	sadd.s32 s19, s25;
	v15 =	vsel vm0, v20, v19;
	v19 =	vsub.s32 $0x0, v6;
	v20 =	vperm.xlane v22, v2  }
0x149: {  	s16 =	sadd.s32 s16, s17;
	s28 =	sshrl.u32 s8, $0x1F;
	s31 =	sshra.s32 s6, $0x1F;
	v22 =	vimm.f32 $0.0e+00;
	v21 =	vimm.f32 $0.0e+00;
	v10 =	vsel vm0, v17, v10  }
0x14a: {  	s17 =	sshra.s32 s13, $0xB;
	s13 =	sshra.s32 s13, $0x1F;
	s30 =	smul.u32 $0x51EB851F, s14;
	v14 =	vsel vm1, s28, v14;
	v10 =	vadd.s32 v10, v15;
	v15 =	vmov s31  }
0x14b: {  	s19 =	smulhi.u32 $0x51EB851F, s12;
	s12 =	sshra.s32 s12, $0x1F;
	vm10 =	vmand vm3, vm4;
	vm3 =	vcmask $0x704;
	s28 =	sshrl.u32 s7, $0x1F;
	v15 =	vsel vm6, s17, v15  }
0x14c: {  	s23 =	sshrl.u32 s16, $0x1F;
	s8 =	sshra.s32 s8, $0x1F;
	s12 =	smul.u32 $0x51EB851F, s12;
	v14 =	vsel vm2, s18, v14;
	v12 =	vsel vm5, s28, v12;
	v15 =	vsel vm3, s13, v15  }
0x14d: {  	s26 =	sshra.s32 s15, $0xB;
	s25 =	smulhi.u32 $0x51EB851F, s5;
	s9 =	sadd.s32 s30, s29;
	v16 =	vsel vm10, $0xFFFFFFFF, v3;
	v17 =	vmul.u32 $0xFFFFE700, v10;
	v15 =	vsel vm1, s20, v15  }
0x14e: {  	s5 =	sshra.s32 s5, $0x1F;
	s12 =	sadd.s32 s12, s19;
	s29 =	sshrl.u32 s9, $0x1F;
	v14 =	vsel vm5, s23, v14;
	v11 =	vcombine.low v12, v11;
	v15 =	vsel vm12, s8, v15  }
0x14f: {  	s15 =	sshra.s32 s15, $0x1F;
	s5 =	smul.u32 $0x51EB851F, s5;
	s31 =	sshrl.u32 s12, $0x1F;
	vm3 =	vcmask $0x1714;
	v14 =	vsel vm13, s29, v14;
	v15 =	vsel vm2, s26, v15  }
0x150: {  	s30 =	sshra.s32 s16, $0xB;
	v9 =	vadd.s32 v16, v9;
	v14 =	vsel vm14, s31, v14;
	v15 =	vsel vm3, s15, v15  }
0x151: {  	s2 =	sshra.s32 s2, $0xB;
	s5 =	sadd.s32 s5, s25;
	vm12 =	vne.s32 v17, v19;
	s15 =	sshra.s32 s16, $0x1F;
	vm3 =	vcmask $0x1F1C;
	v15 =	vsel vm5, s30, v15  }
0x152: {  	s17 =	sshra.s32 s9, $0xB;
	v17 =	vsel vm0, v20, v18;
	v18 =	vmov s2;
	s16 =	sshrl.u32 s5, $0x1F;
	v15 =	vsel vm3, s15, v15  }
0x153: {  	s4 =	sshra.s32 s4, $0xB;
	s18 =	sshra.s32 s0, $0xB;
	s9 =	sshra.s32 s9, $0x1F;
	v12 =	vsel vm7, s16, v14;
	vm3 =	vcmask $0x2724;
	v14 =	vsel vm13, s17, v15  }
0x154: {  	s19 =	sshra.s32 s22, $0xB;
	s20 =	sshra.s32 s12, $0xB;
	v18 =	vsel vm1, s4, v18;
	v15 =	vmov s18;
	v14 =	vsel vm3, s9, v14  }
0x155: {  	s3 =	sshra.s32 s3, $0xB;
	s22 =	sshra.s32 s21, $0xB;
	s23 =	sshra.s32 s12, $0x1F;
	v15 =	vsel vm1, s19, v15;
	vm1 =	vcmask $0x2F2C;
	v14 =	vsel vm14, s20, v14  }
0x156: {  	s25 =	sshra.s32 s24, $0xB;
	s28 =	sshra.s32 s5, $0xB;
	s26 =	sshra.s32 s7, $0xB;
	v18 =	vsel vm2, s3, v18;
	v15 =	vsel vm2, s22, v15;
	v14 =	vsel vm1, s23, v14  }
0x157: {  	s29 =	sshrl.u32 s6, $0x1F;
	v18 =	vsel vm5, s26, v18;
	s30 =	sshra.s32 s5, $0x1F;
	v15 =	vsel vm5, s25, v15;
	v14 =	vsel vm7, s28, v14  }
0x158: {  	s31 =	sshra.s32 s6, $0xB;
	v12 =	vsel vm8, s29, v12;
	v15 =	vcombine.low v18, v15;
	v14 =	vsel vm15, s30, v14  }
0x159: {  	v11 =	vperm.xlane v11, v0;
	v12 =	vperm.xlane v12, v2;
	v14 =	vsel vm8, s31, v14  }
0x15a: {  	v13 =	vadd.s32 v17, v13;
	v15 =	vperm.xlane v15, v0;
	v14 =	vperm.xlane v14, v2  }
0x15b: {  	v19 =	vand.u32 $0x7F, v8;
	v20 =	vimm.f32 $0.0e+00;
	v17 =	vmul.u32 $0xFFFFE700, v13  }
0x15c: {  	vm3 =	vmand vm11, vm12;
	v11 =	vsel vm0, v12, v11;
	v12 =	vsel vm0, v14, v15  }
0x15d: {  	v14 =	vsel vm3, $0xFFFFFFFF, v3;
	v15 =	vsub.s32 $0x0, v7;
	v12 =	vadd.s32 v11, v12  }
0x15e: {  	vm3 =	vlt.s32 v7, $0x1;
	vm4 =	vne.s32 v17, v15;
	v11 =	vmul.u32 $0xFFFFE700, v12  }
0x15f: {  	v18 =	vand.u32 $0x7F, v7;
	v15 =	vsub.s32 $0x0, v8;
	vm3 =	vmand vm3, vm4  }
0x160: {  	v16 =	vsel vm3, $0xFFFFFFFF, v3;
	vm3 =	vlt.s32 v8, $0x1;
	vm4 =	vne.s32 v11, v15  }
0x161: {  	v10 =	vadd.s32 v14, v10;
	v15 =	vmul.u32 $0x1FFFE700, v9;
	vm3 =	vmand vm3, vm4  }
0x162: {  	v17 =	vmul.u32 $0x1FFFE700, v10;
	v11 =	vadd.s32 v16, v13;
	v14 =	vsel vm3, $0xFFFFFFFF, v3  }
0x163: {  	v13 =	vadd.s32 v5, v15;
	v15 =	vmul.u32 $0x1FFFE700, v11;
	v12 =	vadd.s32 v14, v12  }
0x164: {  	v14 =	vadd.s32 v6, v17;
	v13 =	vshll.u32 v13, $0x3;
	v17 =	vand.u32 $0x7F, v5  }
0x165: {  	v16 =	vmul.u32 $0x1FFFE700, v12;
	v15 =	vadd.s32 v7, v15;
	v13 =	vand.u32 $0xFFFFFC00, v13  }
0x166: {  	v14 =	vshll.u32 v14, $0x3;
	v13 =	vor.u32 v13, v17;
	v17 =	vand.u32 $0x7F, v6  }
.Ltmp2:
0x167: {  	v14 =	vand.u32 $0xFFFFFC00, v14;
	v15 =	vshll.u32 v15, $0x3;
	v16 =	vadd.s32 v8, v16;
	(pc) =	sbr.rel .LBB2_2-.Ltmp2, $4  }
0x168: {  	v13 =	vor.u32 v4, v13;
	v15 =	vand.u32 $0xFFFFFC00, v15;
	v16 =	vshll.u32 v16, $0x3  }
0x169: {  	v14 =	vor.u32 v14, v17;
	v17 =	vor.u32 v15, v18;
	v16 =	vand.u32 $0xFFFFFC00, v16  }
0x16a: {  	v15 =	vor.u32 v4, v14;
	v14 =	vimm.f32 $0.0e+00;
	v16 =	vor.u32 v16, v19  }
0x16b: {  	s14 =	simm.s32 $0x0;
	s7 =	rddreg [dreg:$0x3];
	v17 =	vor.u32 v4, v17;
	v18 =	vor.u32 v4, v16;
	v16 =	vimm.f32 $0.0e+00  }
.LBB2_41:
0x16c: {  	s14 =	sadd.s32 $0x1, s14  }
0x16d: {  	p0 =	sne.s32 s14, $0x8  }
.Ltmp3:
0x16e: {  	_ = 	snop;
	(pc) =	sbr.rel @!p0 .LBB2_42-.Ltmp3, $1  }
0x16f: {  	_ =	sdelay $0x3  }
.LBB2_2:
0x170: {  	s0 =	sadd.s32 s7, s14  }
0x171: {  	v19 =	vmov s14;
	s16 =	simm.s32 $0x0;
	s17 =	simm.s32 $0x0;
	s15 =	smul.u32 $0x3E800, s0  }
.LBB2_3:
0x172: {  	s0 =	smul.u32 $0xC800, s17;
	_ =	sdelay $0x1  }
0x173: {  	s0 =	sadd.s32 s15, s0  }
0x174: {  	s0 =	sshrl.u32 s0, $0x3  }
0x175: {  	s0 =	sadd.s32 s1, s0  }
0x176: {  	[tilespmem:s11], [sflag:$0x1] =	stream.linear.gather [hbm4b:s0+s16], $0xC800, $0x38;
	[tilespmem:$0xC900] =	vst v63  }
0x177: {  	_ =	swait.ge [sflag:s10], $0xC800  }
0x178: {  	[sflag:s10] =	ssyncset.done $0x0  }
0x179: {  	s3 =	simm.s32 $0x0;
	[sflag:s10] =	ssyncadd.s32 $0xFFFF3800  }
0x17a: {  	v36 =	vld [tilespmem:s3+$0x4F0]  }
0x17b: {  	v37 =	vld [tilespmem:s3+$0x80]  }
0x17c: {  	v38 =	vld [tilespmem:s3+$0x90]  }
0x17d: {  	v40 =	vld [tilespmem:s3+$0xA0]  }
0x17e: {  	v41 =	vld [tilespmem:s3+$0xB0]  }
0x17f: {  	v42 =	vld [tilespmem:s3+$0xC0]  }
0x180: {  	v43 =	vld [tilespmem:s3+$0xD0]  }
0x181: {  	v44 =	vld [tilespmem:s3+$0xE0]  }
0x182: {  	v45 =	vld [tilespmem:s3+$0xF0]  }
0x183: {  	v46 =	vld [tilespmem:s3+$0x480]  }
0x184: {  	v47 =	vld [tilespmem:s3+$0x490];
	v30 =	vadd.f32 v36, v30  }
0x185: {  	v39 =	vld [tilespmem:s3+$0x4A0];
	v35 =	vadd.f32 v37, v35;
	v34 =	vadd.f32 v38, v34  }
0x186: {  	v33 =	vadd.f32 v40, v33;
	v32 =	vadd.f32 v41, v32;
	v40 =	vld [tilespmem:s3+$0x4B0]  }
0x187: {  	v36 =	vadd.f32 v42, v29;
	v29 =	vadd.f32 v43, v31;
	v41 =	vld [tilespmem:s3+$0x4C0]  }
0x188: {  	v28 =	vadd.f32 v44, v28;
	v31 =	vadd.f32 v45, v27;
	v27 =	vld [tilespmem:s3+$0x4D0]  }
0x189: {  	s2 =	simm.s32 $0x4000;
	s0 =	simm.s32 $0x800;
	v37 =	vadd.f32 v46, v26;
	v38 =	vadd.f32 v47, v25;
	v25 =	vld [tilespmem:s3+$0x4E0]  }
.LBB2_4:
0x18a: {  	p0 =	sne.s32 s2, $0x30000;
	v26 =	vld [tilespmem:s0+$0x4F0];
	v23 =	vadd.f32 v39, v23  }
0x18b: {  	v39 =	vld [tilespmem:s0+$0x80];
	v21 =	vadd.f32 v40, v21  }
0x18c: {  	v40 =	vld [tilespmem:s0+$0x90];
	v22 =	vadd.f32 v41, v22  }
0x18d: {  	v41 =	vld [tilespmem:s0+$0xA0];
	v20 =	vadd.f32 v27, v20  }
0x18e: {  	v27 =	vld [tilespmem:s0+$0xB0];
	v24 =	vadd.f32 v25, v24  }
0x18f: {  	v25 =	vld [tilespmem:s0+$0xC0];
	v30 =	vadd.f32 v26, v30  }
0x190: {  	v35 =	vadd.f32 v39, v35;
	v26 =	vld [tilespmem:s0+$0xD0]  }
0x191: {  	v34 =	vadd.f32 v40, v34;
	v40 =	vld [tilespmem:s0+$0xE0]  }
0x192: {  	v33 =	vadd.f32 v41, v33;
	v41 =	vld [tilespmem:s0+$0xF0]  }
0x193: {  	v32 =	vadd.f32 v27, v32;
	v27 =	vld [tilespmem:s0+$0x480]  }
0x194: {  	v36 =	vadd.f32 v25, v36;
	v25 =	vld [tilespmem:s0+$0x490]  }
.Ltmp4:
0x195: {  	v29 =	vadd.f32 v26, v29;
	v39 =	vld [tilespmem:s0+$0x4A0];
	(pc) =	sbr.rel @p0 .LBB2_4-.Ltmp4, $4  }
0x196: {  	v28 =	vadd.f32 v40, v28;
	v40 =	vld [tilespmem:s0+$0x4B0]  }
0x197: {  	v31 =	vadd.f32 v41, v31;
	v41 =	vld [tilespmem:s0+$0x4C0]  }
0x198: {  	v37 =	vadd.f32 v27, v37;
	v27 =	vld [tilespmem:s0+$0x4D0]  }
0x199: {  	v38 =	vadd.f32 v25, v38;
	v25 =	vld [tilespmem:s0+$0x4E0];
	s0 =	sshra.s32 s2, $0x2;
	s2 =	sadd.s32 $0x2000, s2  }
0x19a: {  	v26 =	vld [tilespmem:s0+$0x4F0]  }
0x19b: {  	v42 =	vld [tilespmem:s0+$0x80]  }
0x19c: {  	v43 =	vld [tilespmem:s0+$0x90]  }
0x19d: {  	v44 =	vld [tilespmem:s0+$0xA0]  }
0x19e: {  	v45 =	vld [tilespmem:s0+$0xB0]  }
0x19f: {  	v46 =	vld [tilespmem:s0+$0xC0]  }
0x1a0: {  	v47 =	vld [tilespmem:s0+$0xD0]  }
0x1a1: {  	v48 =	vld [tilespmem:s0+$0xE0]  }
0x1a2: {  	v49 =	vld [tilespmem:s0+$0xF0]  }
0x1a3: {  	v50 =	vld [tilespmem:s0+$0x480]  }
0x1a4: {  	v39 =	vadd.f32 v39, v23;
	v51 =	vld [tilespmem:s0+$0x490]  }
0x1a5: {  	v52 =	vld [tilespmem:s0+$0x4A0];
	v40 =	vadd.f32 v40, v21;
	v41 =	vadd.f32 v41, v22  }
0x1a6: {  	v55 =	vld [tilespmem:s0+$0x4B0];
	v53 =	vadd.f32 v27, v20;
	v54 =	vadd.f32 v25, v24  }
0x1a7: {  	v61 =	vld [tilespmem:s0+$0x4C0];
	v20 =	vadd.f32 v26, v30;
	v21 =	vadd.f32 v42, v35  }
0x1a8: {  	v62 =	vld [tilespmem:s0+$0x4D0];
	v22 =	vadd.f32 v43, v34;
	v23 =	vadd.f32 v44, v33  }
0x1a9: {  	v63 =	vld [tilespmem:s0+$0x4E0];
	p1 =	por $0x1, $0x1;
	v24 =	vadd.f32 v45, v32;
	v25 =	vadd.f32 v46, v36  }
.Ltmp5:
0x1aa: {  	v26 =	vadd.f32 v47, v29;
	v27 =	vadd.f32 v48, v28;
	(pc) =	sbr.rel @!p1 .LBB2_6-.Ltmp5, $4  }
0x1ab: {  	v28 =	vadd.f32 v49, v31;
	v29 =	vadd.f32 v50, v37  }
0x1ac: {  	v30 =	vadd.f32 v51, v38;
	v31 =	vadd.f32 v52, v39  }
0x1ad: {  	v32 =	vadd.f32 v55, v40;
	v33 =	vadd.f32 v61, v41  }
0x1ae: {  	s18 =	simm.s32 $0x0;
	p0 =	por $0x0, $0x0;
	v35 =	vadd.f32 v62, v53;
	v34 =	vadd.f32 v63, v54  }
0x1af: {  	v36 =	vld [tilespmem:s18+$0x570]  }
0x1b0: {  	v37 =	vld [tilespmem:s18+$0x100]  }
0x1b1: {  	v38 =	vld [tilespmem:s18+$0x110]  }
0x1b2: {  	v39 =	vld [tilespmem:s18+$0x120]  }
0x1b3: {  	v40 =	vld [tilespmem:s18+$0x130]  }
0x1b4: {  	v43 =	vld [tilespmem:s18+$0x140]  }
0x1b5: {  	v44 =	vld [tilespmem:s18+$0x150]  }
0x1b6: {  	v45 =	vld [tilespmem:s18+$0x160]  }
0x1b7: {  	v46 =	vld [tilespmem:s18+$0x170]  }
0x1b8: {  	v47 =	vld [tilespmem:s18+$0x500]  }
0x1b9: {  	v63 =	vld [tilespmem:s18+$0x510];
	v20 =	vadd.f32 v36, v20  }
0x1ba: {  	p3 =	por $0x1, $0x1;
	v21 =	vadd.f32 v37, v21;
	v22 =	vadd.f32 v38, v22  }
.Ltmp6:
0x1bb: {  	v41 =	vld [tilespmem:s18+$0x520];
	v23 =	vadd.f32 v39, v23;
	v24 =	vadd.f32 v40, v24;
	(pc) =	sbr.rel @!p3 .LBB2_8-.Ltmp6, $4  }
0x1bc: {  	v42 =	vld [tilespmem:s18+$0x530];
	v25 =	vadd.f32 v43, v25;
	v26 =	vadd.f32 v44, v26  }
0x1bd: {  	v43 =	vld [tilespmem:s18+$0x540];
	v27 =	vadd.f32 v45, v27;
	v28 =	vadd.f32 v46, v28  }
0x1be: {  	v44 =	vld [tilespmem:s18+$0x550];
	v29 =	vadd.f32 v47, v29;
	v30 =	vadd.f32 v63, v30  }
0x1bf: {  	s0 =	simm.s32 $0x800;
	s2 =	simm.s32 $0x4000;
	p2 =	por $0x1, $0x1;
	v45 =	vld [tilespmem:s18+$0x560];
	v36 =	vmovc v31;
	v37 =	vmovc v32;
	v38 =	vmov v33;
	v39 =	vmov v35;
	v40 =	vmov v34  }
.LBB2_9:
0x1c0: {  	p3 =	sne.s32 s2, $0x30000;
	v46 =	vld [tilespmem:s0+$0x570];
	v36 =	vadd.f32 v41, v36  }
0x1c1: {  	v41 =	vld [tilespmem:s0+$0x100];
	v37 =	vadd.f32 v42, v37  }
0x1c2: {  	v42 =	vld [tilespmem:s0+$0x110];
	v38 =	vadd.f32 v43, v38  }
0x1c3: {  	v43 =	vld [tilespmem:s0+$0x120];
	v39 =	vadd.f32 v44, v39  }
0x1c4: {  	v44 =	vld [tilespmem:s0+$0x130];
	v40 =	vadd.f32 v45, v40  }
0x1c5: {  	v45 =	vld [tilespmem:s0+$0x140];
	v20 =	vadd.f32 v46, v20  }
0x1c6: {  	v21 =	vadd.f32 v41, v21;
	v41 =	vld [tilespmem:s0+$0x150]  }
0x1c7: {  	v22 =	vadd.f32 v42, v22;
	v42 =	vld [tilespmem:s0+$0x160]  }
0x1c8: {  	v23 =	vadd.f32 v43, v23;
	v43 =	vld [tilespmem:s0+$0x170]  }
0x1c9: {  	v24 =	vadd.f32 v44, v24;
	v44 =	vld [tilespmem:s0+$0x500]  }
0x1ca: {  	v25 =	vadd.f32 v45, v25;
	v45 =	vld [tilespmem:s0+$0x510]  }
.Ltmp7:
0x1cb: {  	v26 =	vadd.f32 v41, v26;
	v41 =	vld [tilespmem:s0+$0x520];
	(pc) =	sbr.rel @p3 .LBB2_9-.Ltmp7, $4  }
0x1cc: {  	v27 =	vadd.f32 v42, v27;
	v42 =	vld [tilespmem:s0+$0x530]  }
0x1cd: {  	v28 =	vadd.f32 v43, v28;
	v43 =	vld [tilespmem:s0+$0x540]  }
0x1ce: {  	v29 =	vadd.f32 v44, v29;
	v44 =	vld [tilespmem:s0+$0x550]  }
0x1cf: {  	v30 =	vadd.f32 v45, v30;
	v45 =	vld [tilespmem:s0+$0x560];
	s0 =	sshra.s32 s2, $0x2;
	s2 =	sadd.s32 $0x2000, s2  }
.LBB2_10:
0x1d0: {  	v46 =	vld [tilespmem:s0+$0x570]  }
0x1d1: {  	v47 =	vld [tilespmem:s0+$0x100]  }
0x1d2: {  	v48 =	vld [tilespmem:s0+$0x110]  }
0x1d3: {  	v49 =	vld [tilespmem:s0+$0x120]  }
0x1d4: {  	v50 =	vld [tilespmem:s0+$0x130]  }
0x1d5: {  	v51 =	vld [tilespmem:s0+$0x140]  }
0x1d6: {  	v52 =	vld [tilespmem:s0+$0x150]  }
0x1d7: {  	v53 =	vld [tilespmem:s0+$0x160]  }
0x1d8: {  	v54 =	vld [tilespmem:s0+$0x170]  }
0x1d9: {  	v55 =	vld [tilespmem:s0+$0x500]  }
0x1da: {  	v36 =	vadd.f32 @p2 v41, v36;
	v56 =	vld [tilespmem:s0+$0x510]  }
0x1db: {  	v57 =	vld [tilespmem:s0+$0x520];
	v37 =	vadd.f32 @p2 v42, v37;
	v38 =	vadd.f32 @p2 v43, v38  }
0x1dc: {  	v58 =	vld [tilespmem:s0+$0x530];
	v39 =	vadd.f32 @p2 v44, v39;
	v40 =	vadd.f32 @p2 v45, v40  }
0x1dd: {  	v59 =	vld [tilespmem:s0+$0x540];
	v20 =	vadd.f32 v46, v20;
	v21 =	vadd.f32 v47, v21  }
0x1de: {  	v60 =	vld [tilespmem:s0+$0x550];
	v22 =	vadd.f32 v48, v22;
	v23 =	vadd.f32 v49, v23  }
0x1df: {  	v61 =	vld [tilespmem:s0+$0x560];
	v31 =	vpsel p2, v36, v31;
	v24 =	vadd.f32 v50, v24;
	v25 =	vadd.f32 v51, v25  }
.Ltmp8:
0x1e0: {  	v32 =	vpsel p2, v37, v32;
	v26 =	vadd.f32 v52, v26;
	v27 =	vadd.f32 v53, v27;
	(pc) =	sbr.rel @!p1 .LBB2_11-.Ltmp8, $4  }
0x1e1: {  	v62 =	vpsel p2, v38, v33;
	v28 =	vadd.f32 v54, v28;
	v29 =	vadd.f32 v55, v29  }
0x1e2: {  	v30 =	vadd.f32 v56, v30;
	v35 =	vpsel p2, v39, v35;
	v31 =	vadd.f32 v57, v31  }
0x1e3: {  	v33 =	vadd.f32 v58, v32;
	v63 =	vpsel p2, v40, v34;
	v34 =	vadd.f32 v59, v62  }
0x1e4: {  	v35 =	vadd.f32 v60, v35;
	v32 =	vadd.f32 v61, v63  }
0x1e5: {  	v36 =	vld [tilespmem:s18+$0x5F0]  }
0x1e6: {  	v37 =	vld [tilespmem:s18+$0x180]  }
0x1e7: {  	v38 =	vld [tilespmem:s18+$0x190]  }
0x1e8: {  	v39 =	vld [tilespmem:s18+$0x1A0]  }
0x1e9: {  	v40 =	vld [tilespmem:s18+$0x1B0]  }
0x1ea: {  	v43 =	vld [tilespmem:s18+$0x1C0]  }
0x1eb: {  	v44 =	vld [tilespmem:s18+$0x1D0]  }
0x1ec: {  	v45 =	vld [tilespmem:s18+$0x1E0]  }
0x1ed: {  	v46 =	vld [tilespmem:s18+$0x1F0]  }
0x1ee: {  	v47 =	vld [tilespmem:s18+$0x580]  }
0x1ef: {  	v63 =	vld [tilespmem:s18+$0x590];
	v20 =	vadd.f32 v36, v20  }
0x1f0: {  	p1 =	por $0x1, $0x1;
	v21 =	vadd.f32 v37, v21;
	v22 =	vadd.f32 v38, v22  }
.Ltmp9:
0x1f1: {  	v41 =	vld [tilespmem:s18+$0x5A0];
	v23 =	vadd.f32 v39, v23;
	v24 =	vadd.f32 v40, v24;
	(pc) =	sbr.rel @!p1 .LBB2_13-.Ltmp9, $4  }
0x1f2: {  	v42 =	vld [tilespmem:s18+$0x5B0];
	v25 =	vadd.f32 v43, v25;
	v26 =	vadd.f32 v44, v26  }
0x1f3: {  	v43 =	vld [tilespmem:s18+$0x5C0];
	v27 =	vadd.f32 v45, v27;
	v28 =	vadd.f32 v46, v28  }
0x1f4: {  	v44 =	vld [tilespmem:s18+$0x5D0];
	v29 =	vadd.f32 v47, v29;
	v30 =	vadd.f32 v63, v30  }
0x1f5: {  	s0 =	simm.s32 $0x800;
	s2 =	simm.s32 $0x4000;
	p0 =	por $0x1, $0x1;
	v45 =	vld [tilespmem:s18+$0x5E0];
	v36 =	vmovc v31;
	v37 =	vmovc v33;
	v38 =	vmov v34;
	v39 =	vmov v35;
	v40 =	vmov v32  }
.LBB2_14:
0x1f6: {  	p1 =	sne.s32 s2, $0x30000;
	v46 =	vld [tilespmem:s0+$0x5F0];
	v36 =	vadd.f32 v41, v36  }
0x1f7: {  	v41 =	vld [tilespmem:s0+$0x180];
	v37 =	vadd.f32 v42, v37  }
0x1f8: {  	v42 =	vld [tilespmem:s0+$0x190];
	v38 =	vadd.f32 v43, v38  }
0x1f9: {  	v43 =	vld [tilespmem:s0+$0x1A0];
	v39 =	vadd.f32 v44, v39  }
0x1fa: {  	v44 =	vld [tilespmem:s0+$0x1B0];
	v40 =	vadd.f32 v45, v40  }
0x1fb: {  	v45 =	vld [tilespmem:s0+$0x1C0];
	v20 =	vadd.f32 v46, v20  }
0x1fc: {  	v21 =	vadd.f32 v41, v21;
	v41 =	vld [tilespmem:s0+$0x1D0]  }
0x1fd: {  	v22 =	vadd.f32 v42, v22;
	v42 =	vld [tilespmem:s0+$0x1E0]  }
0x1fe: {  	v23 =	vadd.f32 v43, v23;
	v43 =	vld [tilespmem:s0+$0x1F0]  }
0x1ff: {  	v24 =	vadd.f32 v44, v24;
	v44 =	vld [tilespmem:s0+$0x580]  }
0x200: {  	v25 =	vadd.f32 v45, v25;
	v45 =	vld [tilespmem:s0+$0x590]  }
.Ltmp10:
0x201: {  	v26 =	vadd.f32 v41, v26;
	v41 =	vld [tilespmem:s0+$0x5A0];
	(pc) =	sbr.rel @p1 .LBB2_14-.Ltmp10, $4  }
0x202: {  	v27 =	vadd.f32 v42, v27;
	v42 =	vld [tilespmem:s0+$0x5B0]  }
0x203: {  	v28 =	vadd.f32 v43, v28;
	v43 =	vld [tilespmem:s0+$0x5C0]  }
0x204: {  	v29 =	vadd.f32 v44, v29;
	v44 =	vld [tilespmem:s0+$0x5D0]  }
0x205: {  	v30 =	vadd.f32 v45, v30;
	v45 =	vld [tilespmem:s0+$0x5E0];
	s0 =	sshra.s32 s2, $0x2;
	s2 =	sadd.s32 $0x2000, s2  }
0x206: {  	s18 =	smov.u32 s0  }
.LBB2_16:
0x207: {  	v46 =	vld [tilespmem:s18+$0x5F0]  }
0x208: {  	v47 =	vld [tilespmem:s18+$0x180]  }
0x209: {  	v48 =	vld [tilespmem:s18+$0x190]  }
0x20a: {  	v49 =	vld [tilespmem:s18+$0x1A0]  }
0x20b: {  	v50 =	vld [tilespmem:s18+$0x1B0]  }
0x20c: {  	v51 =	vld [tilespmem:s18+$0x1C0]  }
0x20d: {  	v52 =	vld [tilespmem:s18+$0x1D0]  }
0x20e: {  	v53 =	vld [tilespmem:s18+$0x1E0]  }
0x20f: {  	v54 =	vld [tilespmem:s18+$0x1F0]  }
0x210: {  	v56 =	vld [tilespmem:s18+$0x580]  }
0x211: {  	v36 =	vadd.f32 @p0 v41, v36;
	v57 =	vld [tilespmem:s18+$0x590]  }
0x212: {  	v37 =	vadd.f32 @p0 v42, v37;
	v58 =	vld [tilespmem:s18+$0x5A0];
	v38 =	vadd.f32 @p0 v43, v38  }
0x213: {  	v59 =	vld [tilespmem:s18+$0x5B0];
	v39 =	vadd.f32 @p0 v44, v39;
	v40 =	vadd.f32 @p0 v45, v40  }
0x214: {  	v60 =	vld [tilespmem:s18+$0x5C0];
	v20 =	vadd.f32 v46, v20;
	v21 =	vadd.f32 v47, v21  }
0x215: {  	v61 =	vld [tilespmem:s18+$0x5D0];
	v22 =	vadd.f32 v48, v22;
	v23 =	vadd.f32 v49, v23  }
0x216: {  	v62 =	vld [tilespmem:s18+$0x5E0];
	p1 =	por $0x1, $0x1;
	v31 =	vpsel p0, v36, v31;
	v24 =	vadd.f32 v50, v24;
	v25 =	vadd.f32 v51, v25  }
.Ltmp11:
0x217: {  	v33 =	vpsel p0, v37, v33;
	v26 =	vadd.f32 v52, v26;
	v27 =	vadd.f32 v53, v27;
	(pc) =	sbr.rel @!p1 .LBB2_17-.Ltmp11, $4  }
0x218: {  	v34 =	vpsel p0, v38, v34;
	v28 =	vadd.f32 v54, v28;
	v29 =	vadd.f32 v56, v29  }
0x219: {  	v35 =	vpsel p0, v39, v35;
	v30 =	vadd.f32 v57, v30;
	v31 =	vadd.f32 v58, v31  }
0x21a: {  	v63 =	vpsel p0, v40, v32;
	v32 =	vadd.f32 v59, v33;
	v33 =	vadd.f32 v60, v34  }
0x21b: {  	s18 =	simm.s32 $0x0;
	v35 =	vadd.f32 v61, v35;
	p0 =	por $0x0, $0x0;
	v34 =	vadd.f32 v62, v63  }
0x21c: {  	v36 =	vld [tilespmem:s18+$0x670]  }
0x21d: {  	v37 =	vld [tilespmem:s18+$0x200]  }
0x21e: {  	v38 =	vld [tilespmem:s18+$0x210]  }
0x21f: {  	v39 =	vld [tilespmem:s18+$0x220]  }
0x220: {  	v40 =	vld [tilespmem:s18+$0x230]  }
0x221: {  	v43 =	vld [tilespmem:s18+$0x240]  }
0x222: {  	v44 =	vld [tilespmem:s18+$0x250]  }
0x223: {  	v45 =	vld [tilespmem:s18+$0x260]  }
0x224: {  	v46 =	vld [tilespmem:s18+$0x270]  }
0x225: {  	v47 =	vld [tilespmem:s18+$0x600]  }
0x226: {  	v63 =	vld [tilespmem:s18+$0x610];
	v20 =	vadd.f32 v36, v20  }
0x227: {  	p3 =	por $0x1, $0x1;
	v21 =	vadd.f32 v37, v21;
	v22 =	vadd.f32 v38, v22  }
.Ltmp12:
0x228: {  	v41 =	vld [tilespmem:s18+$0x620];
	v23 =	vadd.f32 v39, v23;
	v24 =	vadd.f32 v40, v24;
	(pc) =	sbr.rel @!p3 .LBB2_19-.Ltmp12, $4  }
0x229: {  	v42 =	vld [tilespmem:s18+$0x630];
	v25 =	vadd.f32 v43, v25;
	v26 =	vadd.f32 v44, v26  }
0x22a: {  	v43 =	vld [tilespmem:s18+$0x640];
	v27 =	vadd.f32 v45, v27;
	v28 =	vadd.f32 v46, v28  }
0x22b: {  	v44 =	vld [tilespmem:s18+$0x650];
	v29 =	vadd.f32 v47, v29;
	v30 =	vadd.f32 v63, v30  }
0x22c: {  	s0 =	simm.s32 $0x800;
	s2 =	simm.s32 $0x4000;
	p2 =	por $0x1, $0x1;
	v45 =	vld [tilespmem:s18+$0x660];
	v36 =	vmovc v31;
	v37 =	vmovc v32;
	v38 =	vmov v33;
	v39 =	vmov v35;
	v40 =	vmov v34  }
.LBB2_20:
0x22d: {  	p3 =	sne.s32 s2, $0x30000;
	v46 =	vld [tilespmem:s0+$0x670];
	v36 =	vadd.f32 v41, v36  }
0x22e: {  	v41 =	vld [tilespmem:s0+$0x200];
	v37 =	vadd.f32 v42, v37  }
0x22f: {  	v42 =	vld [tilespmem:s0+$0x210];
	v38 =	vadd.f32 v43, v38  }
0x230: {  	v43 =	vld [tilespmem:s0+$0x220];
	v39 =	vadd.f32 v44, v39  }
0x231: {  	v44 =	vld [tilespmem:s0+$0x230];
	v40 =	vadd.f32 v45, v40  }
0x232: {  	v45 =	vld [tilespmem:s0+$0x240];
	v20 =	vadd.f32 v46, v20  }
0x233: {  	v21 =	vadd.f32 v41, v21;
	v41 =	vld [tilespmem:s0+$0x250]  }
0x234: {  	v22 =	vadd.f32 v42, v22;
	v42 =	vld [tilespmem:s0+$0x260]  }
0x235: {  	v23 =	vadd.f32 v43, v23;
	v43 =	vld [tilespmem:s0+$0x270]  }
0x236: {  	v24 =	vadd.f32 v44, v24;
	v44 =	vld [tilespmem:s0+$0x600]  }
0x237: {  	v25 =	vadd.f32 v45, v25;
	v45 =	vld [tilespmem:s0+$0x610]  }
.Ltmp13:
0x238: {  	v26 =	vadd.f32 v41, v26;
	v41 =	vld [tilespmem:s0+$0x620];
	(pc) =	sbr.rel @p3 .LBB2_20-.Ltmp13, $4  }
0x239: {  	v27 =	vadd.f32 v42, v27;
	v42 =	vld [tilespmem:s0+$0x630]  }
0x23a: {  	v28 =	vadd.f32 v43, v28;
	v43 =	vld [tilespmem:s0+$0x640]  }
0x23b: {  	v29 =	vadd.f32 v44, v29;
	v44 =	vld [tilespmem:s0+$0x650]  }
0x23c: {  	v30 =	vadd.f32 v45, v30;
	v45 =	vld [tilespmem:s0+$0x660];
	s0 =	sshra.s32 s2, $0x2;
	s2 =	sadd.s32 $0x2000, s2  }
.LBB2_21:
0x23d: {  	v46 =	vld [tilespmem:s0+$0x670]  }
0x23e: {  	v47 =	vld [tilespmem:s0+$0x200]  }
0x23f: {  	v48 =	vld [tilespmem:s0+$0x210]  }
0x240: {  	v49 =	vld [tilespmem:s0+$0x220]  }
0x241: {  	v50 =	vld [tilespmem:s0+$0x230]  }
0x242: {  	v51 =	vld [tilespmem:s0+$0x240]  }
0x243: {  	v52 =	vld [tilespmem:s0+$0x250]  }
0x244: {  	v53 =	vld [tilespmem:s0+$0x260]  }
0x245: {  	v54 =	vld [tilespmem:s0+$0x270]  }
0x246: {  	v56 =	vld [tilespmem:s0+$0x600]  }
0x247: {  	v36 =	vadd.f32 @p2 v41, v36;
	v57 =	vld [tilespmem:s0+$0x610]  }
0x248: {  	v58 =	vld [tilespmem:s0+$0x620];
	v37 =	vadd.f32 @p2 v42, v37;
	v38 =	vadd.f32 @p2 v43, v38  }
0x249: {  	v59 =	vld [tilespmem:s0+$0x630];
	v39 =	vadd.f32 @p2 v44, v39;
	v40 =	vadd.f32 @p2 v45, v40  }
0x24a: {  	v60 =	vld [tilespmem:s0+$0x640];
	v20 =	vadd.f32 v46, v20;
	v21 =	vadd.f32 v47, v21  }
0x24b: {  	v61 =	vld [tilespmem:s0+$0x650];
	v22 =	vadd.f32 v48, v22;
	v23 =	vadd.f32 v49, v23  }
0x24c: {  	v62 =	vld [tilespmem:s0+$0x660];
	v31 =	vpsel p2, v36, v31;
	v24 =	vadd.f32 v50, v24;
	v25 =	vadd.f32 v51, v25  }
.Ltmp14:
0x24d: {  	v32 =	vpsel p2, v37, v32;
	v26 =	vadd.f32 v52, v26;
	v27 =	vadd.f32 v53, v27;
	(pc) =	sbr.rel @!p1 .LBB2_22-.Ltmp14, $4  }
0x24e: {  	v33 =	vpsel p2, v38, v33;
	v28 =	vadd.f32 v54, v28;
	v29 =	vadd.f32 v56, v29  }
0x24f: {  	v30 =	vadd.f32 v57, v30;
	v63 =	vpsel p2, v39, v35;
	v35 =	vadd.f32 v58, v31  }
0x250: {  	v37 =	vadd.f32 v59, v32;
	v38 =	vadd.f32 v60, v33;
	v31 =	vpsel p2, v40, v34  }
0x251: {  	v39 =	vadd.f32 v61, v63;
	v36 =	vadd.f32 v62, v31  }
0x252: {  	v31 =	vld [tilespmem:s18+$0x6F0]  }
0x253: {  	v32 =	vld [tilespmem:s18+$0x280]  }
0x254: {  	v33 =	vld [tilespmem:s18+$0x290]  }
0x255: {  	v34 =	vld [tilespmem:s18+$0x2A0]  }
0x256: {  	v40 =	vld [tilespmem:s18+$0x2B0]  }
0x257: {  	v43 =	vld [tilespmem:s18+$0x2C0]  }
0x258: {  	v44 =	vld [tilespmem:s18+$0x2D0]  }
0x259: {  	v45 =	vld [tilespmem:s18+$0x2E0]  }
0x25a: {  	v46 =	vld [tilespmem:s18+$0x2F0]  }
0x25b: {  	v47 =	vld [tilespmem:s18+$0x680]  }
0x25c: {  	p1 =	por $0x1, $0x1;
	v20 =	vadd.f32 v31, v20;
	v31 =	vld [tilespmem:s18+$0x690];
	v21 =	vadd.f32 v32, v21  }
.Ltmp15:
0x25d: {  	v41 =	vld [tilespmem:s18+$0x6A0];
	v22 =	vadd.f32 v33, v22;
	v23 =	vadd.f32 v34, v23;
	(pc) =	sbr.rel @!p1 .LBB2_24-.Ltmp15, $4  }
0x25e: {  	v42 =	vld [tilespmem:s18+$0x6B0];
	v24 =	vadd.f32 v40, v24;
	v25 =	vadd.f32 v43, v25  }
0x25f: {  	v26 =	vadd.f32 v44, v26;
	v43 =	vld [tilespmem:s18+$0x6C0];
	v27 =	vadd.f32 v45, v27  }
0x260: {  	v28 =	vadd.f32 v46, v28;
	v44 =	vld [tilespmem:s18+$0x6D0];
	v29 =	vadd.f32 v47, v29;
	v32 =	vmov v37  }
0x261: {  	s0 =	simm.s32 $0x800;
	s2 =	simm.s32 $0x4000;
	p0 =	por $0x1, $0x1;
	v45 =	vld [tilespmem:s18+$0x6E0];
	v33 =	vmovc v38;
	v34 =	vmovc v39;
	v40 =	vmov v36;
	v30 =	vadd.f32 v31, v30;
	v31 =	vmov v35  }
.LBB2_25:
0x262: {  	p1 =	sne.s32 s2, $0x30000;
	v46 =	vld [tilespmem:s0+$0x6F0];
	v31 =	vadd.f32 v41, v31  }
0x263: {  	v41 =	vld [tilespmem:s0+$0x280];
	v32 =	vadd.f32 v42, v32  }
0x264: {  	v42 =	vld [tilespmem:s0+$0x290];
	v33 =	vadd.f32 v43, v33  }
0x265: {  	v43 =	vld [tilespmem:s0+$0x2A0];
	v34 =	vadd.f32 v44, v34  }
0x266: {  	v44 =	vld [tilespmem:s0+$0x2B0];
	v40 =	vadd.f32 v45, v40  }
0x267: {  	v45 =	vld [tilespmem:s0+$0x2C0];
	v20 =	vadd.f32 v46, v20  }
0x268: {  	v21 =	vadd.f32 v41, v21;
	v41 =	vld [tilespmem:s0+$0x2D0]  }
0x269: {  	v22 =	vadd.f32 v42, v22;
	v42 =	vld [tilespmem:s0+$0x2E0]  }
0x26a: {  	v23 =	vadd.f32 v43, v23;
	v43 =	vld [tilespmem:s0+$0x2F0]  }
0x26b: {  	v24 =	vadd.f32 v44, v24;
	v44 =	vld [tilespmem:s0+$0x680]  }
0x26c: {  	v25 =	vadd.f32 v45, v25;
	v45 =	vld [tilespmem:s0+$0x690]  }
.Ltmp16:
0x26d: {  	v26 =	vadd.f32 v41, v26;
	v41 =	vld [tilespmem:s0+$0x6A0];
	(pc) =	sbr.rel @p1 .LBB2_25-.Ltmp16, $4  }
0x26e: {  	v27 =	vadd.f32 v42, v27;
	v42 =	vld [tilespmem:s0+$0x6B0]  }
0x26f: {  	v28 =	vadd.f32 v43, v28;
	v43 =	vld [tilespmem:s0+$0x6C0]  }
0x270: {  	v29 =	vadd.f32 v44, v29;
	v44 =	vld [tilespmem:s0+$0x6D0]  }
0x271: {  	v30 =	vadd.f32 v45, v30;
	v45 =	vld [tilespmem:s0+$0x6E0];
	s0 =	sshra.s32 s2, $0x2;
	s2 =	sadd.s32 $0x2000, s2  }
0x272: {  	s18 =	smov.u32 s0  }
.LBB2_27:
0x273: {  	v46 =	vld [tilespmem:s18+$0x6F0]  }
0x274: {  	v47 =	vld [tilespmem:s18+$0x280]  }
0x275: {  	v48 =	vld [tilespmem:s18+$0x290]  }
0x276: {  	v49 =	vld [tilespmem:s18+$0x2A0]  }
0x277: {  	v50 =	vld [tilespmem:s18+$0x2B0]  }
0x278: {  	v51 =	vld [tilespmem:s18+$0x2C0]  }
0x279: {  	v52 =	vld [tilespmem:s18+$0x2D0]  }
0x27a: {  	v53 =	vld [tilespmem:s18+$0x2E0]  }
0x27b: {  	v54 =	vld [tilespmem:s18+$0x2F0]  }
0x27c: {  	v55 =	vld [tilespmem:s18+$0x680]  }
0x27d: {  	v41 =	vadd.f32 @p0 v41, v31;
	v42 =	vadd.f32 @p0 v42, v32;
	v56 =	vld [tilespmem:s18+$0x690]  }
0x27e: {  	v59 =	vld [tilespmem:s18+$0x6A0];
	v43 =	vadd.f32 @p0 v43, v33;
	v44 =	vadd.f32 @p0 v44, v34  }
0x27f: {  	v60 =	vld [tilespmem:s18+$0x6B0];
	v40 =	vadd.f32 @p0 v45, v40;
	v20 =	vadd.f32 v46, v20  }
0x280: {  	v62 =	vld [tilespmem:s18+$0x6D0];
	v21 =	vadd.f32 v47, v21;
	v22 =	vadd.f32 v48, v22  }
0x281: {  	v61 =	vld [tilespmem:s18+$0x6C0];
	v23 =	vadd.f32 v49, v23;
	v24 =	vadd.f32 v50, v24  }
0x282: {  	p1 =	por $0x1, $0x1;
	v25 =	vadd.f32 v51, v25;
	v31 =	vadd.f32 v53, v27;
	v27 =	vld [tilespmem:s18+$0x6E0]  }
.Ltmp17:
0x283: {  	v63 =	vpsel p0, v44, v39;
	v26 =	vadd.f32 v52, v26;
	v32 =	vadd.f32 v54, v28;
	(pc) =	sbr.rel @!p1 .LBB2_28-.Ltmp17, $4  }
0x284: {  	v33 =	vadd.f32 v55, v29;
	v34 =	vadd.f32 v56, v30;
	v28 =	vpsel p0, v41, v35  }
0x285: {  	v29 =	vpsel p0, v42, v37;
	v30 =	vpsel p0, v43, v38;
	v39 =	vadd.f32 v62, v63  }
0x286: {  	v35 =	vadd.f32 v59, v28;
	v28 =	vpsel p0, v40, v36;
	v36 =	vadd.f32 v60, v29  }
0x287: {  	s18 =	simm.s32 $0x0;
	v37 =	vadd.f32 v61, v30;
	p0 =	por $0x0, $0x0;
	v38 =	vadd.f32 v27, v28  }
0x288: {  	v27 =	vld [tilespmem:s18+$0x770]  }
0x289: {  	v28 =	vld [tilespmem:s18+$0x300]  }
0x28a: {  	v29 =	vld [tilespmem:s18+$0x310]  }
0x28b: {  	v30 =	vld [tilespmem:s18+$0x320]  }
0x28c: {  	v40 =	vld [tilespmem:s18+$0x330]  }
0x28d: {  	v43 =	vld [tilespmem:s18+$0x340]  }
0x28e: {  	v44 =	vld [tilespmem:s18+$0x350]  }
0x28f: {  	v45 =	vld [tilespmem:s18+$0x360]  }
0x290: {  	v46 =	vld [tilespmem:s18+$0x370]  }
0x291: {  	v47 =	vld [tilespmem:s18+$0x700]  }
0x292: {  	p3 =	por $0x1, $0x1;
	v20 =	vadd.f32 v27, v20;
	v27 =	vld [tilespmem:s18+$0x710];
	v21 =	vadd.f32 v28, v21  }
.Ltmp18:
0x293: {  	v41 =	vld [tilespmem:s18+$0x720];
	v22 =	vadd.f32 v29, v22;
	v23 =	vadd.f32 v30, v23;
	(pc) =	sbr.rel @!p3 .LBB2_30-.Ltmp18, $4  }
0x294: {  	v42 =	vld [tilespmem:s18+$0x730];
	v24 =	vadd.f32 v40, v24;
	v25 =	vadd.f32 v43, v25  }
0x295: {  	v26 =	vadd.f32 v44, v26;
	v43 =	vld [tilespmem:s18+$0x740];
	v31 =	vadd.f32 v45, v31  }
0x296: {  	v32 =	vadd.f32 v46, v32;
	v44 =	vld [tilespmem:s18+$0x750];
	v33 =	vadd.f32 v47, v33;
	v28 =	vmov v36  }
0x297: {  	s0 =	simm.s32 $0x800;
	s2 =	simm.s32 $0x4000;
	p2 =	por $0x1, $0x1;
	v45 =	vld [tilespmem:s18+$0x760];
	v29 =	vmovc v37;
	v30 =	vmovc v39;
	v40 =	vmov v38;
	v34 =	vadd.f32 v27, v34;
	v27 =	vmov v35  }
.LBB2_31:
0x298: {  	p3 =	sne.s32 s2, $0x30000;
	v46 =	vld [tilespmem:s0+$0x770];
	v27 =	vadd.f32 v41, v27  }
0x299: {  	v41 =	vld [tilespmem:s0+$0x300];
	v28 =	vadd.f32 v42, v28  }
0x29a: {  	v42 =	vld [tilespmem:s0+$0x310];
	v29 =	vadd.f32 v43, v29  }
0x29b: {  	v43 =	vld [tilespmem:s0+$0x320];
	v30 =	vadd.f32 v44, v30  }
0x29c: {  	v44 =	vld [tilespmem:s0+$0x330];
	v40 =	vadd.f32 v45, v40  }
0x29d: {  	v45 =	vld [tilespmem:s0+$0x340];
	v20 =	vadd.f32 v46, v20  }
0x29e: {  	v21 =	vadd.f32 v41, v21;
	v41 =	vld [tilespmem:s0+$0x350]  }
0x29f: {  	v22 =	vadd.f32 v42, v22;
	v42 =	vld [tilespmem:s0+$0x360]  }
0x2a0: {  	v23 =	vadd.f32 v43, v23;
	v43 =	vld [tilespmem:s0+$0x370]  }
0x2a1: {  	v24 =	vadd.f32 v44, v24;
	v44 =	vld [tilespmem:s0+$0x700]  }
0x2a2: {  	v25 =	vadd.f32 v45, v25;
	v45 =	vld [tilespmem:s0+$0x710]  }
.Ltmp19:
0x2a3: {  	v26 =	vadd.f32 v41, v26;
	v41 =	vld [tilespmem:s0+$0x720];
	(pc) =	sbr.rel @p3 .LBB2_31-.Ltmp19, $4  }
0x2a4: {  	v31 =	vadd.f32 v42, v31;
	v42 =	vld [tilespmem:s0+$0x730]  }
0x2a5: {  	v32 =	vadd.f32 v43, v32;
	v43 =	vld [tilespmem:s0+$0x740]  }
0x2a6: {  	v33 =	vadd.f32 v44, v33;
	v44 =	vld [tilespmem:s0+$0x750]  }
0x2a7: {  	v34 =	vadd.f32 v45, v34;
	v45 =	vld [tilespmem:s0+$0x760];
	s0 =	sshra.s32 s2, $0x2;
	s2 =	sadd.s32 $0x2000, s2  }
.LBB2_32:
0x2a8: {  	v46 =	vld [tilespmem:s0+$0x770]  }
0x2a9: {  	v47 =	vld [tilespmem:s0+$0x300]  }
0x2aa: {  	v48 =	vld [tilespmem:s0+$0x310]  }
0x2ab: {  	v49 =	vld [tilespmem:s0+$0x320]  }
0x2ac: {  	v50 =	vld [tilespmem:s0+$0x330]  }
0x2ad: {  	v51 =	vld [tilespmem:s0+$0x340]  }
0x2ae: {  	v52 =	vld [tilespmem:s0+$0x350]  }
0x2af: {  	v53 =	vld [tilespmem:s0+$0x360]  }
0x2b0: {  	v54 =	vld [tilespmem:s0+$0x370]  }
0x2b1: {  	v55 =	vld [tilespmem:s0+$0x700]  }
0x2b2: {  	v41 =	vadd.f32 @p2 v41, v27;
	v56 =	vld [tilespmem:s0+$0x710]  }
0x2b3: {  	v63 =	vld [tilespmem:s0+$0x720];
	v42 =	vadd.f32 @p2 v42, v28;
	v43 =	vadd.f32 @p2 v43, v29  }
0x2b4: {  	v57 =	vld [tilespmem:s0+$0x750];
	v44 =	vadd.f32 @p2 v44, v30;
	v40 =	vadd.f32 @p2 v45, v40  }
0x2b5: {  	v58 =	vld [tilespmem:s0+$0x760];
	v27 =	vadd.f32 v46, v20;
	v21 =	vadd.f32 v47, v21  }
0x2b6: {  	v20 =	vld [tilespmem:s0+$0x730];
	v28 =	vadd.f32 v48, v22;
	v22 =	vadd.f32 v49, v23  }
0x2b7: {  	v59 =	vpsel p2, v41, v35;
	v46 =	vld [tilespmem:s0+$0x740];
	v29 =	vadd.f32 v50, v24;
	v23 =	vadd.f32 v51, v25  }
.Ltmp20:
0x2b8: {  	v60 =	vpsel p2, v42, v36;
	v30 =	vadd.f32 v52, v26;
	v24 =	vadd.f32 v53, v31;
	(pc) =	sbr.rel @!p1 .LBB2_33-.Ltmp20, $4  }
0x2b9: {  	v61 =	vpsel p2, v43, v37;
	v31 =	vadd.f32 v54, v32;
	v25 =	vadd.f32 v55, v33  }
0x2ba: {  	v26 =	vadd.f32 v56, v34;
	v62 =	vpsel p2, v44, v39;
	v32 =	vadd.f32 v63, v59  }
0x2bb: {  	v63 =	vpsel p2, v40, v38;
	v33 =	vadd.f32 v57, v62;
	v34 =	vadd.f32 v20, v60  }
0x2bc: {  	v35 =	vadd.f32 v46, v61;
	v20 =	vadd.f32 v58, v63  }
0x2bd: {  	v36 =	vld [tilespmem:s18+$0x7F0]  }
0x2be: {  	v37 =	vld [tilespmem:s18+$0x380]  }
0x2bf: {  	v38 =	vld [tilespmem:s18+$0x390]  }
0x2c0: {  	v39 =	vld [tilespmem:s18+$0x3A0]  }
0x2c1: {  	v40 =	vld [tilespmem:s18+$0x3B0]  }
0x2c2: {  	v43 =	vld [tilespmem:s18+$0x3C0]  }
0x2c3: {  	v44 =	vld [tilespmem:s18+$0x3D0]  }
0x2c4: {  	v45 =	vld [tilespmem:s18+$0x3E0]  }
0x2c5: {  	v46 =	vld [tilespmem:s18+$0x3F0]  }
0x2c6: {  	v47 =	vld [tilespmem:s18+$0x780]  }
0x2c7: {  	v63 =	vld [tilespmem:s18+$0x790];
	v27 =	vadd.f32 v36, v27  }
0x2c8: {  	p1 =	por $0x1, $0x1;
	v21 =	vadd.f32 v37, v21;
	v28 =	vadd.f32 v38, v28  }
.Ltmp21:
0x2c9: {  	v41 =	vld [tilespmem:s18+$0x7A0];
	v22 =	vadd.f32 v39, v22;
	v29 =	vadd.f32 v40, v29;
	(pc) =	sbr.rel @!p1 .LBB2_35-.Ltmp21, $4  }
0x2ca: {  	v42 =	vld [tilespmem:s18+$0x7B0];
	v23 =	vadd.f32 v43, v23;
	v30 =	vadd.f32 v44, v30  }
0x2cb: {  	v43 =	vld [tilespmem:s18+$0x7C0];
	v24 =	vadd.f32 v45, v24;
	v31 =	vadd.f32 v46, v31  }
0x2cc: {  	v44 =	vld [tilespmem:s18+$0x7D0];
	v25 =	vadd.f32 v47, v25;
	v26 =	vadd.f32 v63, v26  }
0x2cd: {  	s0 =	simm.s32 $0x800;
	s2 =	simm.s32 $0x4000;
	p0 =	por $0x1, $0x1;
	v45 =	vld [tilespmem:s18+$0x7E0];
	v36 =	vmovc v32;
	v37 =	vmovc v34;
	v38 =	vmov v35;
	v39 =	vmov v33;
	v40 =	vmov v20  }
.LBB2_36:
0x2ce: {  	p1 =	sne.s32 s2, $0x30000;
	v46 =	vld [tilespmem:s0+$0x7F0];
	v36 =	vadd.f32 v41, v36  }
0x2cf: {  	v41 =	vld [tilespmem:s0+$0x380];
	v37 =	vadd.f32 v42, v37  }
0x2d0: {  	v42 =	vld [tilespmem:s0+$0x390];
	v38 =	vadd.f32 v43, v38  }
0x2d1: {  	v43 =	vld [tilespmem:s0+$0x3A0];
	v39 =	vadd.f32 v44, v39  }
0x2d2: {  	v44 =	vld [tilespmem:s0+$0x3B0];
	v40 =	vadd.f32 v45, v40  }
0x2d3: {  	v45 =	vld [tilespmem:s0+$0x3C0];
	v27 =	vadd.f32 v46, v27  }
0x2d4: {  	v21 =	vadd.f32 v41, v21;
	v41 =	vld [tilespmem:s0+$0x3D0]  }
0x2d5: {  	v28 =	vadd.f32 v42, v28;
	v42 =	vld [tilespmem:s0+$0x3E0]  }
0x2d6: {  	v22 =	vadd.f32 v43, v22;
	v43 =	vld [tilespmem:s0+$0x3F0]  }
0x2d7: {  	v29 =	vadd.f32 v44, v29;
	v44 =	vld [tilespmem:s0+$0x780]  }
0x2d8: {  	v23 =	vadd.f32 v45, v23;
	v45 =	vld [tilespmem:s0+$0x790]  }
.Ltmp22:
0x2d9: {  	v30 =	vadd.f32 v41, v30;
	v41 =	vld [tilespmem:s0+$0x7A0];
	(pc) =	sbr.rel @p1 .LBB2_36-.Ltmp22, $4  }
0x2da: {  	v24 =	vadd.f32 v42, v24;
	v42 =	vld [tilespmem:s0+$0x7B0]  }
0x2db: {  	v31 =	vadd.f32 v43, v31;
	v43 =	vld [tilespmem:s0+$0x7C0]  }
0x2dc: {  	v25 =	vadd.f32 v44, v25;
	v44 =	vld [tilespmem:s0+$0x7D0]  }
0x2dd: {  	v26 =	vadd.f32 v45, v26;
	v45 =	vld [tilespmem:s0+$0x7E0];
	s0 =	sshra.s32 s2, $0x2;
	s2 =	sadd.s32 $0x2000, s2  }
0x2de: {  	s18 =	smov.u32 s0  }
.LBB2_38:
0x2df: {  	v46 =	vld [tilespmem:s18+$0x7F0]  }
0x2e0: {  	v47 =	vld [tilespmem:s18+$0x380]  }
0x2e1: {  	v48 =	vld [tilespmem:s18+$0x390]  }
0x2e2: {  	v49 =	vld [tilespmem:s18+$0x3A0]  }
0x2e3: {  	v50 =	vld [tilespmem:s18+$0x3B0]  }
0x2e4: {  	v51 =	vld [tilespmem:s18+$0x3C0]  }
0x2e5: {  	v52 =	vld [tilespmem:s18+$0x3D0]  }
0x2e6: {  	v53 =	vld [tilespmem:s18+$0x3E0]  }
0x2e7: {  	v54 =	vld [tilespmem:s18+$0x3F0]  }
0x2e8: {  	v55 =	vld [tilespmem:s18+$0x780]  }
0x2e9: {  	v56 =	vld [tilespmem:s18+$0x790]  }
0x2ea: {  	v57 =	vld [tilespmem:s18+$0x7A0]  }
0x2eb: {  	v58 =	vld [tilespmem:s18+$0x7B0]  }
0x2ec: {  	v59 =	vld [tilespmem:s18+$0x7C0]  }
0x2ed: {  	v60 =	vld [tilespmem:s18+$0x7D0]  }
0x2ee: {  	v36 =	vadd.f32 @p0 v41, v36;
	v37 =	vadd.f32 @p0 v42, v37;
	v41 =	vld [tilespmem:s18+$0x7E0];
	s3 =	simm.s32 $0x0  }
0x2ef: {  	v38 =	vadd.f32 @p0 v43, v38;
	v63 =	vld [tilespmem:s3+$0x870];
	v39 =	vadd.f32 @p0 v44, v39  }
0x2f0: {  	v43 =	vld [tilespmem:s3+$0x400];
	v40 =	vadd.f32 @p0 v45, v40;
	v27 =	vadd.f32 v46, v27  }
0x2f1: {  	v61 =	vld [tilespmem:s3+$0x470];
	v21 =	vadd.f32 v47, v21;
	v44 =	vadd.f32 v48, v28  }
0x2f2: {  	v62 =	vld [tilespmem:s3+$0x800];
	v22 =	vadd.f32 v49, v22;
	v46 =	vadd.f32 v50, v29  }
0x2f3: {  	v45 =	vld [tilespmem:s3+$0x410];
	v23 =	vadd.f32 v51, v23;
	v48 =	vadd.f32 v52, v30  }
0x2f4: {  	v47 =	vld [tilespmem:s3+$0x420];
	v24 =	vadd.f32 v53, v24;
	v50 =	vadd.f32 v54, v31  }
0x2f5: {  	v49 =	vld [tilespmem:s3+$0x430];
	v52 =	vadd.f32 v55, v25;
	v53 =	vadd.f32 v56, v26  }
0x2f6: {  	v51 =	vld [tilespmem:s3+$0x440];
	v25 =	vpsel p0, v36, v32;
	v26 =	vpsel p0, v37, v34;
	v28 =	vpsel p0, v38, v35  }
0x2f7: {  	v54 =	vld [tilespmem:s3+$0x450];
	v29 =	vpsel p0, v39, v33;
	v35 =	vadd.f32 v57, v25;
	v32 =	vadd.f32 v58, v26  }
0x2f8: {  	v55 =	vld [tilespmem:s3+$0x460];
	v20 =	vpsel p0, v40, v20;
	v34 =	vadd.f32 v59, v28;
	v33 =	vadd.f32 v60, v29  }
0x2f9: {  	v30 =	vadd.f32 v41, v20;
	v31 =	vadd.f32 v63, v27;
	v63 =	vld [tilespmem:s3+$0x810]  }
0x2fa: {  	v37 =	vld [tilespmem:s3+$0x820];
	v28 =	vadd.f32 v43, v21;
	v20 =	vadd.f32 v61, v50  }
0x2fb: {  	v36 =	vld [tilespmem:s3+$0x830];
	v29 =	vadd.f32 v45, v44;
	v26 =	vadd.f32 v47, v22  }
0x2fc: {  	v38 =	vld [tilespmem:s3+$0x840];
	v27 =	vadd.f32 v49, v46;
	v25 =	vadd.f32 v51, v23  }
0x2fd: {  	v39 =	vld [tilespmem:s3+$0x850];
	v21 =	vadd.f32 v54, v48;
	v23 =	vadd.f32 v55, v24  }
0x2fe: {  	s0 =	simm.s32 $0x800;
	s2 =	simm.s32 $0x4000;
	v40 =	vld [tilespmem:s3+$0x860];
	v22 =	vadd.f32 v62, v52;
	v24 =	vadd.f32 v63, v53  }
.LBB2_39:
0x2ff: {  	p0 =	sne.s32 s2, $0x30000;
	v41 =	vld [tilespmem:s0+$0x870];
	v35 =	vadd.f32 v37, v35  }
0x300: {  	v37 =	vld [tilespmem:s0+$0x400];
	v32 =	vadd.f32 v36, v32  }
0x301: {  	v36 =	vld [tilespmem:s0+$0x410];
	v34 =	vadd.f32 v38, v34  }
0x302: {  	v38 =	vld [tilespmem:s0+$0x420];
	v33 =	vadd.f32 v39, v33  }
0x303: {  	v39 =	vld [tilespmem:s0+$0x430];
	v30 =	vadd.f32 v40, v30  }
0x304: {  	v40 =	vld [tilespmem:s0+$0x440];
	v31 =	vadd.f32 v41, v31  }
0x305: {  	v28 =	vadd.f32 v37, v28;
	v37 =	vld [tilespmem:s0+$0x450]  }
0x306: {  	v29 =	vadd.f32 v36, v29;
	v36 =	vld [tilespmem:s0+$0x460]  }
0x307: {  	v26 =	vadd.f32 v38, v26;
	v38 =	vld [tilespmem:s0+$0x470]  }
0x308: {  	v27 =	vadd.f32 v39, v27;
	v39 =	vld [tilespmem:s0+$0x800]  }
0x309: {  	v25 =	vadd.f32 v40, v25;
	v40 =	vld [tilespmem:s0+$0x810]  }
.Ltmp23:
0x30a: {  	v21 =	vadd.f32 v37, v21;
	v37 =	vld [tilespmem:s0+$0x820];
	(pc) =	sbr.rel @p0 .LBB2_39-.Ltmp23, $4  }
0x30b: {  	v23 =	vadd.f32 v36, v23;
	v36 =	vld [tilespmem:s0+$0x830]  }
0x30c: {  	v20 =	vadd.f32 v38, v20;
	v38 =	vld [tilespmem:s0+$0x840]  }
0x30d: {  	v22 =	vadd.f32 v39, v22;
	v39 =	vld [tilespmem:s0+$0x850]  }
0x30e: {  	v24 =	vadd.f32 v40, v24;
	v40 =	vld [tilespmem:s0+$0x860];
	s0 =	sshra.s32 s2, $0x2;
	s2 =	sadd.s32 $0x2000, s2  }
0x30f: {  	v41 =	vld [tilespmem:s0+$0x870]  }
0x310: {  	v42 =	vld [tilespmem:s0+$0x400]  }
0x311: {  	v43 =	vld [tilespmem:s0+$0x410]  }
0x312: {  	v44 =	vld [tilespmem:s0+$0x420]  }
0x313: {  	v45 =	vld [tilespmem:s0+$0x430]  }
0x314: {  	v46 =	vld [tilespmem:s0+$0x440]  }
0x315: {  	v47 =	vld [tilespmem:s0+$0x450];
	v48 =	vshrl.u32 v1, $0x3  }
0x316: {  	v49 =	vld [tilespmem:s0+$0x460];
	vm3 =	veq.s32 v9, s17;
	vm4 =	veq.s32 v19, v48  }
0x317: {  	v50 =	vld [tilespmem:s0+$0x470];
	vm10 =	vgt.s32 v5, $0x1;
	p0 =	seq.s32 s17, $0x0;
	vm11 =	vmand vm3, vm4;
	vm3 =	vmmov vm9  }
0x318: {  	v51 =	vld [tilespmem:s0+$0x800];
	vm10 =	vmand vm11, vm10;
	vm3 =	vmneg @p0 vm3  }
0x319: {  	v53 =	vld [tilespmem:s0+$0x810];
	vm12 =	vgt.s32 v6, $0x1;
	v52 =	vor.u32 $0x2, v48;
	vm11 =	vmand vm4, vm3  }
0x31a: {  	v54 =	vld [tilespmem:s0+$0x830];
	v56 =	vor.u32 $0x1, v4;
	vm13 =	veq.s32 v19, v52;
	vm4 =	veq.s32 v10, s17  }
0x31b: {  	v57 =	vld [tilespmem:s0+$0x850];
	v55 =	vor.u32 $0x4, v48;
	vm4 =	vmand vm4, vm13;
	vm13 =	vmand vm13, vm3  }
0x31c: {  	vm14 =	veq.s32 v11, s17;
	v52 =	vld [tilespmem:s0+$0x820];
	vm12 =	vmand vm4, vm12;
	vm4 =	veq.s32 v19, v55  }
0x31d: {  	v37 =	vadd.f32 v37, v35;
	vm15 =	vgt.s32 v7, $0x1;
	v55 =	vld [tilespmem:s0+$0x840];
	vm14 =	vmand vm14, vm4  }
0x31e: {  	v36 =	vadd.f32 v36, v32;
	v59 =	vor.u32 $0x6, v48;
	vm14 =	vmand vm14, vm15;
	v58 =	vld.idx.msk [tilespmem:v13+s11+$0x0], vm10  }
0x31f: {  	v38 =	vadd.f32 v38, v34;
	v39 =	vadd.f32 v39, v33;
	vm15 =	vmand vm4, vm3;
	v60 =	vld.idx.msk [tilespmem:v4+s11+$0x0], vm11  }
0x320: {  	v40 =	vadd.f32 v40, v30;
	v30 =	vadd.f32 v41, v31;
	vm4 =	veq.s32 v19, v59;
	v61 =	vld.idx.msk [tilespmem:v56+s11+$0x0], vm11  }
0x321: {  	v35 =	vadd.f32 v42, v28;
	v34 =	vadd.f32 v43, v29;
	vm3 =	vmand vm4, vm3;
	v62 =	vld.idx.msk [tilespmem:v4+s11+$0x0], vm13  }
0x322: {  	vm5 =	veq.s32 v12, s17;
	v33 =	vadd.f32 v44, v26;
	v32 =	vadd.f32 v45, v27;
	v63 =	vld.idx.msk [tilespmem:v56+s11+$0x0], vm13  }
0x323: {  	v29 =	vadd.f32 v46, v25;
	vm4 =	vmand vm5, vm4;
	vm5 =	vgt.s32 v8, $0x1;
	v42 =	vld.idx.msk [tilespmem:v15+s11+$0x0], vm12  }
0x324: {  	v31 =	vadd.f32 v47, v21;
	v28 =	vadd.f32 v49, v23;
	vm4 =	vmand vm4, vm5;
	v49 =	vld.idx.msk [tilespmem:v17+s11+$0x0], vm14  }
0x325: {  	v27 =	vadd.f32 v50, v20;
	v26 =	vadd.f32 v51, v22;
	v51 =	vld.idx.msk [tilespmem:v4+s11+$0x0], vm15  }
0x326: {  	v25 =	vadd.f32 v53, v24;
	v21 =	vadd.f32 v54, v36;
	v24 =	vld.idx.msk [tilespmem:v56+s11+$0x0], vm15  }
0x327: {  	v20 =	vadd.f32 v57, v39;
	v53 =	vadd.f32 v61, v60;
	v54 =	vld.idx.msk [tilespmem:v4+s11+$0x0], vm3  }
0x328: {  	v23 =	vadd.f32 v52, v37;
	v22 =	vadd.f32 v55, v38;
	v57 =	vld.idx.msk [tilespmem:v56+s11+$0x0], vm3  }
0x329: {  	v58 =	vnsel vm10, $0x0, v58;
	v60 =	vld [tilespmem:s0+$0x860];
	v59 =	vadd.f32 v63, v62;
	v36 =	vnsel vm11, $0x0, v53  }
0x32a: {  	s17 =	sadd.s32 $0x1, s17;
	v16 =	vadd.f32 v58, v16;
	v61 =	vld.idx.msk [tilespmem:v18+s11+$0x0], vm4;
	v14 =	vadd.f32 v36, v14  }
0x32b: {  	p0 =	sne.s32 s17, $0x5;
	v62 =	vnsel vm12, $0x0, v42;
	v41 =	vnsel vm13, $0x0, v59;
	v24 =	vadd.f32 v24, v51  }
.Ltmp24:
0x32c: {  	v16 =	vadd.f32 v62, v16;
	v14 =	vadd.f32 v41, v14;
	(pc) =	sbr.rel @p0 .LBB2_3-.Ltmp24, $4  }
.Ltmp25:
0x32d: {  	v63 =	vnsel vm14, $0x0, v49;
	v37 =	vadd.f32 v57, v54;
	v24 =	vnsel vm15, $0x0, v24;
	(pc) =	sbr.rel @!p0 .LBB2_41-.Ltmp25, $4  }
0x32e: {  	v16 =	vadd.f32 v63, v16;
	v14 =	vadd.f32 v24, v14  }
0x32f: {  	v36 =	vnsel vm4, $0x0, v61;
	v24 =	vadd.f32 v60, v40;
	v37 =	vnsel vm3, $0x0, v37  }
0x330: {  	v16 =	vadd.f32 v36, v16;
	v14 =	vadd.f32 v37, v14  }
0x331: {  	_ = 	snop  }
.LBB2_6:
.Ltmp26:
0x332: {  	(pc) =	sbr.rel .LBB2_10-.Ltmp26, $2  }
0x333: {  	_ =	sdelay $0x2  }
0x334: {  	s0 =	simm.s32 $0x0;
	v36 =	vmovc v31;
	v37 =	vmovc v32;
	v38 =	vmov v33;
	p2 =	por $0x0, $0x0;
	v39 =	vmov v35;
	v40 =	vmov v34  }
.LBB2_11:
.Ltmp27:
0x335: {  	(pc) =	sbr.rel .LBB2_16-.Ltmp27, $2  }
0x336: {  	_ =	sdelay $0x2  }
0x337: {  	v36 =	vmovc v31;
	v37 =	vmovc v33;
	v38 =	vmov v34;
	v39 =	vmov v35;
	v40 =	vmov v32  }
.LBB2_17:
.Ltmp28:
0x338: {  	(pc) =	sbr.rel .LBB2_21-.Ltmp28, $2  }
0x339: {  	_ =	sdelay $0x2  }
0x33a: {  	s0 =	simm.s32 $0x0;
	v36 =	vmovc v31;
	v37 =	vmovc v32;
	v38 =	vmov v33;
	p2 =	por $0x0, $0x0;
	v39 =	vmov v35;
	v40 =	vmov v34  }
.LBB2_22:
.Ltmp29:
0x33b: {  	(pc) =	sbr.rel .LBB2_27-.Ltmp29, $2  }
0x33c: {  	_ =	sdelay $0x2  }
0x33d: {  	v31 =	vmovc v35;
	v32 =	vmovc v37;
	v33 =	vmov v38;
	v34 =	vmov v39;
	v40 =	vmov v36  }
.LBB2_28:
.Ltmp30:
0x33e: {  	(pc) =	sbr.rel .LBB2_32-.Ltmp30, $2  }
0x33f: {  	_ =	sdelay $0x2  }
0x340: {  	s0 =	simm.s32 $0x0;
	v27 =	vmovc v35;
	v28 =	vmovc v36;
	v30 =	vmov v39;
	p2 =	por $0x0, $0x0;
	v29 =	vmov v37;
	v40 =	vmov v38  }
.LBB2_33:
.Ltmp31:
0x341: {  	(pc) =	sbr.rel .LBB2_38-.Ltmp31, $2  }
0x342: {  	_ =	sdelay $0x2  }
0x343: {  	v36 =	vmovc v32;
	v37 =	vmovc v34;
	v39 =	vmov v33;
	v38 =	vmov v35;
	v40 =	vmov v20  }
.LBB2_8:
.Ltmp32:
0x344: {  	(pc) =	sbr.rel .LBB2_10-.Ltmp32, $2  }
0x345: {  	_ =	sdelay $0x2  }
0x346: {  	v36 =	vmovc v31;
	v37 =	vmovc v32;
	v38 =	vmov v33;
	v39 =	vmov v35;
	v40 =	vmov v34  }
.LBB2_13:
.Ltmp33:
0x347: {  	(pc) =	sbr.rel .LBB2_16-.Ltmp33, $2  }
0x348: {  	_ =	sdelay $0x2  }
0x349: {  	s18 =	simm.s32 $0x800;
	v36 =	vmovc v31;
	v37 =	vmovc v33;
	v38 =	vmov v34;
	v39 =	vmov v35;
	v40 =	vmov v32  }
.LBB2_19:
.Ltmp34:
0x34a: {  	(pc) =	sbr.rel .LBB2_21-.Ltmp34, $2  }
0x34b: {  	_ =	sdelay $0x2  }
0x34c: {  	v36 =	vmovc v31;
	v37 =	vmovc v32;
	v38 =	vmov v33;
	v39 =	vmov v35;
	v40 =	vmov v34  }
.LBB2_24:
.Ltmp35:
0x34d: {  	(pc) =	sbr.rel .LBB2_27-.Ltmp35, $2  }
0x34e: {  	_ =	sdelay $0x2  }
0x34f: {  	s18 =	simm.s32 $0x800;
	v31 =	vmovc v35;
	v32 =	vmovc v37;
	v33 =	vmov v38;
	v34 =	vmov v39;
	v40 =	vmov v36  }
.LBB2_30:
.Ltmp36:
0x350: {  	(pc) =	sbr.rel .LBB2_32-.Ltmp36, $2  }
0x351: {  	_ =	sdelay $0x2  }
0x352: {  	v27 =	vmovc v35;
	v28 =	vmovc v36;
	v29 =	vmov v37;
	v30 =	vmov v39;
	v40 =	vmov v38  }
.LBB2_35:
.Ltmp37:
0x353: {  	(pc) =	sbr.rel .LBB2_38-.Ltmp37, $2  }
0x354: {  	_ =	sdelay $0x2  }
0x355: {  	s18 =	simm.s32 $0x800;
	v36 =	vmovc v32;
	v37 =	vmovc v34;
	v38 =	vmov v35;
	v39 =	vmov v33;
	v40 =	vmov v20  }
.LBB2_43:
0x356: {  	_ =	sfence.sel $0x180000  }
0x357: {  	[bflag:$0x0] =	sbarrier.arrive $0xFFFF  }
0x358: {  	_ =	strace $0x90000047  }
0x359: {  	s0 =	stileid.u32;
	[bflag:$0x2] =	sbarrier.arrive $0xFFFF  }
0x35a: {  	p0 =	sne.s32 s0, $0x0;
	s0 =	rddreg [dreg:$0x2]  }
0x35b: {  	s0 =	sadd.s32 @!p0 $0x100000, s0  }
0x35c: {  	[sflag:s0] =	ssyncadd.tile.s32 @!p0 $0x1;
	_ =	shalt  }
.Lfunc_end2:
_tile_overlayer_lowered:
.L_overlay_start_2:
0x35d: {  	(tag) =	ssettag $0x2  }
0x35e: {  	s0 =	rddreg [dreg:$0x0];
	s2 =	stileid.u32  }
0x35f: {  	s1 =	rddreg [dreg:$0x1];
	p0 =	sne.s32 s2, $0x0  }
0x360: {  	s3 =	rddreg [dreg:$0x2];
	[bflag:$0x3] =	sbarrier.arrive $0xFFFF;
	s2 =	simm.s32 @!p0 $0x1C01  }
0x361: {  	[timem:s3], [sflag:s2] =	dma.local @!p0 [hbm:s0], s1  }
0x362: {  	s0 =	simm.s32 @!p0 $0x1  }
0x363: {  	_ =	swait.ge @!p0 [sflag:s0], s1  }
0x364: {  	s1 =	ssub.s32 @!p0 $0x0, s1;
	[sflag:s0] =	ssyncset.done @!p0 $0x0  }
0x365: {  	[sflag:s0] =	ssyncadd.s32 @!p0 s1  }
0x366: {  	[bflag:$0x3] =	sbarrier.arrive $0xFFFF  }
0x367: {  	_ =	shalt  }

</sc_bundles>
